<compile_context>
chip_gen: v7x
topology: tpu7x:2x2x1
jax: 0.10.2.dev20260603
libtpu: 0.0.44.dev20260713+nightly
codegen_flags: <defaults>
</compile_context>

<pallas_src>
import functools

import jax
import jax.numpy as jnp
from jax import lax
from jax.experimental import pallas as pl
from jax.experimental.pallas import tpu as pltpu
from jax.experimental.pallas import tpu_sc as plsc

K_NN = 32
Q = 1024
D_FEAT = 128
N_TRAIN = 100000
BKT = 128
NBK = 784
N_PAD = NBK * BKT
KT = 49
TW = 2048
BPT = TW // BKT
QT = 256

FBW = 32
FPB = BKT // FBW
NFB = N_PAD // FBW

NW = 32
QPW = Q // NW
CAP = 64
NCAND = CAP * FBW
TOPBIT = 0x80000000
PAD_FBK = NFB - 1



def _dist_kernel(a_ref, b_ref, a2_ref, b2_ref, d_ref, m_ref):
    prod = lax.dot_general(a_ref[...], b_ref[...], (((1,), (1,)), ((), ())),
                           preferred_element_type=jnp.float32)
    d = a2_ref[...] + b2_ref[...] - 2.0 * prod
    for ch in range(BPT):
        piece = d[:, ch * BKT:(ch + 1) * BKT]
        d_ref[:, ch] = piece.reshape(QT // 8, 8, BKT)
        for s in range(FPB):
            m_ref[0, :, ch * FPB + s:ch * FPB + s + 1] = jnp.min(
                piece[:, s * FBW:(s + 1) * FBW], axis=1, keepdims=True)


def _distances(a, b_pad, a2, b2_pad):
    return pl.pallas_call(
        _dist_kernel,
        grid=(Q // QT, KT),
        in_specs=[
            pl.BlockSpec((QT, D_FEAT), lambda qi, ki: (qi, 0)),
            pl.BlockSpec((TW, D_FEAT), lambda qi, ki: (ki, 0)),
            pl.BlockSpec((QT, 1), lambda qi, ki: (qi, 0)),
            pl.BlockSpec((1, TW), lambda qi, ki: (0, ki)),
        ],
        out_specs=[
            pl.BlockSpec((QT // 8, BPT, 8, BKT), lambda qi, ki: (qi, ki, 0, 0)),
            pl.BlockSpec((1, QT, BPT * FPB), lambda qi, ki: (ki, qi, 0)),
        ],
        out_shape=[
            jax.ShapeDtypeStruct((Q // 8, NBK, 8, BKT), jnp.float32),
            jax.ShapeDtypeStruct((KT, Q, BPT * FPB), jnp.float32),
        ],
    )(a, b_pad, a2, b2_pad)



def _monotone_u32(v):
    b = plsc.bitcast(v, jnp.uint32)
    neg = b >= jnp.uint32(TOPBIT)
    return jnp.where(neg, ~b, b | jnp.uint32(TOPBIT))


def _iota16():
    return lax.iota(jnp.int32, 16)


def _radix_pass(u_ref, nchunks, s, lo, k, hist_ref, cum_ref):
    su = s.astype(jnp.uint32)

    def _zero(i, _):
        hist_ref[pl.ds(i * 16, 16)] = jnp.zeros((16,), jnp.int32)
        return 0
    lax.fori_loop(0, 16, _zero, 0)

    ones = jnp.ones((16,), jnp.int32)

    def _scan(c, _):
        u = u_ref[pl.ds(c * 16, 16)]
        d = u - lo
        binv = d >> su
        inr = (u >= lo) & (binv < jnp.uint32(256))
        binc = jnp.minimum(binv, jnp.uint32(255)).astype(jnp.int32)
        plsc.addupdate_scatter(hist_ref, [binc], ones, mask=inr)
        return 0
    lax.fori_loop(0, nchunks, _scan, 0)

    def _cum(c, carry):
        cc = plsc.cumsum(hist_ref[pl.ds(c * 16, 16)]) + carry
        cum_ref[pl.ds(c * 16, 16)] = cc
        return jnp.max(cc)
    lax.fori_loop(0, 16, _cum, jnp.int32(0))

    def _bs(i, st):
        lo_b, hi_b = st
        mid = (lo_b + hi_b) // 2
        c = cum_ref[pl.ds(mid, 16)][0]
        return jnp.where(c >= k, lo_b, mid + 1), jnp.where(c >= k, mid, hi_b)
    lo_b, _ = lax.fori_loop(0, 8, _bs, (jnp.int32(0), jnp.int32(255)))
    n_below = jnp.where(
        lo_b > 0, cum_ref[pl.ds(jnp.maximum(lo_b - 1, 0), 16)][0], 0)
    n_thru = cum_ref[pl.ds(lo_b, 16)][0]
    return lo_b, n_below, n_thru


def _start_shift(u_min, u_max):
    s = jnp.int32(24)
    s = jnp.where((u_min >> 24) == (u_max >> 24), jnp.int32(16), s)
    s = jnp.where((u_min >> 16) == (u_max >> 16), jnp.int32(8), s)
    s = jnp.where((u_min >> 8) == (u_max >> 8), jnp.int32(0), s)
    base_bits = jnp.where(s >= 24, jnp.uint32(0),
                          (u_min >> (s.astype(jnp.uint32) + 8))
                          << (s.astype(jnp.uint32) + 8))
    return s, base_bits


def _sc_body(m_hbm, d_hbm, y_hbm, out_hbm,
             m_u, ucand, colmat, vals, hist, cum,
             idbuf, ridx, colbuf, eqbuf, m_row, ybuf, outbuf, sem):
    wid = lax.axis_index("s") * 2 + lax.axis_index("c")
    iota = _iota16()

    def _one_query(qi, _):
        q = wid * QPW + qi
        qh = q // 8
        ql = q % 8
        pltpu.sync_copy(m_hbm.at[q], m_row)

        def _cvt(c, mm):
            vmin, vmax = mm
            u = _monotone_u32(m_row[pl.ds(c * 16, 16)])
            m_u[pl.ds(c * 16, 16)] = u
            return jnp.minimum(vmin, u), jnp.maximum(vmax, u)
        vmin, vmax = lax.fori_loop(
            0, NFB // 16, _cvt,
            (jnp.full((16,), 0xFFFFFFFF, jnp.uint32),
             jnp.zeros((16,), jnp.uint32)))
        u_lo = jnp.min(vmin)
        u_hi = jnp.max(vmax)

        s0, lo0 = _start_shift(u_lo, u_hi)

        def _cond2(st):
            s, lo, nglb, u2, done = st
            return ~done

        def _step2(st):
            s, lo, nglb, u2, done = st
            b, nb, nt = _radix_pass(m_u, NFB // 16, s, lo, K_NN - nglb,
                                    hist, cum)
            su = s.astype(jnp.uint32)
            lo_new = lo + (b.astype(jnp.uint32) << su)
            cnt_le = nglb + nt
            ok = (cnt_le <= CAP) | (s == 0)
            u2_new = lo_new + (jnp.uint32(1) << su)
            return (s - 8, lo_new, nglb + nb,
                    jnp.where(ok, u2_new, u2), done | ok)

        _, _, _, U2, _ = lax.while_loop(
            _cond2, _step2,
            (s0, lo0, jnp.int32(0), jnp.uint32(0), jnp.bool_(False)))

        def _coll(c, cnt):
            u = m_u[pl.ds(c * 16, 16)]
            msk = u < U2
            n = jnp.sum(msk.astype(jnp.int32))

            @pl.when((n > 0) & (cnt < CAP))
            def _():
                plsc.store_compressed(idbuf.at[pl.ds(cnt, 16)],
                                      c * 16 + iota, mask=msk)
            return jnp.minimum(cnt + n, jnp.int32(CAP))
        ncoll = lax.fori_loop(0, NFB // 16, _coll, jnp.int32(0))

        def _mkidx(c, _):
            ids = idbuf[pl.ds(c * 16, 16)]
            valid = (c * 16 + iota) < ncoll
            bid = jnp.where(valid, jnp.clip(ids, 0, NFB - 1), PAD_FBK)
            ridx[pl.ds(c * 16, 16)] = (qh * NBK + (bid >> 2)) * 8 + ql
            return 0
        lax.fori_loop(0, CAP // 16, _mkidx, 0)
        pltpu.async_copy(d_hbm.at[ridx.at[...]], vals, sem)

        def _mkcol(j, _):
            base = idbuf[pl.ds(j, 16)][0] * FBW
            for sub in range(FBW // 16):
                colmat[pl.ds(j * FBW + sub * 16, 16)] = base + sub * 16 + iota
            return 0
        lax.fori_loop(0, ncoll, _mkcol, 0)

        pltpu.make_async_copy(d_hbm.at[ridx.at[...]], vals, sem).wait()

        nchunk = ncoll * (FBW // 16)

        def _cvt2(j, _):
            off = (idbuf[pl.ds(j, 16)][0] & 3) * FBW
            for sub in range(FBW // 16):
                ucand[pl.ds(j * FBW + sub * 16, 16)] = _monotone_u32(
                    vals[j, pl.ds(off + sub * 16, 16)])
            return 0
        lax.fori_loop(0, ncoll, _cvt2, 0)

        s0b, lo0b = _start_shift(u_lo, U2 - 1)

        def _cond5(st):
            s, lo, nglb, nlt, ndone = st
            return s >= 0

        def _step5(st):
            s, lo, nglb, nlt, _ = st
            b, nb, nt = _radix_pass(ucand, nchunk, s, lo, K_NN - nglb,
                                    hist, cum)
            su = s.astype(jnp.uint32)
            lo_new = lo + (b.astype(jnp.uint32) << su)
            return (s - 8, lo_new, nglb + nb, nglb + nb, 0)

        _, Ustar, _, n_lt, _ = lax.while_loop(
            _cond5, _step5,
            (s0b, lo0b, jnp.int32(0), jnp.int32(0), 0))

        maxi = jnp.full((16,), 0x7FFFFFFF, jnp.int32)
        for c in range(3):
            eqbuf[pl.ds(c * 16, 16)] = maxi

        def _coll5(c, st):
            clt, ceq = st
            u = ucand[pl.ds(c * 16, 16)]
            cols = colmat[pl.ds(c * 16, 16)]
            mlt = u < Ustar
            meq = u == Ustar
            nlt = jnp.sum(mlt.astype(jnp.int32))
            neq = jnp.sum(meq.astype(jnp.int32))

            @pl.when(nlt > 0)
            def _():
                plsc.store_compressed(colbuf.at[pl.ds(clt, 16)], cols,
                                      mask=mlt)

            @pl.when((neq > 0) & (ceq < 32))
            def _():
                plsc.store_compressed(eqbuf.at[pl.ds(ceq, 16)], cols,
                                      mask=meq)
            return clt + nlt, jnp.minimum(ceq + neq, jnp.int32(32))
        _, _ = lax.fori_loop(0, nchunk, _coll5,
                             (jnp.int32(0), jnp.int32(0)))

        needed = K_NN - n_lt
        e0 = lax.sort(eqbuf[pl.ds(0, 16)])
        e1 = lax.sort(eqbuf[pl.ds(16, 16)])
        r1 = lax.rev(e1, (0,))
        lo16 = lax.sort(jnp.minimum(e0, r1))
        hi16 = lax.sort(jnp.maximum(e0, r1))

        @pl.when(needed > 0)
        def _():
            m0 = iota < needed
            plsc.store_compressed(colbuf.at[pl.ds(n_lt, 16)], lo16, mask=m0)

        @pl.when(needed > 16)
        def _():
            m1 = iota < (needed - 16)
            plsc.store_compressed(colbuf.at[pl.ds(n_lt + 16, 16)], hi16,
                                  mask=m1)

        pltpu.async_copy(y_hbm.at[colbuf.at[pl.ds(0, K_NN)]], ybuf,
                         sem).wait()
        tot = jnp.sum(ybuf[pl.ds(0, 16)]) + jnp.sum(ybuf[pl.ds(16, 16)])
        mean = jnp.full((16,), tot * (1.0 / K_NN), jnp.float32)
        plsc.store_scatter(outbuf, [jnp.full((16,), qi, jnp.int32)], mean,
                           mask=iota == 0)
        return 0

    lax.fori_loop(0, QPW, _one_query, 0)
    pltpu.sync_copy(outbuf, out_hbm.at[pl.ds(wid * QPW, QPW)])


def _sc_select(m, d2, y):
    mesh = plsc.VectorSubcoreMesh(core_axis_name="c", subcore_axis_name="s",
                                  num_cores=2, num_subcores=16)
    fn = pl.kernel(
        _sc_body,
        out_type=jax.ShapeDtypeStruct((Q,), jnp.float32),
        mesh=mesh,
        compiler_params=pltpu.CompilerParams(needs_layout_passes=False),
        scratch_types=[
            pltpu.VMEM((NFB,), jnp.uint32),
            pltpu.VMEM((NCAND,), jnp.uint32),
            pltpu.VMEM((NCAND,), jnp.int32),
            pltpu.VMEM((CAP, BKT), jnp.float32),
            pltpu.VMEM((272,), jnp.int32),
            pltpu.VMEM((272,), jnp.int32),
            pltpu.VMEM((96,), jnp.int32),
            pltpu.VMEM((CAP,), jnp.int32),
            pltpu.VMEM((48,), jnp.int32),
            pltpu.VMEM((48,), jnp.int32),
            pltpu.VMEM((NFB,), jnp.float32),
            pltpu.VMEM((K_NN,), jnp.float32),
            pltpu.VMEM((QPW,), jnp.float32),
            pltpu.SemaphoreType.DMA,
        ],
    )
    return fn(m, d2, y)


def kernel(inputs, X_train, y_train):
    a = inputs.astype(jnp.float32)
    b = X_train.astype(jnp.float32)
    y = y_train.astype(jnp.float32)

    a2 = jnp.sum(a * a, axis=1, keepdims=True)
    b2 = jnp.sum(b * b, axis=1)
    b_pad = jnp.pad(b, ((0, N_PAD - N_TRAIN), (0, 0)))
    b2_pad = jnp.pad(b2, (0, N_PAD - N_TRAIN),
                     constant_values=jnp.float32(1e30))[None, :]

    d4, m3 = _distances(a, b_pad, a2, b2_pad)
    d2 = d4.reshape((Q // 8) * NBK * 8, BKT)
    m = m3.transpose(1, 0, 2).reshape(Q, NFB)
    return _sc_select(m, d2, y)

# --- scband reference (transcript-rebuilt; emitter-appended) ---
"""Pipeline reference for scband-knnregressor-89137751261339 (READ-ONLY COPY).

The authoritative reference and input builder live on the scoring server;
editing this copy changes nothing except your own understanding.
"""

import jax, jax.numpy as jnp
import numpy as np

K_NEIGHBORS = 32

def setup_inputs(seed: int = 0) -> dict:
    key = jax.random.key(seed)
    k1, k2, k3 = jax.random.split(key, 3)
    inputs = jax.random.normal(k1, (1024, 128), dtype=jnp.float32)
    X_train = jax.random.normal(k2, (100000, 128), dtype=jnp.float32)
    y_train = jax.random.normal(k3, (100000,), dtype=jnp.float32)
    return {"inputs": inputs, "X_train": X_train, "y_train": y_train}

def reference(inputs, X_train, y_train):
    # Pairwise squared Euclidean distances.
    # Mathematically identical to sum((a[:,None,:]-b[None,:,:])**2, axis=2),
    # expanded as ||a||^2 + ||b||^2 - 2 a.b to avoid materializing [Q,K,d].
    a = inputs.astype(jnp.float32)
    b = X_train.astype(jnp.float32)
    a2 = jnp.sum(a * a, axis=1, keepdims=True)          # [Q, 1]
    b2 = jnp.sum(b * b, axis=1)[None, :]                # [1, K]
    distances = a2 + b2 - 2.0 * (a @ b.T)               # [Q, K]
    _, indices = jax.lax.top_k(-distances, K_NEIGHBORS)  # [Q, k]
    nearest_neighbors = jnp.take(y_train.astype(jnp.float32), indices, axis=0)  # [Q, k]
    output = jnp.mean(nearest_neighbors, axis=1)         # [Q]
    return output

if __name__ == "__main__":
    import jax
    _d = setup_inputs()
    print(jax.jit(kernel)(*tuple(_d.values())))

</pallas_src>

<mosaic_0001>
#map = affine_map<(d0, d1) -> (0, 0)>
#map1 = affine_map<(d0, d1) -> (0)>
module attributes {stable_mosaic.version = 14 : i64} {
  func.func @_sc_body(%arg0: i32, %arg1: i32, %arg2: memref<1024x3136xf32, #tpu.memory_space<hbm>>, %arg3: memref<802816x128xf32, #tpu.memory_space<hbm>>, %arg4: memref<100000xf32, #tpu.memory_space<hbm>>, %arg5: memref<1024xf32, #tpu.memory_space<hbm>>, %arg6: memref<3136xi32, #tpu.memory_space<vmem>>, %arg7: memref<2048xi32, #tpu.memory_space<vmem>>, %arg8: memref<2048xi32, #tpu.memory_space<vmem>>, %arg9: memref<64x128xf32, #tpu.memory_space<vmem>>, %arg10: memref<272xi32, #tpu.memory_space<vmem>>, %arg11: memref<272xi32, #tpu.memory_space<vmem>>, %arg12: memref<96xi32, #tpu.memory_space<vmem>>, %arg13: memref<64xi32, #tpu.memory_space<vmem>>, %arg14: memref<48xi32, #tpu.memory_space<vmem>>, %arg15: memref<48xi32, #tpu.memory_space<vmem>>, %arg16: memref<3136xf32, #tpu.memory_space<vmem>>, %arg17: memref<32xf32, #tpu.memory_space<vmem>>, %arg18: memref<32xf32, #tpu.memory_space<vmem>>, %arg19: memref<!tpu.dma_semaphore, #tpu.memory_space<semaphore_mem>>) attributes {dimension_semantics = [#tpu.dimension_semantics<core_parallel>, #tpu.dimension_semantics<subcore_parallel>], iteration_bounds = array<i64: 2, 16>, scalar_prefetch = 0 : i64, scratch_operands = 14 : i64, tpu.core_type = #tpu.core_type<sc_vector_subcore>, window_params = [{transform_indices = #map}, {transform_indices = #map}, {transform_indices = #map1}, {transform_indices = #map1}]} {
    %mul3A = arith.constant 2 : i32
    %mul3A_0 = arith.muli %arg1, %mul3A : i32
    %add3A = arith.addi %mul3A_0, %arg0 : i32
    %iota3A = tpu.iota {dimensions = array<i32: 0>} : vector<16xi32>
    %scan3A = arith.constant 0 : i32
    %scan3A_1 = arith.constant 0 : i32
    %scan3A_2 = arith.constant 32 : i32
    %scan3A_3 = arith.addi %scan3A_1, %scan3A_2 : i32
    %scan3A_4 = arith.constant 1 : i32
    %scan3A_5 = scf.for %scan3A_9 = %scan3A_1 to %scan3A_3 step %scan3A_4 iter_args(%scan3A_10 = %scan3A) -> (i32)  : i32 {
      %mul3A_11 = arith.constant 32 : i32
      %mul3A_12 = arith.muli %add3A, %mul3A_11 : i32
      %add3A_13 = arith.addi %mul3A_12, %scan3A_9 : i32
      %jit3A = arith.constant 8 : i32
      %div3A = arith.divsi %add3A_13, %jit3A : i32
      %sign3A = arith.constant 0 : i32
      %sign3A_14 = arith.cmpi sgt, %add3A_13, %sign3A : i32
      %sign3A_15 = arith.extui %sign3A_14 : i1 to i32
      %sign3A_16 = arith.constant 0 : i32
      %sign3A_17 = arith.cmpi slt, %add3A_13, %sign3A_16 : i32
      %sign3A_18 = arith.extui %sign3A_17 : i1 to i32
      %sign3A_19 = arith.subi %sign3A_15, %sign3A_18 : i32
      %sign3A_20 = arith.constant 0 : i32
      %sign3A_21 = arith.cmpi sgt, %jit3A, %sign3A_20 : i32
      %sign3A_22 = arith.extui %sign3A_21 : i1 to i32
      %sign3A_23 = arith.constant 0 : i32
      %sign3A_24 = arith.cmpi slt, %jit3A, %sign3A_23 : i32
      %sign3A_25 = arith.extui %sign3A_24 : i1 to i32
      %sign3A_26 = arith.subi %sign3A_22, %sign3A_25 : i32
      %ne3A = arith.cmpi ne, %sign3A_19, %sign3A_26 : i32
      %rem3A = arith.remsi %add3A_13, %jit3A : i32
      %ne3A_27 = arith.constant 0 : i32
      %ne3A_28 = arith.cmpi ne, %rem3A, %ne3A_27 : i32
      %and3A = arith.andi %ne3A, %ne3A_28 : i1
      %sub3A = arith.constant 1 : i32
      %sub3A_29 = arith.subi %div3A, %sub3A : i32
      %select_n3A = arith.select %and3A, %sub3A_29, %div3A : i32
      %jit3A_30 = arith.constant 8 : i32
      %eq3A = arith.constant 0 : i32
      %eq3A_31 = arith.cmpi eq, %jit3A_30, %eq3A : i32
      %jit3A_32 = arith.constant 1 : i32
      %select_n3A_33 = arith.select %eq3A_31, %jit3A_32, %jit3A_30 : i32
      %rem3A_34 = arith.remsi %add3A_13, %select_n3A_33 : i32
      %ne3A_35 = arith.constant 0 : i32
      %ne3A_36 = arith.cmpi ne, %rem3A_34, %ne3A_35 : i32
      %lt3A = arith.constant 0 : i32
      %lt3A_37 = arith.cmpi slt, %rem3A_34, %lt3A : i32
      %lt3A_38 = arith.constant 0 : i32
      %lt3A_39 = arith.cmpi slt, %select_n3A_33, %lt3A_38 : i32
      %ne3A_40 = arith.xori %lt3A_37, %lt3A_39 : i1
      %and3A_41 = arith.andi %ne3A_40, %ne3A_36 : i1
      %add3A_42 = arith.addi %rem3A_34, %select_n3A_33 : i32
      %select_n3A_43 = arith.select %and3A_41, %add3A_42, %rem3A_34 : i32
      "tpu.region"() ({
        %run_scoped3A = tpu.sem_alloc : memref<!tpu.dma_semaphore, #tpu.memory_space<semaphore_mem>>
        %dma_start3A_256 = arith.constant 0 : i32
        %dma_start3A_257 = tpu.memref_slice %arg2[%add3A_13, %dma_start3A_256] : memref<1024x3136xf32, #tpu.memory_space<hbm>> -> memref<1x3136xf32, #tpu.memory_space<hbm>>
        %dma_start3A_258 = tpu.memref_squeeze %dma_start3A_257 : memref<1x3136xf32, #tpu.memory_space<hbm>> -> memref<3136xf32, #tpu.memory_space<hbm>>
        %dma_start3A_259 = arith.constant 0 : i32
        %dma_start3A_260 = tpu.memref_slice %arg2[%add3A_13, %dma_start3A_259] : memref<1024x3136xf32, #tpu.memory_space<hbm>> -> memref<1x3136xf32, #tpu.memory_space<hbm>>
        %dma_start3A_261 = tpu.memref_squeeze %dma_start3A_260 : memref<1x3136xf32, #tpu.memory_space<hbm>> -> memref<3136xf32, #tpu.memory_space<hbm>>
        tpu.enqueue_dma source(%dma_start3A_261 : memref<3136xf32, #tpu.memory_space<hbm>>) target(%arg16 : memref<3136xf32, #tpu.memory_space<vmem>>) target_semaphore(%run_scoped3A : memref<!tpu.dma_semaphore, #tpu.memory_space<semaphore_mem>>)
        %dma_wait3A_262 = arith.constant 0 : i32
        %dma_wait3A_263 = tpu.memref_slice %arg2[%add3A_13, %dma_wait3A_262] : memref<1024x3136xf32, #tpu.memory_space<hbm>> -> memref<1x3136xf32, #tpu.memory_space<hbm>>
        %dma_wait3A_264 = tpu.memref_squeeze %dma_wait3A_263 : memref<1x3136xf32, #tpu.memory_space<hbm>> -> memref<3136xf32, #tpu.memory_space<hbm>>
        %dma_wait3A_265 = arith.constant 0 : i32
        %dma_wait3A_266 = tpu.memref_slice %arg2[%add3A_13, %dma_wait3A_265] : memref<1024x3136xf32, #tpu.memory_space<hbm>> -> memref<1x3136xf32, #tpu.memory_space<hbm>>
        %dma_wait3A_267 = tpu.memref_squeeze %dma_wait3A_266 : memref<1x3136xf32, #tpu.memory_space<hbm>> -> memref<3136xf32, #tpu.memory_space<hbm>>
        tpu.wait_dma2 semaphore(%run_scoped3A : memref<!tpu.dma_semaphore, #tpu.memory_space<semaphore_mem>>) src(%dma_wait3A_267 : memref<3136xf32, #tpu.memory_space<hbm>>) dst(%arg16 : memref<3136xf32, #tpu.memory_space<vmem>>)
        tpu.yield
      }) : () -> ()
      %broadcast_in_dim3A = arith.constant -1 : i32
      %broadcast_in_dim3A_44 = vector.broadcast %broadcast_in_dim3A : i32 to vector<16xi32>
      %broadcast_in_dim3A_45 = arith.constant 0 : i32
      %broadcast_in_dim3A_46 = vector.broadcast %broadcast_in_dim3A_45 : i32 to vector<16xi32>
      %scan3A_47 = arith.constant 0 : i32
      %scan3A_48 = arith.constant 196 : i32
      %scan3A_49 = arith.addi %scan3A_47, %scan3A_48 : i32
      %scan3A_50 = arith.constant 1 : i32
      %scan3A_51:2 = scf.for %scan3A_256 = %scan3A_47 to %scan3A_49 step %scan3A_50 iter_args(%scan3A_257 = %broadcast_in_dim3A_44, %scan3A_258 = %broadcast_in_dim3A_46) -> (vector<16xi32>, vector<16xi32>)  : i32 {
        %mul3A_259 = arith.constant 16 : i32
        %mul3A_260 = arith.muli %scan3A_256, %mul3A_259 : i32
        %get3A_261 = arith.index_cast %mul3A_260 : i32 to index
        %get3A_262 = tpu.vector_load %arg16[%get3A_261] {strides = array<i32>} : memref<3136xf32, #tpu.memory_space<vmem>>, vector<16xf32>,
        %bitcast3A = vector.bitcast %get3A_262 : vector<16xf32> to vector<16xi32>
        %ge3A_263 = arith.constant -2147483648 : i32
        %ge3A_264 = vector.broadcast %ge3A_263 : i32 to vector<16xi32>
        %ge3A_265 = arith.cmpi uge, %bitcast3A, %ge3A_264 : vector<16xi32>
        %not3A = arith.constant dense<-1> : vector<16xi32>
        %not3A_266 = arith.xori %bitcast3A, %not3A : vector<16xi32>
        %or3A = arith.constant -2147483648 : i32
        %or3A_267 = vector.broadcast %or3A : i32 to vector<16xi32>
        %or3A_268 = arith.ori %bitcast3A, %or3A_267 : vector<16xi32>
        %select_n3A_269 = arith.select %ge3A_265, %not3A_266, %or3A_268 : vector<16xi1>, vector<16xi32>
        %mul3A_270 = arith.constant 16 : i32
        %mul3A_271 = arith.muli %scan3A_256, %mul3A_270 : i32
        %swap3A_272 = arith.index_cast %mul3A_271 : i32 to index
        %swap3A_273 = tpu.vector_load %arg6[%swap3A_272] {strides = array<i32>} : memref<3136xi32, #tpu.memory_space<vmem>>, vector<16xi32>,
        tpu.vector_store %arg6[%swap3A_272], %select_n3A_269 {strides = array<i32>} : memref<3136xi32, #tpu.memory_space<vmem>>, vector<16xi32>,
        %min3A_274 = arith.minui %scan3A_257, %select_n3A_269 : vector<16xi32>
        %max3A_275 = arith.maxui %scan3A_258, %select_n3A_269 : vector<16xi32>
        scf.yield %min3A_274, %max3A_275 : vector<16xi32>, vector<16xi32>
      }
      %scan3A_52 = arith.constant 196 : i32
      %reduce_min3A = arith.constant true
      %reduce_min3A_53 = vector.broadcast %reduce_min3A : i1 to vector<16xi1>
      %reduce_min3A_54 = tpu.scan <min>, %scan3A_51#0 masked %reduce_min3A_53 : vector<16xi32>, vector<16xi1> -> vector<16xi32>
      %reduce_min3A_55 = vector.extract %reduce_min3A_54[15] : i32 from vector<16xi32>
      %reduce_max3A = arith.constant true
      %reduce_max3A_56 = vector.broadcast %reduce_max3A : i1 to vector<16xi1>
      %reduce_max3A_57 = tpu.scan <max>, %scan3A_51#1 masked %reduce_max3A_56 : vector<16xi32>, vector<16xi1> -> vector<16xi32>
      %reduce_max3A_58 = vector.extract %reduce_max3A_57[15] : i32 from vector<16xi32>
      %shift_right_logical3A = arith.constant 24 : i32
      %shift_right_logical3A_59 = arith.shrui %reduce_min3A_55, %shift_right_logical3A : i32
      %shift_right_logical3A_60 = arith.constant 24 : i32
      %shift_right_logical3A_61 = arith.shrui %reduce_max3A_58, %shift_right_logical3A_60 : i32
      %eq3A_62 = arith.cmpi eq, %shift_right_logical3A_59, %shift_right_logical3A_61 : i32
      %jit3A_63 = arith.constant 16 : i32
      %jit3A_64 = arith.constant 24 : i32
      %select_n3A_65 = arith.select %eq3A_62, %jit3A_63, %jit3A_64 : i32
      %shift_right_logical3A_66 = arith.constant 16 : i32
      %shift_right_logical3A_67 = arith.shrui %reduce_min3A_55, %shift_right_logical3A_66 : i32
      %shift_right_logical3A_68 = arith.constant 16 : i32
      %shift_right_logical3A_69 = arith.shrui %reduce_max3A_58, %shift_right_logical3A_68 : i32
      %eq3A_70 = arith.cmpi eq, %shift_right_logical3A_67, %shift_right_logical3A_69 : i32
      %jit3A_71 = arith.constant 8 : i32
      %select_n3A_72 = arith.select %eq3A_70, %jit3A_71, %select_n3A_65 : i32
      %shift_right_logical3A_73 = arith.constant 8 : i32
      %shift_right_logical3A_74 = arith.shrui %reduce_min3A_55, %shift_right_logical3A_73 : i32
      %shift_right_logical3A_75 = arith.constant 8 : i32
      %shift_right_logical3A_76 = arith.shrui %reduce_max3A_58, %shift_right_logical3A_75 : i32
      %eq3A_77 = arith.cmpi eq, %shift_right_logical3A_74, %shift_right_logical3A_76 : i32
      %jit3A_78 = arith.constant 0 : i32
      %select_n3A_79 = arith.select %eq3A_77, %jit3A_78, %select_n3A_72 : i32
      %ge3A = arith.constant 24 : i32
      %ge3A_80 = arith.cmpi sge, %select_n3A_79, %ge3A : i32
      %add3A_81 = arith.constant 8 : i32
      %add3A_82 = arith.addi %select_n3A_79, %add3A_81 : i32
      %shift_right_logical3A_83 = arith.shrui %reduce_min3A_55, %add3A_82 : i32
      %add3A_84 = arith.constant 8 : i32
      %add3A_85 = arith.addi %select_n3A_79, %add3A_84 : i32
      %shift_left3A = arith.shli %shift_right_logical3A_83, %add3A_85 : i32
      %jit3A_86 = arith.constant 0 : i32
      %select_n3A_87 = arith.select %ge3A_80, %jit3A_86, %shift_left3A : i32
      %while3A = arith.constant 0 : i32
      %while3A_88 = arith.constant 0 : i32
      %while3A_89 = arith.constant false
      %while3A_90:5 = scf.while (%while3A_256 = %select_n3A_79, %while3A_257 = %select_n3A_87, %while3A_258 = %while3A, %while3A_259 = %while3A_88, %while3A_260 = %while3A_89) : (i32, i32, i32, i32, i1) -> (i32, i32, i32, i32, i1) {
        %not3A = arith.constant true
        %not3A_261 = arith.xori %while3A_260, %not3A : i1
        scf.condition(%not3A_261) %while3A_256, %while3A_257, %while3A_258, %while3A_259, %while3A_260 : i32, i32, i32, i32, i1
      } do {
      ^bb0(%while3A_256: i32, %while3A_257: i32, %while3A_258: i32, %while3A_259: i32, %while3A_260: i1):
        %sub3A_261 = arith.constant 32 : i32
        %sub3A_262 = arith.subi %sub3A_261, %while3A_258 : i32
        %scan3A_263 = arith.constant 0 : i32
        %scan3A_264 = arith.constant 0 : i32
        %scan3A_265 = arith.constant 16 : i32
        %scan3A_266 = arith.addi %scan3A_264, %scan3A_265 : i32
        %scan3A_267 = arith.constant 1 : i32
        %scan3A_268 = scf.for %scan3A_322 = %scan3A_264 to %scan3A_266 step %scan3A_267 iter_args(%scan3A_323 = %scan3A_263) -> (i32)  : i32 {
          %broadcast_in_dim3A_324 = arith.constant 0 : i32
          %broadcast_in_dim3A_325 = vector.broadcast %broadcast_in_dim3A_324 : i32 to vector<16xi32>
          %mul3A_326 = arith.constant 16 : i32
          %mul3A_327 = arith.muli %scan3A_322, %mul3A_326 : i32
          %swap3A_328 = arith.index_cast %mul3A_327 : i32 to index
          %swap3A_329 = tpu.vector_load %arg10[%swap3A_328] {strides = array<i32>} : memref<272xi32, #tpu.memory_space<vmem>>, vector<16xi32>,
          tpu.vector_store %arg10[%swap3A_328], %broadcast_in_dim3A_325 {strides = array<i32>} : memref<272xi32, #tpu.memory_space<vmem>>, vector<16xi32>,
          %scan3A_330 = arith.constant 0 : i32
          scf.yield %scan3A_330 : i32
        }
        %scan3A_269 = arith.constant 16 : i32
        %broadcast_in_dim3A_270 = arith.constant 1 : i32
        %broadcast_in_dim3A_271 = vector.broadcast %broadcast_in_dim3A_270 : i32 to vector<16xi32>
        %scan3A_272 = arith.constant 0 : i32
        %scan3A_273 = arith.constant 0 : i32
        %scan3A_274 = arith.constant 196 : i32
        %scan3A_275 = arith.addi %scan3A_273, %scan3A_274 : i32
        %scan3A_276 = arith.constant 1 : i32
        %scan3A_277 = scf.for %scan3A_322 = %scan3A_273 to %scan3A_275 step %scan3A_276 iter_args(%scan3A_323 = %scan3A_272) -> (i32)  : i32 {
          %mul3A_324 = arith.constant 16 : i32
          %mul3A_325 = arith.muli %scan3A_322, %mul3A_324 : i32
          %get3A_326 = arith.index_cast %mul3A_325 : i32 to index
          %get3A_327 = tpu.vector_load %arg6[%get3A_326] {strides = array<i32>} : memref<3136xi32, #tpu.memory_space<vmem>>, vector<16xi32>,
          %sub3A_328 = vector.broadcast %while3A_257 : i32 to vector<16xi32>
          %sub3A_329 = arith.subi %get3A_327, %sub3A_328 : vector<16xi32>
          %shift_right_logical3A_330 = vector.broadcast %while3A_256 : i32 to vector<16xi32>
          %shift_right_logical3A_331 = arith.shrui %sub3A_329, %shift_right_logical3A_330 : vector<16xi32>
          %ge3A_332 = vector.broadcast %while3A_257 : i32 to vector<16xi32>
          %ge3A_333 = arith.cmpi uge, %get3A_327, %ge3A_332 : vector<16xi32>
          %lt3A_334 = arith.constant 256 : i32
          %lt3A_335 = vector.broadcast %lt3A_334 : i32 to vector<16xi32>
          %lt3A_336 = arith.cmpi ult, %shift_right_logical3A_331, %lt3A_335 : vector<16xi32>
          %and3A_337 = arith.andi %ge3A_333, %lt3A_336 : vector<16xi1>
          %min3A_338 = arith.constant 255 : i32
          %min3A_339 = vector.broadcast %min3A_338 : i32 to vector<16xi32>
          %min3A_340 = arith.minui %shift_right_logical3A_331, %min3A_339 : vector<16xi32>
          tpu.vector_store_idx %arg10[%min3A_340], %broadcast_in_dim3A_271 masked %and3A_337 {add = true} : memref<272xi32, #tpu.memory_space<vmem>>[vector<16xi32>], vector<16xi32>, vector<16xi1>
          %scan3A_341 = arith.constant 0 : i32
          scf.yield %scan3A_341 : i32
        }
        %scan3A_278 = arith.constant 196 : i32
        %scan3A_279 = arith.constant 0 : i32
        %scan3A_280 = arith.constant 0 : i32
        %scan3A_281 = arith.constant 16 : i32
        %scan3A_282 = arith.addi %scan3A_280, %scan3A_281 : i32
        %scan3A_283 = arith.constant 1 : i32
        %scan3A_284 = scf.for %scan3A_322 = %scan3A_280 to %scan3A_282 step %scan3A_283 iter_args(%scan3A_323 = %scan3A_279) -> (i32)  : i32 {
          %mul3A_324 = arith.constant 16 : i32
          %mul3A_325 = arith.muli %scan3A_322, %mul3A_324 : i32
          %get3A_326 = arith.index_cast %mul3A_325 : i32 to index
          %get3A_327 = tpu.vector_load %arg10[%get3A_326] {strides = array<i32>} : memref<272xi32, #tpu.memory_space<vmem>>, vector<16xi32>,
          %broadcast_in_dim3A_328 = arith.constant true
          %broadcast_in_dim3A_329 = vector.broadcast %broadcast_in_dim3A_328 : i1 to vector<16xi1>
          %masked_cumsum3A = tpu.scan <sum>, %get3A_327 masked %broadcast_in_dim3A_329 : vector<16xi32>, vector<16xi1> -> vector<16xi32>
          %add3A_330 = vector.broadcast %scan3A_323 : i32 to vector<16xi32>
          %add3A_331 = arith.addi %masked_cumsum3A, %add3A_330 : vector<16xi32>
          %mul3A_332 = arith.constant 16 : i32
          %mul3A_333 = arith.muli %scan3A_322, %mul3A_332 : i32
          %swap3A_334 = arith.index_cast %mul3A_333 : i32 to index
          %swap3A_335 = tpu.vector_load %arg11[%swap3A_334] {strides = array<i32>} : memref<272xi32, #tpu.memory_space<vmem>>, vector<16xi32>,
          tpu.vector_store %arg11[%swap3A_334], %add3A_331 {strides = array<i32>} : memref<272xi32, #tpu.memory_space<vmem>>, vector<16xi32>,
          %reduce_max3A_336 = arith.constant true
          %reduce_max3A_337 = vector.broadcast %reduce_max3A_336 : i1 to vector<16xi1>
          %reduce_max3A_338 = arith.constant -2147483648 : i32
          %reduce_max3A_339 = vector.broadcast %reduce_max3A_338 : i32 to vector<16xi32>
          %reduce_max3A_340 = arith.xori %add3A_331, %reduce_max3A_339 : vector<16xi32>
          %reduce_max3A_341 = tpu.scan <max>, %reduce_max3A_340 masked %reduce_max3A_337 : vector<16xi32>, vector<16xi1> -> vector<16xi32>
          %reduce_max3A_342 = arith.xori %reduce_max3A_341, %reduce_max3A_339 : vector<16xi32>
          %reduce_max3A_343 = vector.extract %reduce_max3A_342[15] : i32 from vector<16xi32>
          scf.yield %reduce_max3A_343 : i32
        }
        %scan3A_285 = arith.constant 16 : i32
        %scan3A_286 = arith.constant 0 : i32
        %scan3A_287 = arith.constant 255 : i32
        %scan3A_288 = arith.constant 0 : i32
        %scan3A_289 = arith.constant 8 : i32
        %scan3A_290 = arith.addi %scan3A_288, %scan3A_289 : i32
        %scan3A_291 = arith.constant 1 : i32
        %scan3A_292:2 = scf.for %scan3A_322 = %scan3A_288 to %scan3A_290 step %scan3A_291 iter_args(%scan3A_323 = %scan3A_286, %scan3A_324 = %scan3A_287) -> (i32, i32)  : i32 {
          %add3A_325 = arith.addi %scan3A_323, %scan3A_324 : i32
          %jit3A_326 = arith.constant 2 : i32
          %div3A_327 = arith.divsi %add3A_325, %jit3A_326 : i32
          %sign3A_328 = arith.constant 0 : i32
          %sign3A_329 = arith.cmpi sgt, %add3A_325, %sign3A_328 : i32
          %sign3A_330 = arith.extui %sign3A_329 : i1 to i32
          %sign3A_331 = arith.constant 0 : i32
          %sign3A_332 = arith.cmpi slt, %add3A_325, %sign3A_331 : i32
          %sign3A_333 = arith.extui %sign3A_332 : i1 to i32
          %sign3A_334 = arith.subi %sign3A_330, %sign3A_333 : i32
          %sign3A_335 = arith.constant 0 : i32
          %sign3A_336 = arith.cmpi sgt, %jit3A_326, %sign3A_335 : i32
          %sign3A_337 = arith.extui %sign3A_336 : i1 to i32
          %sign3A_338 = arith.constant 0 : i32
          %sign3A_339 = arith.cmpi slt, %jit3A_326, %sign3A_338 : i32
          %sign3A_340 = arith.extui %sign3A_339 : i1 to i32
          %sign3A_341 = arith.subi %sign3A_337, %sign3A_340 : i32
          %ne3A_342 = arith.cmpi ne, %sign3A_334, %sign3A_341 : i32
          %rem3A_343 = arith.remsi %add3A_325, %jit3A_326 : i32
          %ne3A_344 = arith.constant 0 : i32
          %ne3A_345 = arith.cmpi ne, %rem3A_343, %ne3A_344 : i32
          %and3A_346 = arith.andi %ne3A_342, %ne3A_345 : i1
          %sub3A_347 = arith.constant 1 : i32
          %sub3A_348 = arith.subi %div3A_327, %sub3A_347 : i32
          %select_n3A_349 = arith.select %and3A_346, %sub3A_348, %div3A_327 : i32
          %get3A_350 = arith.index_cast %select_n3A_349 : i32 to index
          %get3A_351 = tpu.vector_load %arg11[%get3A_350] {strides = array<i32>} : memref<272xi32, #tpu.memory_space<vmem>>, vector<16xi32>,
          %slice3A_352 = vector.extract_strided_slice %get3A_351 {offsets = [0], sizes = [1], strides = [1]} : vector<16xi32> to vector<1xi32>
          %squeeze3A_353 = vector.extract %slice3A_352[0] : i32 from vector<1xi32>
          %ge3A_354 = arith.cmpi sge, %squeeze3A_353, %sub3A_262 : i32
          %add3A_355 = arith.constant 1 : i32
          %add3A_356 = arith.addi %select_n3A_349, %add3A_355 : i32
          %select_n3A_357 = arith.select %ge3A_354, %scan3A_323, %add3A_356 : i32
          %ge3A_358 = arith.cmpi sge, %squeeze3A_353, %sub3A_262 : i32
          %select_n3A_359 = arith.select %ge3A_358, %select_n3A_349, %scan3A_324 : i32
          scf.yield %select_n3A_357, %select_n3A_359 : i32, i32
        }
        %scan3A_293 = arith.constant 8 : i32
        %gt3A_294 = arith.constant 0 : i32
        %gt3A_295 = arith.cmpi sgt, %scan3A_292#0, %gt3A_294 : i32
        %sub3A_296 = arith.constant 1 : i32
        %sub3A_297 = arith.subi %scan3A_292#0, %sub3A_296 : i32
        %max3A_298 = arith.constant 0 : i32
        %max3A_299 = arith.maxsi %sub3A_297, %max3A_298 : i32
        %get3A_300 = arith.index_cast %max3A_299 : i32 to index
        %get3A_301 = tpu.vector_load %arg11[%get3A_300] {strides = array<i32>} : memref<272xi32, #tpu.memory_space<vmem>>, vector<16xi32>,
        %slice3A = vector.extract_strided_slice %get3A_301 {offsets = [0], sizes = [1], strides = [1]} : vector<16xi32> to vector<1xi32>
        %squeeze3A = vector.extract %slice3A[0] : i32 from vector<1xi32>
        %jit3A_302 = arith.constant 0 : i32
        %select_n3A_303 = arith.select %gt3A_295, %squeeze3A, %jit3A_302 : i32
        %get3A_304 = arith.index_cast %scan3A_292#0 : i32 to index
        %get3A_305 = tpu.vector_load %arg11[%get3A_304] {strides = array<i32>} : memref<272xi32, #tpu.memory_space<vmem>>, vector<16xi32>,
        %slice3A_306 = vector.extract_strided_slice %get3A_305 {offsets = [0], sizes = [1], strides = [1]} : vector<16xi32> to vector<1xi32>
        %squeeze3A_307 = vector.extract %slice3A_306[0] : i32 from vector<1xi32>
        %shift_left3A_308 = arith.shli %scan3A_292#0, %while3A_256 : i32
        %add3A_309 = arith.addi %while3A_257, %shift_left3A_308 : i32
        %add3A_310 = arith.addi %while3A_258, %squeeze3A_307 : i32
        %le3A = arith.constant 64 : i32
        %le3A_311 = arith.cmpi sle, %add3A_310, %le3A : i32
        %eq3A_312 = arith.constant 0 : i32
        %eq3A_313 = arith.cmpi eq, %while3A_256, %eq3A_312 : i32
        %or3A = arith.ori %le3A_311, %eq3A_313 : i1
        %shift_left3A_314 = arith.constant 1 : i32
        %shift_left3A_315 = arith.shli %shift_left3A_314, %while3A_256 : i32
        %add3A_316 = arith.addi %add3A_309, %shift_left3A_315 : i32
        %sub3A_317 = arith.constant 8 : i32
        %sub3A_318 = arith.subi %while3A_256, %sub3A_317 : i32
        %add3A_319 = arith.addi %while3A_258, %select_n3A_303 : i32
        %select_n3A_320 = arith.select %or3A, %add3A_316, %while3A_259 : i32
        %or3A_321 = arith.ori %while3A_260, %or3A : i1
        scf.yield %sub3A_318, %add3A_309, %add3A_319, %select_n3A_320, %or3A_321 : i32, i32, i32, i32, i1
      }
      %scan3A_91 = arith.constant 0 : i32
      %scan3A_92 = arith.constant 0 : i32
      %scan3A_93 = arith.constant 196 : i32
      %scan3A_94 = arith.addi %scan3A_92, %scan3A_93 : i32
      %scan3A_95 = arith.constant 1 : i32
      %scan3A_96 = scf.for %scan3A_256 = %scan3A_92 to %scan3A_94 step %scan3A_95 iter_args(%scan3A_257 = %scan3A_91) -> (i32)  : i32 {
        %mul3A_258 = arith.constant 16 : i32
        %mul3A_259 = arith.muli %scan3A_256, %mul3A_258 : i32
        %get3A_260 = arith.index_cast %mul3A_259 : i32 to index
        %get3A_261 = tpu.vector_load %arg6[%get3A_260] {strides = array<i32>} : memref<3136xi32, #tpu.memory_space<vmem>>, vector<16xi32>,
        %lt3A_262 = vector.broadcast %while3A_90#3 : i32 to vector<16xi32>
        %lt3A_263 = arith.cmpi ult, %get3A_261, %lt3A_262 : vector<16xi32>
        %convert_element_type3A_264 = arith.extui %lt3A_263 : vector<16xi1> to vector<16xi32>
        %reduce_sum3A_265 = arith.constant true
        %reduce_sum3A_266 = vector.broadcast %reduce_sum3A_265 : i1 to vector<16xi1>
        %reduce_sum3A_267 = tpu.scan <sum>, %convert_element_type3A_264 masked %reduce_sum3A_266 : vector<16xi32>, vector<16xi1> -> vector<16xi32>
        %reduce_sum3A_268 = vector.extract %reduce_sum3A_267[15] : i32 from vector<16xi32>
        %gt3A_269 = arith.constant 0 : i32
        %gt3A_270 = arith.cmpi sgt, %reduce_sum3A_268, %gt3A_269 : i32
        %lt3A_271 = arith.constant 64 : i32
        %lt3A_272 = arith.cmpi slt, %scan3A_257, %lt3A_271 : i32
        %and3A_273 = arith.andi %gt3A_270, %lt3A_272 : i1
        %convert_element_type3A_274 = arith.extui %and3A_273 : i1 to i32
        %cond3A_275 = arith.constant 0 : i32
        %cond3A_276 = arith.cmpi ne, %convert_element_type3A_274, %cond3A_275 : i32
        scf.if %cond3A_276 {
          %mul3A_280 = arith.constant 16 : i32
          %mul3A_281 = arith.muli %scan3A_256, %mul3A_280 : i32
          %add3A_282 = vector.broadcast %mul3A_281 : i32 to vector<16xi32>
          %add3A_283 = arith.addi %add3A_282, %iota3A : vector<16xi32>
          %swap3A_284 = arith.index_cast %scan3A_257 : i32 to index
          %swap3A_285 = tpu.vector_load %arg12[%swap3A_284] masked %lt3A_263 {strides = array<i32>} : memref<96xi32, #tpu.memory_space<vmem>>, vector<16xi32>, vector<16xi1>
          tpu.vector_store %arg12[%swap3A_284], %add3A_283 masked %lt3A_263 {strides = array<i32>} : memref<96xi32, #tpu.memory_space<vmem>>, vector<16xi32>, vector<16xi1>
        } else {
        }
        %add3A_277 = arith.addi %scan3A_257, %reduce_sum3A_268 : i32
        %min3A_278 = arith.constant 64 : i32
        %min3A_279 = arith.minsi %add3A_277, %min3A_278 : i32
        scf.yield %min3A_279 : i32
      }
      %scan3A_97 = arith.constant 196 : i32
      %scan3A_98 = arith.constant 0 : i32
      %scan3A_99 = arith.constant 0 : i32
      %scan3A_100 = arith.constant 4 : i32
      %scan3A_101 = arith.addi %scan3A_99, %scan3A_100 : i32
      %scan3A_102 = arith.constant 1 : i32
      %scan3A_103 = scf.for %scan3A_256 = %scan3A_99 to %scan3A_101 step %scan3A_102 iter_args(%scan3A_257 = %scan3A_98) -> (i32)  : i32 {
        %mul3A_258 = arith.constant 16 : i32
        %mul3A_259 = arith.muli %scan3A_256, %mul3A_258 : i32
        %get3A_260 = arith.index_cast %mul3A_259 : i32 to index
        %get3A_261 = tpu.vector_load %arg12[%get3A_260] {strides = array<i32>} : memref<96xi32, #tpu.memory_space<vmem>>, vector<16xi32>,
        %mul3A_262 = arith.constant 16 : i32
        %mul3A_263 = arith.muli %scan3A_256, %mul3A_262 : i32
        %add3A_264 = vector.broadcast %mul3A_263 : i32 to vector<16xi32>
        %add3A_265 = arith.addi %add3A_264, %iota3A : vector<16xi32>
        %lt3A_266 = vector.broadcast %scan3A_96 : i32 to vector<16xi32>
        %lt3A_267 = arith.cmpi slt, %add3A_265, %lt3A_266 : vector<16xi32>
        %jit3A_268 = arith.constant 0 : i32
        %jit3A_269 = arith.constant 3135 : i32
        %max3A_270 = vector.broadcast %jit3A_268 : i32 to vector<16xi32>
        %max3A_271 = arith.maxsi %max3A_270, %get3A_261 : vector<16xi32>
        %min3A_272 = vector.broadcast %jit3A_269 : i32 to vector<16xi32>
        %min3A_273 = arith.minsi %min3A_272, %max3A_271 : vector<16xi32>
        %jit3A_274 = arith.constant 3135 : i32
        %broadcast_in_dim3A_275 = vector.broadcast %jit3A_274 : i32 to vector<16xi32>
        %select_n3A_276 = arith.select %lt3A_267, %min3A_273, %broadcast_in_dim3A_275 : vector<16xi1>, vector<16xi32>
        %mul3A_277 = arith.constant 784 : i32
        %mul3A_278 = arith.muli %select_n3A, %mul3A_277 : i32
        %shift_right_arithmetic3A = arith.constant 2 : i32
        %shift_right_arithmetic3A_279 = vector.broadcast %shift_right_arithmetic3A : i32 to vector<16xi32>
        %shift_right_arithmetic3A_280 = arith.shrsi %select_n3A_276, %shift_right_arithmetic3A_279 : vector<16xi32>
        %add3A_281 = vector.broadcast %mul3A_278 : i32 to vector<16xi32>
        %add3A_282 = arith.addi %add3A_281, %shift_right_arithmetic3A_280 : vector<16xi32>
        %mul3A_283 = arith.constant 8 : i32
        %mul3A_284 = vector.broadcast %mul3A_283 : i32 to vector<16xi32>
        %mul3A_285 = arith.muli %add3A_282, %mul3A_284 : vector<16xi32>
        %add3A_286 = vector.broadcast %select_n3A_43 : i32 to vector<16xi32>
        %add3A_287 = arith.addi %mul3A_285, %add3A_286 : vector<16xi32>
        %mul3A_288 = arith.constant 16 : i32
        %mul3A_289 = arith.muli %scan3A_256, %mul3A_288 : i32
        %swap3A_290 = arith.index_cast %mul3A_289 : i32 to index
        %swap3A_291 = tpu.vector_load %arg13[%swap3A_290] {strides = array<i32>} : memref<64xi32, #tpu.memory_space<vmem>>, vector<16xi32>,
        tpu.vector_store %arg13[%swap3A_290], %add3A_287 {strides = array<i32>} : memref<64xi32, #tpu.memory_space<vmem>>, vector<16xi32>,
        %scan3A_292 = arith.constant 0 : i32
        scf.yield %scan3A_292 : i32
      }
      %scan3A_104 = arith.constant 4 : i32
      %dma_start3A = arith.constant 0 : i32
      %dma_start3A_105 = tpu.memref_slice %arg13[%dma_start3A] : memref<64xi32, #tpu.memory_space<vmem>> -> memref<64xi32, #tpu.memory_space<vmem>>
      %dma_start3A_106 = arith.constant 0 : i32
      %dma_start3A_107 = arith.constant 0 : i32
      %dma_start3A_108 = tpu.memref_slice %arg3[%dma_start3A_106, %dma_start3A_107] : memref<802816x128xf32, #tpu.memory_space<hbm>> -> memref<802816x128xf32, #tpu.memory_space<hbm>>
      tpu.enqueue_indirect_dma source(%dma_start3A_108 : memref<802816x128xf32, #tpu.memory_space<hbm>>) target(%arg9 : memref<64x128xf32, #tpu.memory_space<vmem>>) offsets(%dma_start3A_105 : memref<64xi32, #tpu.memory_space<vmem>>) semaphore(%arg19 : memref<!tpu.dma_semaphore, #tpu.memory_space<semaphore_mem>>)
      %while3A_109 = arith.constant 0 : i32
      %while3A_110 = arith.constant 0 : i32
      %while3A_111 = arith.subi %scan3A_96, %while3A_109 : i32
      %while3A_112 = arith.addi %while3A_109, %while3A_111 : i32
      %while3A_113 = arith.constant 1 : i32
      %while3A_114 = arith.divsi %while3A_111, %while3A_113 : i32
      %while3A_115 = arith.muli %while3A_114, %while3A_113 : i32
      %while3A_116 = arith.addi %while3A_109, %while3A_115 : i32
      %while3A_117 = arith.constant 1 : i32
      %while3A_118 = scf.for %while3A_256 = %while3A_109 to %while3A_116 step %while3A_117 iter_args(%while3A_257 = %while3A_110) -> (i32)  : i32 {
        %get3A_258 = arith.index_cast %while3A_256 : i32 to index
        %get3A_259 = tpu.vector_load %arg12[%get3A_258] {strides = array<i32>} : memref<96xi32, #tpu.memory_space<vmem>>, vector<16xi32>,
        %slice3A = vector.extract_strided_slice %get3A_259 {offsets = [0], sizes = [1], strides = [1]} : vector<16xi32> to vector<1xi32>
        %squeeze3A = vector.extract %slice3A[0] : i32 from vector<1xi32>
        %mul3A_260 = arith.constant 32 : i32
        %mul3A_261 = arith.muli %squeeze3A, %mul3A_260 : i32
        %add3A_262 = arith.constant 0 : i32
        %add3A_263 = arith.addi %mul3A_261, %add3A_262 : i32
        %add3A_264 = vector.broadcast %add3A_263 : i32 to vector<16xi32>
        %add3A_265 = arith.addi %add3A_264, %iota3A : vector<16xi32>
        %mul3A_266 = arith.constant 32 : i32
        %mul3A_267 = arith.muli %while3A_256, %mul3A_266 : i32
        %add3A_268 = arith.constant 0 : i32
        %add3A_269 = arith.addi %mul3A_267, %add3A_268 : i32
        %swap3A_270 = arith.index_cast %add3A_269 : i32 to index
        %swap3A_271 = tpu.vector_load %arg8[%swap3A_270] {strides = array<i32>} : memref<2048xi32, #tpu.memory_space<vmem>>, vector<16xi32>,
        tpu.vector_store %arg8[%swap3A_270], %add3A_265 {strides = array<i32>} : memref<2048xi32, #tpu.memory_space<vmem>>, vector<16xi32>,
        %add3A_272 = arith.constant 16 : i32
        %add3A_273 = arith.addi %mul3A_261, %add3A_272 : i32
        %add3A_274 = vector.broadcast %add3A_273 : i32 to vector<16xi32>
        %add3A_275 = arith.addi %add3A_274, %iota3A : vector<16xi32>
        %mul3A_276 = arith.constant 32 : i32
        %mul3A_277 = arith.muli %while3A_256, %mul3A_276 : i32
        %add3A_278 = arith.constant 16 : i32
        %add3A_279 = arith.addi %mul3A_277, %add3A_278 : i32
        %swap3A_280 = arith.index_cast %add3A_279 : i32 to index
        %swap3A_281 = tpu.vector_load %arg8[%swap3A_280] {strides = array<i32>} : memref<2048xi32, #tpu.memory_space<vmem>>, vector<16xi32>,
        tpu.vector_store %arg8[%swap3A_280], %add3A_275 {strides = array<i32>} : memref<2048xi32, #tpu.memory_space<vmem>>, vector<16xi32>,
        %while3A_282 = arith.constant 0 : i32
        scf.yield %while3A_282 : i32
      }
      %while3A_119 = arith.constant 1 : i32
      %while3A_120 = scf.for %while3A_256 = %while3A_116 to %while3A_112 step %while3A_119 iter_args(%while3A_257 = %while3A_118) -> (i32)  : i32 {
        %get3A_258 = arith.index_cast %while3A_256 : i32 to index
        %get3A_259 = tpu.vector_load %arg12[%get3A_258] {strides = array<i32>} : memref<96xi32, #tpu.memory_space<vmem>>, vector<16xi32>,
        %slice3A = vector.extract_strided_slice %get3A_259 {offsets = [0], sizes = [1], strides = [1]} : vector<16xi32> to vector<1xi32>
        %squeeze3A = vector.extract %slice3A[0] : i32 from vector<1xi32>
        %mul3A_260 = arith.constant 32 : i32
        %mul3A_261 = arith.muli %squeeze3A, %mul3A_260 : i32
        %add3A_262 = arith.constant 0 : i32
        %add3A_263 = arith.addi %mul3A_261, %add3A_262 : i32
        %add3A_264 = vector.broadcast %add3A_263 : i32 to vector<16xi32>
        %add3A_265 = arith.addi %add3A_264, %iota3A : vector<16xi32>
        %mul3A_266 = arith.constant 32 : i32
        %mul3A_267 = arith.muli %while3A_256, %mul3A_266 : i32
        %add3A_268 = arith.constant 0 : i32
        %add3A_269 = arith.addi %mul3A_267, %add3A_268 : i32
        %swap3A_270 = arith.index_cast %add3A_269 : i32 to index
        %swap3A_271 = tpu.vector_load %arg8[%swap3A_270] {strides = array<i32>} : memref<2048xi32, #tpu.memory_space<vmem>>, vector<16xi32>,
        tpu.vector_store %arg8[%swap3A_270], %add3A_265 {strides = array<i32>} : memref<2048xi32, #tpu.memory_space<vmem>>, vector<16xi32>,
        %add3A_272 = arith.constant 16 : i32
        %add3A_273 = arith.addi %mul3A_261, %add3A_272 : i32
        %add3A_274 = vector.broadcast %add3A_273 : i32 to vector<16xi32>
        %add3A_275 = arith.addi %add3A_274, %iota3A : vector<16xi32>
        %mul3A_276 = arith.constant 32 : i32
        %mul3A_277 = arith.muli %while3A_256, %mul3A_276 : i32
        %add3A_278 = arith.constant 16 : i32
        %add3A_279 = arith.addi %mul3A_277, %add3A_278 : i32
        %swap3A_280 = arith.index_cast %add3A_279 : i32 to index
        %swap3A_281 = tpu.vector_load %arg8[%swap3A_280] {strides = array<i32>} : memref<2048xi32, #tpu.memory_space<vmem>>, vector<16xi32>,
        tpu.vector_store %arg8[%swap3A_280], %add3A_275 {strides = array<i32>} : memref<2048xi32, #tpu.memory_space<vmem>>, vector<16xi32>,
        %while3A_282 = arith.constant 0 : i32
        scf.yield %while3A_282 : i32
      }
      %dma_wait3A = arith.constant 0 : i32
      %dma_wait3A_121 = tpu.memref_slice %arg13[%dma_wait3A] : memref<64xi32, #tpu.memory_space<vmem>> -> memref<64xi32, #tpu.memory_space<vmem>>
      %dma_wait3A_122 = arith.constant 0 : i32
      %dma_wait3A_123 = arith.constant 0 : i32
      %dma_wait3A_124 = tpu.memref_slice %arg3[%dma_wait3A_122, %dma_wait3A_123] : memref<802816x128xf32, #tpu.memory_space<hbm>> -> memref<802816x128xf32, #tpu.memory_space<hbm>>
      tpu.wait_indirect_dma semaphore(%arg19 : memref<!tpu.dma_semaphore, #tpu.memory_space<semaphore_mem>>) src(%dma_wait3A_124 : memref<802816x128xf32, #tpu.memory_space<hbm>>) dst(%arg9 : memref<64x128xf32, #tpu.memory_space<vmem>>)
      %mul3A_125 = arith.constant 2 : i32
      %mul3A_126 = arith.muli %scan3A_96, %mul3A_125 : i32
      %while3A_127 = arith.constant 0 : i32
      %while3A_128 = arith.constant 0 : i32
      %while3A_129 = arith.subi %scan3A_96, %while3A_127 : i32
      %while3A_130 = arith.addi %while3A_127, %while3A_129 : i32
      %while3A_131 = arith.constant 1 : i32
      %while3A_132 = arith.divsi %while3A_129, %while3A_131 : i32
      %while3A_133 = arith.muli %while3A_132, %while3A_131 : i32
      %while3A_134 = arith.addi %while3A_127, %while3A_133 : i32
      %while3A_135 = arith.constant 1 : i32
      %while3A_136 = scf.for %while3A_256 = %while3A_127 to %while3A_134 step %while3A_135 iter_args(%while3A_257 = %while3A_128) -> (i32)  : i32 {
        %get3A_258 = arith.index_cast %while3A_256 : i32 to index
        %get3A_259 = tpu.vector_load %arg12[%get3A_258] {strides = array<i32>} : memref<96xi32, #tpu.memory_space<vmem>>, vector<16xi32>,
        %slice3A = vector.extract_strided_slice %get3A_259 {offsets = [0], sizes = [1], strides = [1]} : vector<16xi32> to vector<1xi32>
        %squeeze3A = vector.extract %slice3A[0] : i32 from vector<1xi32>
        %and3A_260 = arith.constant 3 : i32
        %and3A_261 = arith.andi %squeeze3A, %and3A_260 : i32
        %mul3A_262 = arith.constant 32 : i32
        %mul3A_263 = arith.muli %and3A_261, %mul3A_262 : i32
        %add3A_264 = arith.constant 0 : i32
        %add3A_265 = arith.addi %mul3A_263, %add3A_264 : i32
        %get3A_266 = arith.index_cast %while3A_256 : i32 to index
        %get3A_267 = arith.index_cast %add3A_265 : i32 to index
        %get3A_268 = tpu.vector_load %arg9[%get3A_266, %get3A_267] {strides = array<i32>} : memref<64x128xf32, #tpu.memory_space<vmem>>, vector<16xf32>,
        %bitcast3A = vector.bitcast %get3A_268 : vector<16xf32> to vector<16xi32>
        %ge3A_269 = arith.constant -2147483648 : i32
        %ge3A_270 = vector.broadcast %ge3A_269 : i32 to vector<16xi32>
        %ge3A_271 = arith.cmpi uge, %bitcast3A, %ge3A_270 : vector<16xi32>
        %not3A = arith.constant dense<-1> : vector<16xi32>
        %not3A_272 = arith.xori %bitcast3A, %not3A : vector<16xi32>
        %or3A = arith.constant -2147483648 : i32
        %or3A_273 = vector.broadcast %or3A : i32 to vector<16xi32>
        %or3A_274 = arith.ori %bitcast3A, %or3A_273 : vector<16xi32>
        %select_n3A_275 = arith.select %ge3A_271, %not3A_272, %or3A_274 : vector<16xi1>, vector<16xi32>
        %mul3A_276 = arith.constant 32 : i32
        %mul3A_277 = arith.muli %while3A_256, %mul3A_276 : i32
        %add3A_278 = arith.constant 0 : i32
        %add3A_279 = arith.addi %mul3A_277, %add3A_278 : i32
        %swap3A_280 = arith.index_cast %add3A_279 : i32 to index
        %swap3A_281 = tpu.vector_load %arg7[%swap3A_280] {strides = array<i32>} : memref<2048xi32, #tpu.memory_space<vmem>>, vector<16xi32>,
        tpu.vector_store %arg7[%swap3A_280], %select_n3A_275 {strides = array<i32>} : memref<2048xi32, #tpu.memory_space<vmem>>, vector<16xi32>,
        %add3A_282 = arith.constant 16 : i32
        %add3A_283 = arith.addi %mul3A_263, %add3A_282 : i32
        %get3A_284 = arith.index_cast %while3A_256 : i32 to index
        %get3A_285 = arith.index_cast %add3A_283 : i32 to index
        %get3A_286 = tpu.vector_load %arg9[%get3A_284, %get3A_285] {strides = array<i32>} : memref<64x128xf32, #tpu.memory_space<vmem>>, vector<16xf32>,
        %bitcast3A_287 = vector.bitcast %get3A_286 : vector<16xf32> to vector<16xi32>
        %ge3A_288 = arith.constant -2147483648 : i32
        %ge3A_289 = vector.broadcast %ge3A_288 : i32 to vector<16xi32>
        %ge3A_290 = arith.cmpi uge, %bitcast3A_287, %ge3A_289 : vector<16xi32>
        %not3A_291 = arith.constant dense<-1> : vector<16xi32>
        %not3A_292 = arith.xori %bitcast3A_287, %not3A_291 : vector<16xi32>
        %or3A_293 = arith.constant -2147483648 : i32
        %or3A_294 = vector.broadcast %or3A_293 : i32 to vector<16xi32>
        %or3A_295 = arith.ori %bitcast3A_287, %or3A_294 : vector<16xi32>
        %select_n3A_296 = arith.select %ge3A_290, %not3A_292, %or3A_295 : vector<16xi1>, vector<16xi32>
        %mul3A_297 = arith.constant 32 : i32
        %mul3A_298 = arith.muli %while3A_256, %mul3A_297 : i32
        %add3A_299 = arith.constant 16 : i32
        %add3A_300 = arith.addi %mul3A_298, %add3A_299 : i32
        %swap3A_301 = arith.index_cast %add3A_300 : i32 to index
        %swap3A_302 = tpu.vector_load %arg7[%swap3A_301] {strides = array<i32>} : memref<2048xi32, #tpu.memory_space<vmem>>, vector<16xi32>,
        tpu.vector_store %arg7[%swap3A_301], %select_n3A_296 {strides = array<i32>} : memref<2048xi32, #tpu.memory_space<vmem>>, vector<16xi32>,
        %while3A_303 = arith.constant 0 : i32
        scf.yield %while3A_303 : i32
      }
      %while3A_137 = arith.constant 1 : i32
      %while3A_138 = scf.for %while3A_256 = %while3A_134 to %while3A_130 step %while3A_137 iter_args(%while3A_257 = %while3A_136) -> (i32)  : i32 {
        %get3A_258 = arith.index_cast %while3A_256 : i32 to index
        %get3A_259 = tpu.vector_load %arg12[%get3A_258] {strides = array<i32>} : memref<96xi32, #tpu.memory_space<vmem>>, vector<16xi32>,
        %slice3A = vector.extract_strided_slice %get3A_259 {offsets = [0], sizes = [1], strides = [1]} : vector<16xi32> to vector<1xi32>
        %squeeze3A = vector.extract %slice3A[0] : i32 from vector<1xi32>
        %and3A_260 = arith.constant 3 : i32
        %and3A_261 = arith.andi %squeeze3A, %and3A_260 : i32
        %mul3A_262 = arith.constant 32 : i32
        %mul3A_263 = arith.muli %and3A_261, %mul3A_262 : i32
        %add3A_264 = arith.constant 0 : i32
        %add3A_265 = arith.addi %mul3A_263, %add3A_264 : i32
        %get3A_266 = arith.index_cast %while3A_256 : i32 to index
        %get3A_267 = arith.index_cast %add3A_265 : i32 to index
        %get3A_268 = tpu.vector_load %arg9[%get3A_266, %get3A_267] {strides = array<i32>} : memref<64x128xf32, #tpu.memory_space<vmem>>, vector<16xf32>,
        %bitcast3A = vector.bitcast %get3A_268 : vector<16xf32> to vector<16xi32>
        %ge3A_269 = arith.constant -2147483648 : i32
        %ge3A_270 = vector.broadcast %ge3A_269 : i32 to vector<16xi32>
        %ge3A_271 = arith.cmpi uge, %bitcast3A, %ge3A_270 : vector<16xi32>
        %not3A = arith.constant dense<-1> : vector<16xi32>
        %not3A_272 = arith.xori %bitcast3A, %not3A : vector<16xi32>
        %or3A = arith.constant -2147483648 : i32
        %or3A_273 = vector.broadcast %or3A : i32 to vector<16xi32>
        %or3A_274 = arith.ori %bitcast3A, %or3A_273 : vector<16xi32>
        %select_n3A_275 = arith.select %ge3A_271, %not3A_272, %or3A_274 : vector<16xi1>, vector<16xi32>
        %mul3A_276 = arith.constant 32 : i32
        %mul3A_277 = arith.muli %while3A_256, %mul3A_276 : i32
        %add3A_278 = arith.constant 0 : i32
        %add3A_279 = arith.addi %mul3A_277, %add3A_278 : i32
        %swap3A_280 = arith.index_cast %add3A_279 : i32 to index
        %swap3A_281 = tpu.vector_load %arg7[%swap3A_280] {strides = array<i32>} : memref<2048xi32, #tpu.memory_space<vmem>>, vector<16xi32>,
        tpu.vector_store %arg7[%swap3A_280], %select_n3A_275 {strides = array<i32>} : memref<2048xi32, #tpu.memory_space<vmem>>, vector<16xi32>,
        %add3A_282 = arith.constant 16 : i32
        %add3A_283 = arith.addi %mul3A_263, %add3A_282 : i32
        %get3A_284 = arith.index_cast %while3A_256 : i32 to index
        %get3A_285 = arith.index_cast %add3A_283 : i32 to index
        %get3A_286 = tpu.vector_load %arg9[%get3A_284, %get3A_285] {strides = array<i32>} : memref<64x128xf32, #tpu.memory_space<vmem>>, vector<16xf32>,
        %bitcast3A_287 = vector.bitcast %get3A_286 : vector<16xf32> to vector<16xi32>
        %ge3A_288 = arith.constant -2147483648 : i32
        %ge3A_289 = vector.broadcast %ge3A_288 : i32 to vector<16xi32>
        %ge3A_290 = arith.cmpi uge, %bitcast3A_287, %ge3A_289 : vector<16xi32>
        %not3A_291 = arith.constant dense<-1> : vector<16xi32>
        %not3A_292 = arith.xori %bitcast3A_287, %not3A_291 : vector<16xi32>
        %or3A_293 = arith.constant -2147483648 : i32
        %or3A_294 = vector.broadcast %or3A_293 : i32 to vector<16xi32>
        %or3A_295 = arith.ori %bitcast3A_287, %or3A_294 : vector<16xi32>
        %select_n3A_296 = arith.select %ge3A_290, %not3A_292, %or3A_295 : vector<16xi1>, vector<16xi32>
        %mul3A_297 = arith.constant 32 : i32
        %mul3A_298 = arith.muli %while3A_256, %mul3A_297 : i32
        %add3A_299 = arith.constant 16 : i32
        %add3A_300 = arith.addi %mul3A_298, %add3A_299 : i32
        %swap3A_301 = arith.index_cast %add3A_300 : i32 to index
        %swap3A_302 = tpu.vector_load %arg7[%swap3A_301] {strides = array<i32>} : memref<2048xi32, #tpu.memory_space<vmem>>, vector<16xi32>,
        tpu.vector_store %arg7[%swap3A_301], %select_n3A_296 {strides = array<i32>} : memref<2048xi32, #tpu.memory_space<vmem>>, vector<16xi32>,
        %while3A_303 = arith.constant 0 : i32
        scf.yield %while3A_303 : i32
      }
      %sub3A_139 = arith.constant 1 : i32
      %sub3A_140 = arith.subi %while3A_90#3, %sub3A_139 : i32
      %shift_right_logical3A_141 = arith.constant 24 : i32
      %shift_right_logical3A_142 = arith.shrui %reduce_min3A_55, %shift_right_logical3A_141 : i32
      %shift_right_logical3A_143 = arith.constant 24 : i32
      %shift_right_logical3A_144 = arith.shrui %sub3A_140, %shift_right_logical3A_143 : i32
      %eq3A_145 = arith.cmpi eq, %shift_right_logical3A_142, %shift_right_logical3A_144 : i32
      %jit3A_146 = arith.constant 16 : i32
      %jit3A_147 = arith.constant 24 : i32
      %select_n3A_148 = arith.select %eq3A_145, %jit3A_146, %jit3A_147 : i32
      %shift_right_logical3A_149 = arith.constant 16 : i32
      %shift_right_logical3A_150 = arith.shrui %reduce_min3A_55, %shift_right_logical3A_149 : i32
      %shift_right_logical3A_151 = arith.constant 16 : i32
      %shift_right_logical3A_152 = arith.shrui %sub3A_140, %shift_right_logical3A_151 : i32
      %eq3A_153 = arith.cmpi eq, %shift_right_logical3A_150, %shift_right_logical3A_152 : i32
      %jit3A_154 = arith.constant 8 : i32
      %select_n3A_155 = arith.select %eq3A_153, %jit3A_154, %select_n3A_148 : i32
      %shift_right_logical3A_156 = arith.constant 8 : i32
      %shift_right_logical3A_157 = arith.shrui %reduce_min3A_55, %shift_right_logical3A_156 : i32
      %shift_right_logical3A_158 = arith.constant 8 : i32
      %shift_right_logical3A_159 = arith.shrui %sub3A_140, %shift_right_logical3A_158 : i32
      %eq3A_160 = arith.cmpi eq, %shift_right_logical3A_157, %shift_right_logical3A_159 : i32
      %jit3A_161 = arith.constant 0 : i32
      %select_n3A_162 = arith.select %eq3A_160, %jit3A_161, %select_n3A_155 : i32
      %ge3A_163 = arith.constant 24 : i32
      %ge3A_164 = arith.cmpi sge, %select_n3A_162, %ge3A_163 : i32
      %add3A_165 = arith.constant 8 : i32
      %add3A_166 = arith.addi %select_n3A_162, %add3A_165 : i32
      %shift_right_logical3A_167 = arith.shrui %reduce_min3A_55, %add3A_166 : i32
      %add3A_168 = arith.constant 8 : i32
      %add3A_169 = arith.addi %select_n3A_162, %add3A_168 : i32
      %shift_left3A_170 = arith.shli %shift_right_logical3A_167, %add3A_169 : i32
      %jit3A_171 = arith.constant 0 : i32
      %select_n3A_172 = arith.select %ge3A_164, %jit3A_171, %shift_left3A_170 : i32
      %while3A_173 = arith.constant 0 : i32
      %while3A_174 = arith.constant 0 : i32
      %while3A_175 = arith.constant 0 : i32
      %while3A_176:5 = scf.while (%while3A_256 = %select_n3A_162, %while3A_257 = %select_n3A_172, %while3A_258 = %while3A_173, %while3A_259 = %while3A_174, %while3A_260 = %while3A_175) : (i32, i32, i32, i32, i32) -> (i32, i32, i32, i32, i32) {
        %ge3A_261 = arith.constant 0 : i32
        %ge3A_262 = arith.cmpi sge, %while3A_256, %ge3A_261 : i32
        scf.condition(%ge3A_262) %while3A_256, %while3A_257, %while3A_258, %while3A_259, %while3A_260 : i32, i32, i32, i32, i32
      } do {
      ^bb0(%while3A_256: i32, %while3A_257: i32, %while3A_258: i32, %while3A_259: i32, %while3A_260: i32):
        %sub3A_261 = arith.constant 32 : i32
        %sub3A_262 = arith.subi %sub3A_261, %while3A_258 : i32
        %scan3A_263 = arith.constant 0 : i32
        %scan3A_264 = arith.constant 0 : i32
        %scan3A_265 = arith.constant 16 : i32
        %scan3A_266 = arith.addi %scan3A_264, %scan3A_265 : i32
        %scan3A_267 = arith.constant 1 : i32
        %scan3A_268 = scf.for %scan3A_320 = %scan3A_264 to %scan3A_266 step %scan3A_267 iter_args(%scan3A_321 = %scan3A_263) -> (i32)  : i32 {
          %broadcast_in_dim3A_322 = arith.constant 0 : i32
          %broadcast_in_dim3A_323 = vector.broadcast %broadcast_in_dim3A_322 : i32 to vector<16xi32>
          %mul3A_324 = arith.constant 16 : i32
          %mul3A_325 = arith.muli %scan3A_320, %mul3A_324 : i32
          %swap3A_326 = arith.index_cast %mul3A_325 : i32 to index
          %swap3A_327 = tpu.vector_load %arg10[%swap3A_326] {strides = array<i32>} : memref<272xi32, #tpu.memory_space<vmem>>, vector<16xi32>,
          tpu.vector_store %arg10[%swap3A_326], %broadcast_in_dim3A_323 {strides = array<i32>} : memref<272xi32, #tpu.memory_space<vmem>>, vector<16xi32>,
          %scan3A_328 = arith.constant 0 : i32
          scf.yield %scan3A_328 : i32
        }
        %scan3A_269 = arith.constant 16 : i32
        %broadcast_in_dim3A_270 = arith.constant 1 : i32
        %broadcast_in_dim3A_271 = vector.broadcast %broadcast_in_dim3A_270 : i32 to vector<16xi32>
        %while3A_272 = arith.constant 0 : i32
        %while3A_273 = arith.constant 0 : i32
        %while3A_274 = arith.subi %mul3A_126, %while3A_272 : i32
        %while3A_275 = arith.addi %while3A_272, %while3A_274 : i32
        %while3A_276 = arith.constant 1 : i32
        %while3A_277 = arith.divsi %while3A_274, %while3A_276 : i32
        %while3A_278 = arith.muli %while3A_277, %while3A_276 : i32
        %while3A_279 = arith.addi %while3A_272, %while3A_278 : i32
        %while3A_280 = arith.constant 1 : i32
        %while3A_281 = scf.for %while3A_320 = %while3A_272 to %while3A_279 step %while3A_280 iter_args(%while3A_321 = %while3A_273) -> (i32)  : i32 {
          %mul3A_322 = arith.constant 16 : i32
          %mul3A_323 = arith.muli %while3A_320, %mul3A_322 : i32
          %get3A_324 = arith.index_cast %mul3A_323 : i32 to index
          %get3A_325 = tpu.vector_load %arg7[%get3A_324] {strides = array<i32>} : memref<2048xi32, #tpu.memory_space<vmem>>, vector<16xi32>,
          %sub3A_326 = vector.broadcast %while3A_257 : i32 to vector<16xi32>
          %sub3A_327 = arith.subi %get3A_325, %sub3A_326 : vector<16xi32>
          %shift_right_logical3A_328 = vector.broadcast %while3A_256 : i32 to vector<16xi32>
          %shift_right_logical3A_329 = arith.shrui %sub3A_327, %shift_right_logical3A_328 : vector<16xi32>
          %ge3A_330 = vector.broadcast %while3A_257 : i32 to vector<16xi32>
          %ge3A_331 = arith.cmpi uge, %get3A_325, %ge3A_330 : vector<16xi32>
          %lt3A_332 = arith.constant 256 : i32
          %lt3A_333 = vector.broadcast %lt3A_332 : i32 to vector<16xi32>
          %lt3A_334 = arith.cmpi ult, %shift_right_logical3A_329, %lt3A_333 : vector<16xi32>
          %and3A_335 = arith.andi %ge3A_331, %lt3A_334 : vector<16xi1>
          %min3A_336 = arith.constant 255 : i32
          %min3A_337 = vector.broadcast %min3A_336 : i32 to vector<16xi32>
          %min3A_338 = arith.minui %shift_right_logical3A_329, %min3A_337 : vector<16xi32>
          tpu.vector_store_idx %arg10[%min3A_338], %broadcast_in_dim3A_271 masked %and3A_335 {add = true} : memref<272xi32, #tpu.memory_space<vmem>>[vector<16xi32>], vector<16xi32>, vector<16xi1>
          %while3A_339 = arith.constant 0 : i32
          scf.yield %while3A_339 : i32
        }
        %while3A_282 = arith.constant 1 : i32
        %while3A_283 = scf.for %while3A_320 = %while3A_279 to %while3A_275 step %while3A_282 iter_args(%while3A_321 = %while3A_281) -> (i32)  : i32 {
          %mul3A_322 = arith.constant 16 : i32
          %mul3A_323 = arith.muli %while3A_320, %mul3A_322 : i32
          %get3A_324 = arith.index_cast %mul3A_323 : i32 to index
          %get3A_325 = tpu.vector_load %arg7[%get3A_324] {strides = array<i32>} : memref<2048xi32, #tpu.memory_space<vmem>>, vector<16xi32>,
          %sub3A_326 = vector.broadcast %while3A_257 : i32 to vector<16xi32>
          %sub3A_327 = arith.subi %get3A_325, %sub3A_326 : vector<16xi32>
          %shift_right_logical3A_328 = vector.broadcast %while3A_256 : i32 to vector<16xi32>
          %shift_right_logical3A_329 = arith.shrui %sub3A_327, %shift_right_logical3A_328 : vector<16xi32>
          %ge3A_330 = vector.broadcast %while3A_257 : i32 to vector<16xi32>
          %ge3A_331 = arith.cmpi uge, %get3A_325, %ge3A_330 : vector<16xi32>
          %lt3A_332 = arith.constant 256 : i32
          %lt3A_333 = vector.broadcast %lt3A_332 : i32 to vector<16xi32>
          %lt3A_334 = arith.cmpi ult, %shift_right_logical3A_329, %lt3A_333 : vector<16xi32>
          %and3A_335 = arith.andi %ge3A_331, %lt3A_334 : vector<16xi1>
          %min3A_336 = arith.constant 255 : i32
          %min3A_337 = vector.broadcast %min3A_336 : i32 to vector<16xi32>
          %min3A_338 = arith.minui %shift_right_logical3A_329, %min3A_337 : vector<16xi32>
          tpu.vector_store_idx %arg10[%min3A_338], %broadcast_in_dim3A_271 masked %and3A_335 {add = true} : memref<272xi32, #tpu.memory_space<vmem>>[vector<16xi32>], vector<16xi32>, vector<16xi1>
          %while3A_339 = arith.constant 0 : i32
          scf.yield %while3A_339 : i32
        }
        %scan3A_284 = arith.constant 0 : i32
        %scan3A_285 = arith.constant 0 : i32
        %scan3A_286 = arith.constant 16 : i32
        %scan3A_287 = arith.addi %scan3A_285, %scan3A_286 : i32
        %scan3A_288 = arith.constant 1 : i32
        %scan3A_289 = scf.for %scan3A_320 = %scan3A_285 to %scan3A_287 step %scan3A_288 iter_args(%scan3A_321 = %scan3A_284) -> (i32)  : i32 {
          %mul3A_322 = arith.constant 16 : i32
          %mul3A_323 = arith.muli %scan3A_320, %mul3A_322 : i32
          %get3A_324 = arith.index_cast %mul3A_323 : i32 to index
          %get3A_325 = tpu.vector_load %arg10[%get3A_324] {strides = array<i32>} : memref<272xi32, #tpu.memory_space<vmem>>, vector<16xi32>,
          %broadcast_in_dim3A_326 = arith.constant true
          %broadcast_in_dim3A_327 = vector.broadcast %broadcast_in_dim3A_326 : i1 to vector<16xi1>
          %masked_cumsum3A = tpu.scan <sum>, %get3A_325 masked %broadcast_in_dim3A_327 : vector<16xi32>, vector<16xi1> -> vector<16xi32>
          %add3A_328 = vector.broadcast %scan3A_321 : i32 to vector<16xi32>
          %add3A_329 = arith.addi %masked_cumsum3A, %add3A_328 : vector<16xi32>
          %mul3A_330 = arith.constant 16 : i32
          %mul3A_331 = arith.muli %scan3A_320, %mul3A_330 : i32
          %swap3A_332 = arith.index_cast %mul3A_331 : i32 to index
          %swap3A_333 = tpu.vector_load %arg11[%swap3A_332] {strides = array<i32>} : memref<272xi32, #tpu.memory_space<vmem>>, vector<16xi32>,
          tpu.vector_store %arg11[%swap3A_332], %add3A_329 {strides = array<i32>} : memref<272xi32, #tpu.memory_space<vmem>>, vector<16xi32>,
          %reduce_max3A_334 = arith.constant true
          %reduce_max3A_335 = vector.broadcast %reduce_max3A_334 : i1 to vector<16xi1>
          %reduce_max3A_336 = arith.constant -2147483648 : i32
          %reduce_max3A_337 = vector.broadcast %reduce_max3A_336 : i32 to vector<16xi32>
          %reduce_max3A_338 = arith.xori %add3A_329, %reduce_max3A_337 : vector<16xi32>
          %reduce_max3A_339 = tpu.scan <max>, %reduce_max3A_338 masked %reduce_max3A_335 : vector<16xi32>, vector<16xi1> -> vector<16xi32>
          %reduce_max3A_340 = arith.xori %reduce_max3A_339, %reduce_max3A_337 : vector<16xi32>
          %reduce_max3A_341 = vector.extract %reduce_max3A_340[15] : i32 from vector<16xi32>
          scf.yield %reduce_max3A_341 : i32
        }
        %scan3A_290 = arith.constant 16 : i32
        %scan3A_291 = arith.constant 0 : i32
        %scan3A_292 = arith.constant 255 : i32
        %scan3A_293 = arith.constant 0 : i32
        %scan3A_294 = arith.constant 8 : i32
        %scan3A_295 = arith.addi %scan3A_293, %scan3A_294 : i32
        %scan3A_296 = arith.constant 1 : i32
        %scan3A_297:2 = scf.for %scan3A_320 = %scan3A_293 to %scan3A_295 step %scan3A_296 iter_args(%scan3A_321 = %scan3A_291, %scan3A_322 = %scan3A_292) -> (i32, i32)  : i32 {
          %add3A_323 = arith.addi %scan3A_321, %scan3A_322 : i32
          %jit3A_324 = arith.constant 2 : i32
          %div3A_325 = arith.divsi %add3A_323, %jit3A_324 : i32
          %sign3A_326 = arith.constant 0 : i32
          %sign3A_327 = arith.cmpi sgt, %add3A_323, %sign3A_326 : i32
          %sign3A_328 = arith.extui %sign3A_327 : i1 to i32
          %sign3A_329 = arith.constant 0 : i32
          %sign3A_330 = arith.cmpi slt, %add3A_323, %sign3A_329 : i32
          %sign3A_331 = arith.extui %sign3A_330 : i1 to i32
          %sign3A_332 = arith.subi %sign3A_328, %sign3A_331 : i32
          %sign3A_333 = arith.constant 0 : i32
          %sign3A_334 = arith.cmpi sgt, %jit3A_324, %sign3A_333 : i32
          %sign3A_335 = arith.extui %sign3A_334 : i1 to i32
          %sign3A_336 = arith.constant 0 : i32
          %sign3A_337 = arith.cmpi slt, %jit3A_324, %sign3A_336 : i32
          %sign3A_338 = arith.extui %sign3A_337 : i1 to i32
          %sign3A_339 = arith.subi %sign3A_335, %sign3A_338 : i32
          %ne3A_340 = arith.cmpi ne, %sign3A_332, %sign3A_339 : i32
          %rem3A_341 = arith.remsi %add3A_323, %jit3A_324 : i32
          %ne3A_342 = arith.constant 0 : i32
          %ne3A_343 = arith.cmpi ne, %rem3A_341, %ne3A_342 : i32
          %and3A_344 = arith.andi %ne3A_340, %ne3A_343 : i1
          %sub3A_345 = arith.constant 1 : i32
          %sub3A_346 = arith.subi %div3A_325, %sub3A_345 : i32
          %select_n3A_347 = arith.select %and3A_344, %sub3A_346, %div3A_325 : i32
          %get3A_348 = arith.index_cast %select_n3A_347 : i32 to index
          %get3A_349 = tpu.vector_load %arg11[%get3A_348] {strides = array<i32>} : memref<272xi32, #tpu.memory_space<vmem>>, vector<16xi32>,
          %slice3A_350 = vector.extract_strided_slice %get3A_349 {offsets = [0], sizes = [1], strides = [1]} : vector<16xi32> to vector<1xi32>
          %squeeze3A_351 = vector.extract %slice3A_350[0] : i32 from vector<1xi32>
          %ge3A_352 = arith.cmpi sge, %squeeze3A_351, %sub3A_262 : i32
          %add3A_353 = arith.constant 1 : i32
          %add3A_354 = arith.addi %select_n3A_347, %add3A_353 : i32
          %select_n3A_355 = arith.select %ge3A_352, %scan3A_321, %add3A_354 : i32
          %ge3A_356 = arith.cmpi sge, %squeeze3A_351, %sub3A_262 : i32
          %select_n3A_357 = arith.select %ge3A_356, %select_n3A_347, %scan3A_322 : i32
          scf.yield %select_n3A_355, %select_n3A_357 : i32, i32
        }
        %scan3A_298 = arith.constant 8 : i32
        %gt3A_299 = arith.constant 0 : i32
        %gt3A_300 = arith.cmpi sgt, %scan3A_297#0, %gt3A_299 : i32
        %sub3A_301 = arith.constant 1 : i32
        %sub3A_302 = arith.subi %scan3A_297#0, %sub3A_301 : i32
        %max3A_303 = arith.constant 0 : i32
        %max3A_304 = arith.maxsi %sub3A_302, %max3A_303 : i32
        %get3A_305 = arith.index_cast %max3A_304 : i32 to index
        %get3A_306 = tpu.vector_load %arg11[%get3A_305] {strides = array<i32>} : memref<272xi32, #tpu.memory_space<vmem>>, vector<16xi32>,
        %slice3A = vector.extract_strided_slice %get3A_306 {offsets = [0], sizes = [1], strides = [1]} : vector<16xi32> to vector<1xi32>
        %squeeze3A = vector.extract %slice3A[0] : i32 from vector<1xi32>
        %jit3A_307 = arith.constant 0 : i32
        %select_n3A_308 = arith.select %gt3A_300, %squeeze3A, %jit3A_307 : i32
        %get3A_309 = arith.index_cast %scan3A_297#0 : i32 to index
        %get3A_310 = tpu.vector_load %arg11[%get3A_309] {strides = array<i32>} : memref<272xi32, #tpu.memory_space<vmem>>, vector<16xi32>,
        %slice3A_311 = vector.extract_strided_slice %get3A_310 {offsets = [0], sizes = [1], strides = [1]} : vector<16xi32> to vector<1xi32>
        %squeeze3A_312 = vector.extract %slice3A_311[0] : i32 from vector<1xi32>
        %shift_left3A_313 = arith.shli %scan3A_297#0, %while3A_256 : i32
        %add3A_314 = arith.addi %while3A_257, %shift_left3A_313 : i32
        %sub3A_315 = arith.constant 8 : i32
        %sub3A_316 = arith.subi %while3A_256, %sub3A_315 : i32
        %add3A_317 = arith.addi %while3A_258, %select_n3A_308 : i32
        %add3A_318 = arith.addi %while3A_258, %select_n3A_308 : i32
        %while3A_319 = arith.constant 0 : i32
        scf.yield %sub3A_316, %add3A_314, %add3A_317, %add3A_318, %while3A_319 : i32, i32, i32, i32, i32
      }
      %broadcast_in_dim3A_177 = arith.constant 2147483647 : i32
      %broadcast_in_dim3A_178 = vector.broadcast %broadcast_in_dim3A_177 : i32 to vector<16xi32>
      %swap3A = arith.constant 0 : index
      %swap3A_179 = tpu.vector_load %arg15[%swap3A] {strides = array<i32>} : memref<48xi32, #tpu.memory_space<vmem>>, vector<16xi32>,
      tpu.vector_store %arg15[%swap3A], %broadcast_in_dim3A_178 {strides = array<i32>} : memref<48xi32, #tpu.memory_space<vmem>>, vector<16xi32>,
      %swap3A_180 = arith.constant 16 : index
      %swap3A_181 = tpu.vector_load %arg15[%swap3A_180] {strides = array<i32>} : memref<48xi32, #tpu.memory_space<vmem>>, vector<16xi32>,
      tpu.vector_store %arg15[%swap3A_180], %broadcast_in_dim3A_178 {strides = array<i32>} : memref<48xi32, #tpu.memory_space<vmem>>, vector<16xi32>,
      %swap3A_182 = arith.constant 32 : index
      %swap3A_183 = tpu.vector_load %arg15[%swap3A_182] {strides = array<i32>} : memref<48xi32, #tpu.memory_space<vmem>>, vector<16xi32>,
      tpu.vector_store %arg15[%swap3A_182], %broadcast_in_dim3A_178 {strides = array<i32>} : memref<48xi32, #tpu.memory_space<vmem>>, vector<16xi32>,
      %while3A_184 = arith.constant 0 : i32
      %while3A_185 = arith.constant 0 : i32
      %while3A_186 = arith.constant 0 : i32
      %while3A_187 = arith.subi %mul3A_126, %while3A_184 : i32
      %while3A_188 = arith.addi %while3A_184, %while3A_187 : i32
      %while3A_189 = arith.constant 1 : i32
      %while3A_190 = arith.divsi %while3A_187, %while3A_189 : i32
      %while3A_191 = arith.muli %while3A_190, %while3A_189 : i32
      %while3A_192 = arith.addi %while3A_184, %while3A_191 : i32
      %while3A_193 = arith.constant 1 : i32
      %while3A_194:2 = scf.for %while3A_256 = %while3A_184 to %while3A_192 step %while3A_193 iter_args(%while3A_257 = %while3A_185, %while3A_258 = %while3A_186) -> (i32, i32)  : i32 {
        %mul3A_259 = arith.constant 16 : i32
        %mul3A_260 = arith.muli %while3A_256, %mul3A_259 : i32
        %get3A_261 = arith.index_cast %mul3A_260 : i32 to index
        %get3A_262 = tpu.vector_load %arg7[%get3A_261] {strides = array<i32>} : memref<2048xi32, #tpu.memory_space<vmem>>, vector<16xi32>,
        %mul3A_263 = arith.constant 16 : i32
        %mul3A_264 = arith.muli %while3A_256, %mul3A_263 : i32
        %get3A_265 = arith.index_cast %mul3A_264 : i32 to index
        %get3A_266 = tpu.vector_load %arg8[%get3A_265] {strides = array<i32>} : memref<2048xi32, #tpu.memory_space<vmem>>, vector<16xi32>,
        %lt3A_267 = vector.broadcast %while3A_176#1 : i32 to vector<16xi32>
        %lt3A_268 = arith.cmpi ult, %get3A_262, %lt3A_267 : vector<16xi32>
        %eq3A_269 = vector.broadcast %while3A_176#1 : i32 to vector<16xi32>
        %eq3A_270 = arith.cmpi eq, %get3A_262, %eq3A_269 : vector<16xi32>
        %convert_element_type3A_271 = arith.extui %lt3A_268 : vector<16xi1> to vector<16xi32>
        %reduce_sum3A_272 = arith.constant true
        %reduce_sum3A_273 = vector.broadcast %reduce_sum3A_272 : i1 to vector<16xi1>
        %reduce_sum3A_274 = tpu.scan <sum>, %convert_element_type3A_271 masked %reduce_sum3A_273 : vector<16xi32>, vector<16xi1> -> vector<16xi32>
        %reduce_sum3A_275 = vector.extract %reduce_sum3A_274[15] : i32 from vector<16xi32>
        %convert_element_type3A_276 = arith.extui %eq3A_270 : vector<16xi1> to vector<16xi32>
        %reduce_sum3A_277 = arith.constant true
        %reduce_sum3A_278 = vector.broadcast %reduce_sum3A_277 : i1 to vector<16xi1>
        %reduce_sum3A_279 = tpu.scan <sum>, %convert_element_type3A_276 masked %reduce_sum3A_278 : vector<16xi32>, vector<16xi1> -> vector<16xi32>
        %reduce_sum3A_280 = vector.extract %reduce_sum3A_279[15] : i32 from vector<16xi32>
        %gt3A_281 = arith.constant 0 : i32
        %gt3A_282 = arith.cmpi sgt, %reduce_sum3A_275, %gt3A_281 : i32
        %convert_element_type3A_283 = arith.extui %gt3A_282 : i1 to i32
        %cond3A_284 = arith.constant 0 : i32
        %cond3A_285 = arith.cmpi ne, %convert_element_type3A_283, %cond3A_284 : i32
        scf.if %cond3A_285 {
          %swap3A_298 = arith.index_cast %while3A_257 : i32 to index
          %swap3A_299 = tpu.vector_load %arg14[%swap3A_298] masked %lt3A_268 {strides = array<i32>} : memref<48xi32, #tpu.memory_space<vmem>>, vector<16xi32>, vector<16xi1>
          tpu.vector_store %arg14[%swap3A_298], %get3A_266 masked %lt3A_268 {strides = array<i32>} : memref<48xi32, #tpu.memory_space<vmem>>, vector<16xi32>, vector<16xi1>
        } else {
        }
        %gt3A_286 = arith.constant 0 : i32
        %gt3A_287 = arith.cmpi sgt, %reduce_sum3A_280, %gt3A_286 : i32
        %lt3A_288 = arith.constant 32 : i32
        %lt3A_289 = arith.cmpi slt, %while3A_258, %lt3A_288 : i32
        %and3A_290 = arith.andi %gt3A_287, %lt3A_289 : i1
        %convert_element_type3A_291 = arith.extui %and3A_290 : i1 to i32
        %cond3A_292 = arith.constant 0 : i32
        %cond3A_293 = arith.cmpi ne, %convert_element_type3A_291, %cond3A_292 : i32
        scf.if %cond3A_293 {
          %swap3A_298 = arith.index_cast %while3A_258 : i32 to index
          %swap3A_299 = tpu.vector_load %arg15[%swap3A_298] masked %eq3A_270 {strides = array<i32>} : memref<48xi32, #tpu.memory_space<vmem>>, vector<16xi32>, vector<16xi1>
          tpu.vector_store %arg15[%swap3A_298], %get3A_266 masked %eq3A_270 {strides = array<i32>} : memref<48xi32, #tpu.memory_space<vmem>>, vector<16xi32>, vector<16xi1>
        } else {
        }
        %add3A_294 = arith.addi %while3A_257, %reduce_sum3A_275 : i32
        %add3A_295 = arith.addi %while3A_258, %reduce_sum3A_280 : i32
        %min3A_296 = arith.constant 32 : i32
        %min3A_297 = arith.minsi %add3A_295, %min3A_296 : i32
        scf.yield %add3A_294, %min3A_297 : i32, i32
      }
      %while3A_195 = arith.constant 1 : i32
      %while3A_196:2 = scf.for %while3A_256 = %while3A_192 to %while3A_188 step %while3A_195 iter_args(%while3A_257 = %while3A_194#0, %while3A_258 = %while3A_194#1) -> (i32, i32)  : i32 {
        %mul3A_259 = arith.constant 16 : i32
        %mul3A_260 = arith.muli %while3A_256, %mul3A_259 : i32
        %get3A_261 = arith.index_cast %mul3A_260 : i32 to index
        %get3A_262 = tpu.vector_load %arg7[%get3A_261] {strides = array<i32>} : memref<2048xi32, #tpu.memory_space<vmem>>, vector<16xi32>,
        %mul3A_263 = arith.constant 16 : i32
        %mul3A_264 = arith.muli %while3A_256, %mul3A_263 : i32
        %get3A_265 = arith.index_cast %mul3A_264 : i32 to index
        %get3A_266 = tpu.vector_load %arg8[%get3A_265] {strides = array<i32>} : memref<2048xi32, #tpu.memory_space<vmem>>, vector<16xi32>,
        %lt3A_267 = vector.broadcast %while3A_176#1 : i32 to vector<16xi32>
        %lt3A_268 = arith.cmpi ult, %get3A_262, %lt3A_267 : vector<16xi32>
        %eq3A_269 = vector.broadcast %while3A_176#1 : i32 to vector<16xi32>
        %eq3A_270 = arith.cmpi eq, %get3A_262, %eq3A_269 : vector<16xi32>
        %convert_element_type3A_271 = arith.extui %lt3A_268 : vector<16xi1> to vector<16xi32>
        %reduce_sum3A_272 = arith.constant true
        %reduce_sum3A_273 = vector.broadcast %reduce_sum3A_272 : i1 to vector<16xi1>
        %reduce_sum3A_274 = tpu.scan <sum>, %convert_element_type3A_271 masked %reduce_sum3A_273 : vector<16xi32>, vector<16xi1> -> vector<16xi32>
        %reduce_sum3A_275 = vector.extract %reduce_sum3A_274[15] : i32 from vector<16xi32>
        %convert_element_type3A_276 = arith.extui %eq3A_270 : vector<16xi1> to vector<16xi32>
        %reduce_sum3A_277 = arith.constant true
        %reduce_sum3A_278 = vector.broadcast %reduce_sum3A_277 : i1 to vector<16xi1>
        %reduce_sum3A_279 = tpu.scan <sum>, %convert_element_type3A_276 masked %reduce_sum3A_278 : vector<16xi32>, vector<16xi1> -> vector<16xi32>
        %reduce_sum3A_280 = vector.extract %reduce_sum3A_279[15] : i32 from vector<16xi32>
        %gt3A_281 = arith.constant 0 : i32
        %gt3A_282 = arith.cmpi sgt, %reduce_sum3A_275, %gt3A_281 : i32
        %convert_element_type3A_283 = arith.extui %gt3A_282 : i1 to i32
        %cond3A_284 = arith.constant 0 : i32
        %cond3A_285 = arith.cmpi ne, %convert_element_type3A_283, %cond3A_284 : i32
        scf.if %cond3A_285 {
          %swap3A_298 = arith.index_cast %while3A_257 : i32 to index
          %swap3A_299 = tpu.vector_load %arg14[%swap3A_298] masked %lt3A_268 {strides = array<i32>} : memref<48xi32, #tpu.memory_space<vmem>>, vector<16xi32>, vector<16xi1>
          tpu.vector_store %arg14[%swap3A_298], %get3A_266 masked %lt3A_268 {strides = array<i32>} : memref<48xi32, #tpu.memory_space<vmem>>, vector<16xi32>, vector<16xi1>
        } else {
        }
        %gt3A_286 = arith.constant 0 : i32
        %gt3A_287 = arith.cmpi sgt, %reduce_sum3A_280, %gt3A_286 : i32
        %lt3A_288 = arith.constant 32 : i32
        %lt3A_289 = arith.cmpi slt, %while3A_258, %lt3A_288 : i32
        %and3A_290 = arith.andi %gt3A_287, %lt3A_289 : i1
        %convert_element_type3A_291 = arith.extui %and3A_290 : i1 to i32
        %cond3A_292 = arith.constant 0 : i32
        %cond3A_293 = arith.cmpi ne, %convert_element_type3A_291, %cond3A_292 : i32
        scf.if %cond3A_293 {
          %swap3A_298 = arith.index_cast %while3A_258 : i32 to index
          %swap3A_299 = tpu.vector_load %arg15[%swap3A_298] masked %eq3A_270 {strides = array<i32>} : memref<48xi32, #tpu.memory_space<vmem>>, vector<16xi32>, vector<16xi1>
          tpu.vector_store %arg15[%swap3A_298], %get3A_266 masked %eq3A_270 {strides = array<i32>} : memref<48xi32, #tpu.memory_space<vmem>>, vector<16xi32>, vector<16xi1>
        } else {
        }
        %add3A_294 = arith.addi %while3A_257, %reduce_sum3A_275 : i32
        %add3A_295 = arith.addi %while3A_258, %reduce_sum3A_280 : i32
        %min3A_296 = arith.constant 32 : i32
        %min3A_297 = arith.minsi %add3A_295, %min3A_296 : i32
        scf.yield %add3A_294, %min3A_297 : i32, i32
      }
      %sub3A_197 = arith.constant 32 : i32
      %sub3A_198 = arith.subi %sub3A_197, %while3A_176#3 : i32
      %get3A = arith.constant 0 : index
      %get3A_199 = tpu.vector_load %arg15[%get3A] {strides = array<i32>} : memref<48xi32, #tpu.memory_space<vmem>>, vector<16xi32>,
      %sort3A = arith.constant dense<true> : vector<16xi1>
      %sort3A_200, %sort3A_201, %sort3A_202 = tpu.sort %get3A_199, %get3A_199 masked %sort3A : (vector<16xi32>, vector<16xi32>, vector<16xi1>) -> (vector<16xi1>, vector<16xi32>, vector<16xi32>)
      %get3A_203 = arith.constant 16 : index
      %get3A_204 = tpu.vector_load %arg15[%get3A_203] {strides = array<i32>} : memref<48xi32, #tpu.memory_space<vmem>>, vector<16xi32>,
      %sort3A_205 = arith.constant dense<true> : vector<16xi1>
      %sort3A_206, %sort3A_207, %sort3A_208 = tpu.sort %get3A_204, %get3A_204 masked %sort3A_205 : (vector<16xi32>, vector<16xi32>, vector<16xi1>) -> (vector<16xi1>, vector<16xi32>, vector<16xi32>)
      %rev3A = arith.constant 15 : i32
      %rev3A_209 = vector.broadcast %rev3A : i32 to vector<16xi32>
      %rev3A_210 = tpu.iota {dimensions = array<i32: 0>} : vector<16xi32>
      %rev3A_211 = arith.subi %rev3A_209, %rev3A_210 : vector<16xi32>
      %rev3A_212 = tpu.dynamic_gather %sort3A_207[%rev3A_211] in [0] : vector<16xi32>, vector<16xi32> -> vector<16xi32>
      %min3A = arith.minsi %sort3A_201, %rev3A_212 : vector<16xi32>
      %sort3A_213 = arith.constant dense<true> : vector<16xi1>
      %sort3A_214, %sort3A_215, %sort3A_216 = tpu.sort %min3A, %min3A masked %sort3A_213 : (vector<16xi32>, vector<16xi32>, vector<16xi1>) -> (vector<16xi1>, vector<16xi32>, vector<16xi32>)
      %max3A = arith.maxsi %sort3A_201, %rev3A_212 : vector<16xi32>
      %sort3A_217 = arith.constant dense<true> : vector<16xi1>
      %sort3A_218, %sort3A_219, %sort3A_220 = tpu.sort %max3A, %max3A masked %sort3A_217 : (vector<16xi32>, vector<16xi32>, vector<16xi1>) -> (vector<16xi1>, vector<16xi32>, vector<16xi32>)
      %gt3A = arith.constant 0 : i32
      %gt3A_221 = arith.cmpi sgt, %sub3A_198, %gt3A : i32
      %convert_element_type3A = arith.extui %gt3A_221 : i1 to i32
      %cond3A = arith.constant 0 : i32
      %cond3A_222 = arith.cmpi ne, %convert_element_type3A, %cond3A : i32
      scf.if %cond3A_222 {
        %lt3A_256 = vector.broadcast %sub3A_198 : i32 to vector<16xi32>
        %lt3A_257 = arith.cmpi slt, %iota3A, %lt3A_256 : vector<16xi32>
        %swap3A_258 = arith.index_cast %while3A_176#3 : i32 to index
        %swap3A_259 = tpu.vector_load %arg14[%swap3A_258] masked %lt3A_257 {strides = array<i32>} : memref<48xi32, #tpu.memory_space<vmem>>, vector<16xi32>, vector<16xi1>
        tpu.vector_store %arg14[%swap3A_258], %sort3A_215 masked %lt3A_257 {strides = array<i32>} : memref<48xi32, #tpu.memory_space<vmem>>, vector<16xi32>, vector<16xi1>
      } else {
      }
      %gt3A_223 = arith.constant 16 : i32
      %gt3A_224 = arith.cmpi sgt, %sub3A_198, %gt3A_223 : i32
      %convert_element_type3A_225 = arith.extui %gt3A_224 : i1 to i32
      %cond3A_226 = arith.constant 0 : i32
      %cond3A_227 = arith.cmpi ne, %convert_element_type3A_225, %cond3A_226 : i32
      scf.if %cond3A_227 {
        %sub3A_256 = arith.constant 16 : i32
        %sub3A_257 = arith.subi %sub3A_198, %sub3A_256 : i32
        %lt3A_258 = vector.broadcast %sub3A_257 : i32 to vector<16xi32>
        %lt3A_259 = arith.cmpi slt, %iota3A, %lt3A_258 : vector<16xi32>
        %add3A_260 = arith.constant 16 : i32
        %add3A_261 = arith.addi %while3A_176#3, %add3A_260 : i32
        %swap3A_262 = arith.index_cast %add3A_261 : i32 to index
        %swap3A_263 = tpu.vector_load %arg14[%swap3A_262] masked %lt3A_259 {strides = array<i32>} : memref<48xi32, #tpu.memory_space<vmem>>, vector<16xi32>, vector<16xi1>
        tpu.vector_store %arg14[%swap3A_262], %sort3A_219 masked %lt3A_259 {strides = array<i32>} : memref<48xi32, #tpu.memory_space<vmem>>, vector<16xi32>, vector<16xi1>
      } else {
      }
      %dma_start3A_228 = arith.constant 0 : i32
      %dma_start3A_229 = tpu.memref_slice %arg14[%dma_start3A_228] : memref<48xi32, #tpu.memory_space<vmem>> -> memref<32xi32, #tpu.memory_space<vmem>>
      %dma_start3A_230 = arith.constant 0 : i32
      %dma_start3A_231 = tpu.memref_slice %arg4[%dma_start3A_230] : memref<100000xf32, #tpu.memory_space<hbm>> -> memref<100000xf32, #tpu.memory_space<hbm>>
      tpu.enqueue_indirect_dma source(%dma_start3A_231 : memref<100000xf32, #tpu.memory_space<hbm>>) target(%arg17 : memref<32xf32, #tpu.memory_space<vmem>>) offsets(%dma_start3A_229 : memref<32xi32, #tpu.memory_space<vmem>>) semaphore(%arg19 : memref<!tpu.dma_semaphore, #tpu.memory_space<semaphore_mem>>)
      %dma_wait3A_232 = arith.constant 0 : i32
      %dma_wait3A_233 = tpu.memref_slice %arg14[%dma_wait3A_232] : memref<48xi32, #tpu.memory_space<vmem>> -> memref<32xi32, #tpu.memory_space<vmem>>
      %dma_wait3A_234 = arith.constant 0 : i32
      %dma_wait3A_235 = tpu.memref_slice %arg4[%dma_wait3A_234] : memref<100000xf32, #tpu.memory_space<hbm>> -> memref<100000xf32, #tpu.memory_space<hbm>>
      tpu.wait_indirect_dma semaphore(%arg19 : memref<!tpu.dma_semaphore, #tpu.memory_space<semaphore_mem>>) src(%dma_wait3A_235 : memref<100000xf32, #tpu.memory_space<hbm>>) dst(%arg17 : memref<32xf32, #tpu.memory_space<vmem>>)
      %get3A_236 = arith.constant 0 : index
      %get3A_237 = tpu.vector_load %arg17[%get3A_236] {strides = array<i32>} : memref<32xf32, #tpu.memory_space<vmem>>, vector<16xf32>,
      %reduce_sum3A = arith.constant true
      %reduce_sum3A_238 = vector.broadcast %reduce_sum3A : i1 to vector<16xi1>
      %reduce_sum3A_239 = tpu.scan <sum>, %get3A_237 masked %reduce_sum3A_238 : vector<16xf32>, vector<16xi1> -> vector<16xf32>
      %reduce_sum3A_240 = vector.extract %reduce_sum3A_239[15] : f32 from vector<16xf32>
      %get3A_241 = arith.constant 16 : index
      %get3A_242 = tpu.vector_load %arg17[%get3A_241] {strides = array<i32>} : memref<32xf32, #tpu.memory_space<vmem>>, vector<16xf32>,
      %reduce_sum3A_243 = arith.constant true
      %reduce_sum3A_244 = vector.broadcast %reduce_sum3A_243 : i1 to vector<16xi1>
      %reduce_sum3A_245 = tpu.scan <sum>, %get3A_242 masked %reduce_sum3A_244 : vector<16xf32>, vector<16xi1> -> vector<16xf32>
      %reduce_sum3A_246 = vector.extract %reduce_sum3A_245[15] : f32 from vector<16xf32>
      %add3A_247 = arith.addf %reduce_sum3A_240, %reduce_sum3A_246 : f32
      %mul3A_248 = arith.constant 3.125000e-02 : f32
      %mul3A_249 = arith.mulf %add3A_247, %mul3A_248 : f32
      %broadcast_in_dim3A_250 = vector.broadcast %mul3A_249 : f32 to vector<16xf32>
      %broadcast_in_dim3A_251 = vector.broadcast %scan3A_9 : i32 to vector<16xi32>
      %eq3A_252 = arith.constant 0 : i32
      %eq3A_253 = vector.broadcast %eq3A_252 : i32 to vector<16xi32>
      %eq3A_254 = arith.cmpi eq, %iota3A, %eq3A_253 : vector<16xi32>
      tpu.vector_store_idx %arg18[%broadcast_in_dim3A_251], %broadcast_in_dim3A_250 masked %eq3A_254 : memref<32xf32, #tpu.memory_space<vmem>>[vector<16xi32>], vector<16xf32>, vector<16xi1>
      %scan3A_255 = arith.constant 0 : i32
      scf.yield %scan3A_255 : i32
    }
    %scan3A_6 = arith.constant 32 : i32
    %mul3A_7 = arith.constant 32 : i32
    %mul3A_8 = arith.muli %add3A, %mul3A_7 : i32
    "tpu.region"() ({
      %run_scoped3A = tpu.sem_alloc : memref<!tpu.dma_semaphore, #tpu.memory_space<semaphore_mem>>
      %dma_start3A = tpu.memref_slice %arg5[%mul3A_8] : memref<1024xf32, #tpu.memory_space<hbm>> -> memref<32xf32, #tpu.memory_space<hbm>>
      %dma_start3A_9 = tpu.memref_slice %arg5[%mul3A_8] : memref<1024xf32, #tpu.memory_space<hbm>> -> memref<32xf32, #tpu.memory_space<hbm>>
      tpu.enqueue_dma source(%arg18 : memref<32xf32, #tpu.memory_space<vmem>>) target(%dma_start3A_9 : memref<32xf32, #tpu.memory_space<hbm>>) target_semaphore(%run_scoped3A : memref<!tpu.dma_semaphore, #tpu.memory_space<semaphore_mem>>)
      %dma_wait3A = tpu.memref_slice %arg5[%mul3A_8] : memref<1024xf32, #tpu.memory_space<hbm>> -> memref<32xf32, #tpu.memory_space<hbm>>
      %dma_wait3A_10 = tpu.memref_slice %arg5[%mul3A_8] : memref<1024xf32, #tpu.memory_space<hbm>> -> memref<32xf32, #tpu.memory_space<hbm>>
      tpu.wait_dma2 semaphore(%run_scoped3A : memref<!tpu.dma_semaphore, #tpu.memory_space<semaphore_mem>>) src(%arg18 : memref<32xf32, #tpu.memory_space<vmem>>) dst(%dma_wait3A_10 : memref<32xf32, #tpu.memory_space<hbm>>)
      tpu.yield
    }) : () -> ()
    return
  }
}

module attributes {stable_mosaic.version = 14 : i64} {
  func.func @_dist_kernel(%arg0: i32, %arg1: i32, %arg2: memref<256x128xf32, #tpu.memory_space<vmem>>, %arg3: memref<2048x128xf32, #tpu.memory_space<vmem>>, %arg4: memref<256x1xf32, #tpu.memory_space<vmem>>, %arg5: memref<1x2048xf32, #tpu.memory_space<vmem>>, %arg6: memref<32x16x8x128xf32, #tpu.memory_space<vmem>>, %arg7: memref<1x256x64xf32, #tpu.memory_space<vmem>>) attributes {dimension_semantics = [#tpu.dimension_semantics<arbitrary>, #tpu.dimension_semantics<arbitrary>], iteration_bounds = array<i64: 4, 49>, scalar_prefetch = 0 : i64, scratch_operands = 0 : i64, tpu.core_type = #tpu.core_type<tc>, window_params = [{transform_indices = @transform_0, window_bounds = array<i64: 256, 128>}, {transform_indices = @transform_1, window_bounds = array<i64: 2048, 128>}, {transform_indices = @transform_2, window_bounds = array<i64: 256, 1>}, {transform_indices = @transform_3, window_bounds = array<i64: 1, 2048>}, {transform_indices = @transform_4, window_bounds = array<i64: 32, 16, 8, 128>}, {transform_indices = @transform_5, window_bounds = array<i64: 1, 256, 64>}]} {
    %get3A = arith.constant 0 : index
    %get3A_0 = arith.constant 0 : index
    %get3A_1 = vector.load %arg2[%get3A, %get3A_0] : memref<256x128xf32, #tpu.memory_space<vmem>>, vector<256x128xf32>
    %get3A_2 = arith.constant 0 : index
    %get3A_3 = arith.constant 0 : index
    %get3A_4 = vector.load %arg3[%get3A_2, %get3A_3] : memref<2048x128xf32, #tpu.memory_space<vmem>>, vector<2048x128xf32>
    %dot_general3A = arith.constant dense<0.000000e+00> : vector<256x2048xf32>
    %dot_general3A_5 = tpu.matmul %get3A_1, %get3A_4, %dot_general3A {dimension_numbers = #tpu.dot_dimension_numbers<[1], [1], [0], [0], [0, 0, 1, 0], [], []>, transpose_lhs_hint = false} : vector<256x128xf32>, vector<2048x128xf32>, vector<256x2048xf32> -> vector<256x2048xf32>
    %get3A_6 = arith.constant 0 : index
    %get3A_7 = arith.constant 0 : index
    %get3A_8 = vector.load %arg4[%get3A_6, %get3A_7] : memref<256x1xf32, #tpu.memory_space<vmem>>, vector<256x1xf32>
    %get3A_9 = arith.constant 0 : index
    %get3A_10 = arith.constant 0 : index
    %get3A_11 = vector.load %arg5[%get3A_9, %get3A_10] : memref<1x2048xf32, #tpu.memory_space<vmem>>, vector<1x2048xf32>
    %add3A = vector.broadcast %get3A_8 : vector<256x1xf32> to vector<256x2048xf32>
    %add3A_12 = vector.broadcast %get3A_11 : vector<1x2048xf32> to vector<256x2048xf32>
    %add3A_13 = arith.addf %add3A, %add3A_12 : vector<256x2048xf32>
    %mul3A = arith.constant 2.000000e+00 : f32
    %mul3A_14 = vector.broadcast %mul3A : f32 to vector<256x2048xf32>
    %mul3A_15 = arith.mulf %mul3A_14, %dot_general3A_5 : vector<256x2048xf32>
    %sub3A = arith.subf %add3A_13, %mul3A_15 : vector<256x2048xf32>
    %slice3A = vector.extract_strided_slice %sub3A {offsets = [0, 0], sizes = [256, 128], strides = [1, 1]} : vector<256x2048xf32> to vector<256x128xf32>
    %reshape3A = vector.shape_cast %slice3A : vector<256x128xf32> to vector<32x8x128xf32>
    %swap3A = arith.constant 0 : index
    %swap3A_16 = arith.constant 0 : index
    %swap3A_17 = arith.constant 0 : index
    %swap3A_18 = arith.constant 0 : index
    %swap3A_19 = vector.load %arg6[%swap3A, %swap3A_16, %swap3A_17, %swap3A_18] : memref<32x16x8x128xf32, #tpu.memory_space<vmem>>, vector<32x1x8x128xf32>
    %swap3A_20 = vector.shape_cast %swap3A_19 : vector<32x1x8x128xf32> to vector<32x8x128xf32>
    %swap3A_21 = vector.shape_cast %reshape3A : vector<32x8x128xf32> to vector<32x1x8x128xf32>
    tpu.vector_store %arg6[%swap3A, %swap3A_16, %swap3A_17, %swap3A_18], %swap3A_21 {strides = array<i32>} : memref<32x16x8x128xf32, #tpu.memory_space<vmem>>, vector<32x1x8x128xf32>,
    %slice3A_22 = vector.extract_strided_slice %slice3A {offsets = [0, 0], sizes = [256, 32], strides = [1, 1]} : vector<256x128xf32> to vector<256x32xf32>
    %reduce_min3A = arith.constant dense<0x7F800000> : vector<256xf32>
    %reduce_min3A_23 = vector.multi_reduction <minimumf>, %slice3A_22, %reduce_min3A [1] : vector<256x32xf32> to vector<256xf32>
    %broadcast_in_dim3A = vector.shape_cast %reduce_min3A_23 : vector<256xf32> to vector<256x1xf32>
    %swap3A_24 = arith.constant 0 : index
    %swap3A_25 = arith.constant 0 : index
    %swap3A_26 = arith.constant 0 : index
    %swap3A_27 = vector.load %arg7[%swap3A_24, %swap3A_25, %swap3A_26] : memref<1x256x64xf32, #tpu.memory_space<vmem>>, vector<1x256x1xf32>
    %swap3A_28 = vector.shape_cast %swap3A_27 : vector<1x256x1xf32> to vector<256x1xf32>
    %swap3A_29 = vector.shape_cast %broadcast_in_dim3A : vector<256x1xf32> to vector<1x256x1xf32>
    tpu.vector_store %arg7[%swap3A_24, %swap3A_25, %swap3A_26], %swap3A_29 {strides = array<i32>} : memref<1x256x64xf32, #tpu.memory_space<vmem>>, vector<1x256x1xf32>,
    %slice3A_30 = vector.extract_strided_slice %slice3A {offsets = [0, 32], sizes = [256, 32], strides = [1, 1]} : vector<256x128xf32> to vector<256x32xf32>
    %reduce_min3A_31 = arith.constant dense<0x7F800000> : vector<256xf32>
    %reduce_min3A_32 = vector.multi_reduction <minimumf>, %slice3A_30, %reduce_min3A_31 [1] : vector<256x32xf32> to vector<256xf32>
    %broadcast_in_dim3A_33 = vector.shape_cast %reduce_min3A_32 : vector<256xf32> to vector<256x1xf32>
    %swap3A_34 = arith.constant 0 : index
    %swap3A_35 = arith.constant 0 : index
    %swap3A_36 = arith.constant 1 : index
    %swap3A_37 = vector.load %arg7[%swap3A_34, %swap3A_35, %swap3A_36] : memref<1x256x64xf32, #tpu.memory_space<vmem>>, vector<1x256x1xf32>
    %swap3A_38 = vector.shape_cast %swap3A_37 : vector<1x256x1xf32> to vector<256x1xf32>
    %swap3A_39 = vector.shape_cast %broadcast_in_dim3A_33 : vector<256x1xf32> to vector<1x256x1xf32>
    tpu.vector_store %arg7[%swap3A_34, %swap3A_35, %swap3A_36], %swap3A_39 {strides = array<i32>} : memref<1x256x64xf32, #tpu.memory_space<vmem>>, vector<1x256x1xf32>,
    %slice3A_40 = vector.extract_strided_slice %slice3A {offsets = [0, 64], sizes = [256, 32], strides = [1, 1]} : vector<256x128xf32> to vector<256x32xf32>
    %reduce_min3A_41 = arith.constant dense<0x7F800000> : vector<256xf32>
    %reduce_min3A_42 = vector.multi_reduction <minimumf>, %slice3A_40, %reduce_min3A_41 [1] : vector<256x32xf32> to vector<256xf32>
    %broadcast_in_dim3A_43 = vector.shape_cast %reduce_min3A_42 : vector<256xf32> to vector<256x1xf32>
    %swap3A_44 = arith.constant 0 : index
    %swap3A_45 = arith.constant 0 : index
    %swap3A_46 = arith.constant 2 : index
    %swap3A_47 = vector.load %arg7[%swap3A_44, %swap3A_45, %swap3A_46] : memref<1x256x64xf32, #tpu.memory_space<vmem>>, vector<1x256x1xf32>
    %swap3A_48 = vector.shape_cast %swap3A_47 : vector<1x256x1xf32> to vector<256x1xf32>
    %swap3A_49 = vector.shape_cast %broadcast_in_dim3A_43 : vector<256x1xf32> to vector<1x256x1xf32>
    tpu.vector_store %arg7[%swap3A_44, %swap3A_45, %swap3A_46], %swap3A_49 {strides = array<i32>} : memref<1x256x64xf32, #tpu.memory_space<vmem>>, vector<1x256x1xf32>,
    %slice3A_50 = vector.extract_strided_slice %slice3A {offsets = [0, 96], sizes = [256, 32], strides = [1, 1]} : vector<256x128xf32> to vector<256x32xf32>
    %reduce_min3A_51 = arith.constant dense<0x7F800000> : vector<256xf32>
    %reduce_min3A_52 = vector.multi_reduction <minimumf>, %slice3A_50, %reduce_min3A_51 [1] : vector<256x32xf32> to vector<256xf32>
    %broadcast_in_dim3A_53 = vector.shape_cast %reduce_min3A_52 : vector<256xf32> to vector<256x1xf32>
    %swap3A_54 = arith.constant 0 : index
    %swap3A_55 = arith.constant 0 : index
    %swap3A_56 = arith.constant 3 : index
    %swap3A_57 = vector.load %arg7[%swap3A_54, %swap3A_55, %swap3A_56] : memref<1x256x64xf32, #tpu.memory_space<vmem>>, vector<1x256x1xf32>
    %swap3A_58 = vector.shape_cast %swap3A_57 : vector<1x256x1xf32> to vector<256x1xf32>
    %swap3A_59 = vector.shape_cast %broadcast_in_dim3A_53 : vector<256x1xf32> to vector<1x256x1xf32>
    tpu.vector_store %arg7[%swap3A_54, %swap3A_55, %swap3A_56], %swap3A_59 {strides = array<i32>} : memref<1x256x64xf32, #tpu.memory_space<vmem>>, vector<1x256x1xf32>,
    %slice3A_60 = vector.extract_strided_slice %sub3A {offsets = [0, 128], sizes = [256, 128], strides = [1, 1]} : vector<256x2048xf32> to vector<256x128xf32>
    %reshape3A_61 = vector.shape_cast %slice3A_60 : vector<256x128xf32> to vector<32x8x128xf32>
    %swap3A_62 = arith.constant 0 : index
    %swap3A_63 = arith.constant 1 : index
    %swap3A_64 = arith.constant 0 : index
    %swap3A_65 = arith.constant 0 : index
    %swap3A_66 = vector.load %arg6[%swap3A_62, %swap3A_63, %swap3A_64, %swap3A_65] : memref<32x16x8x128xf32, #tpu.memory_space<vmem>>, vector<32x1x8x128xf32>
    %swap3A_67 = vector.shape_cast %swap3A_66 : vector<32x1x8x128xf32> to vector<32x8x128xf32>
    %swap3A_68 = vector.shape_cast %reshape3A_61 : vector<32x8x128xf32> to vector<32x1x8x128xf32>
    tpu.vector_store %arg6[%swap3A_62, %swap3A_63, %swap3A_64, %swap3A_65], %swap3A_68 {strides = array<i32>} : memref<32x16x8x128xf32, #tpu.memory_space<vmem>>, vector<32x1x8x128xf32>,
    %slice3A_69 = vector.extract_strided_slice %slice3A_60 {offsets = [0, 0], sizes = [256, 32], strides = [1, 1]} : vector<256x128xf32> to vector<256x32xf32>
    %reduce_min3A_70 = arith.constant dense<0x7F800000> : vector<256xf32>
    %reduce_min3A_71 = vector.multi_reduction <minimumf>, %slice3A_69, %reduce_min3A_70 [1] : vector<256x32xf32> to vector<256xf32>
    %broadcast_in_dim3A_72 = vector.shape_cast %reduce_min3A_71 : vector<256xf32> to vector<256x1xf32>
    %swap3A_73 = arith.constant 0 : index
    %swap3A_74 = arith.constant 0 : index
    %swap3A_75 = arith.constant 4 : index
    %swap3A_76 = vector.load %arg7[%swap3A_73, %swap3A_74, %swap3A_75] : memref<1x256x64xf32, #tpu.memory_space<vmem>>, vector<1x256x1xf32>
    %swap3A_77 = vector.shape_cast %swap3A_76 : vector<1x256x1xf32> to vector<256x1xf32>
    %swap3A_78 = vector.shape_cast %broadcast_in_dim3A_72 : vector<256x1xf32> to vector<1x256x1xf32>
    tpu.vector_store %arg7[%swap3A_73, %swap3A_74, %swap3A_75], %swap3A_78 {strides = array<i32>} : memref<1x256x64xf32, #tpu.memory_space<vmem>>, vector<1x256x1xf32>,
    %slice3A_79 = vector.extract_strided_slice %slice3A_60 {offsets = [0, 32], sizes = [256, 32], strides = [1, 1]} : vector<256x128xf32> to vector<256x32xf32>
    %reduce_min3A_80 = arith.constant dense<0x7F800000> : vector<256xf32>
    %reduce_min3A_81 = vector.multi_reduction <minimumf>, %slice3A_79, %reduce_min3A_80 [1] : vector<256x32xf32> to vector<256xf32>
    %broadcast_in_dim3A_82 = vector.shape_cast %reduce_min3A_81 : vector<256xf32> to vector<256x1xf32>
    %swap3A_83 = arith.constant 0 : index
    %swap3A_84 = arith.constant 0 : index
    %swap3A_85 = arith.constant 5 : index
    %swap3A_86 = vector.load %arg7[%swap3A_83, %swap3A_84, %swap3A_85] : memref<1x256x64xf32, #tpu.memory_space<vmem>>, vector<1x256x1xf32>
    %swap3A_87 = vector.shape_cast %swap3A_86 : vector<1x256x1xf32> to vector<256x1xf32>
    %swap3A_88 = vector.shape_cast %broadcast_in_dim3A_82 : vector<256x1xf32> to vector<1x256x1xf32>
    tpu.vector_store %arg7[%swap3A_83, %swap3A_84, %swap3A_85], %swap3A_88 {strides = array<i32>} : memref<1x256x64xf32, #tpu.memory_space<vmem>>, vector<1x256x1xf32>,
    %slice3A_89 = vector.extract_strided_slice %slice3A_60 {offsets = [0, 64], sizes = [256, 32], strides = [1, 1]} : vector<256x128xf32> to vector<256x32xf32>
    %reduce_min3A_90 = arith.constant dense<0x7F800000> : vector<256xf32>
    %reduce_min3A_91 = vector.multi_reduction <minimumf>, %slice3A_89, %reduce_min3A_90 [1] : vector<256x32xf32> to vector<256xf32>
    %broadcast_in_dim3A_92 = vector.shape_cast %reduce_min3A_91 : vector<256xf32> to vector<256x1xf32>
    %swap3A_93 = arith.constant 0 : index
    %swap3A_94 = arith.constant 0 : index
    %swap3A_95 = arith.constant 6 : index
    %swap3A_96 = vector.load %arg7[%swap3A_93, %swap3A_94, %swap3A_95] : memref<1x256x64xf32, #tpu.memory_space<vmem>>, vector<1x256x1xf32>
    %swap3A_97 = vector.shape_cast %swap3A_96 : vector<1x256x1xf32> to vector<256x1xf32>
    %swap3A_98 = vector.shape_cast %broadcast_in_dim3A_92 : vector<256x1xf32> to vector<1x256x1xf32>
    tpu.vector_store %arg7[%swap3A_93, %swap3A_94, %swap3A_95], %swap3A_98 {strides = array<i32>} : memref<1x256x64xf32, #tpu.memory_space<vmem>>, vector<1x256x1xf32>,
    %slice3A_99 = vector.extract_strided_slice %slice3A_60 {offsets = [0, 96], sizes = [256, 32], strides = [1, 1]} : vector<256x128xf32> to vector<256x32xf32>
    %reduce_min3A_100 = arith.constant dense<0x7F800000> : vector<256xf32>
    %reduce_min3A_101 = vector.multi_reduction <minimumf>, %slice3A_99, %reduce_min3A_100 [1] : vector<256x32xf32> to vector<256xf32>
    %broadcast_in_dim3A_102 = vector.shape_cast %reduce_min3A_101 : vector<256xf32> to vector<256x1xf32>
    %swap3A_103 = arith.constant 0 : index
    %swap3A_104 = arith.constant 0 : index
    %swap3A_105 = arith.constant 7 : index
    %swap3A_106 = vector.load %arg7[%swap3A_103, %swap3A_104, %swap3A_105] : memref<1x256x64xf32, #tpu.memory_space<vmem>>, vector<1x256x1xf32>
    %swap3A_107 = vector.shape_cast %swap3A_106 : vector<1x256x1xf32> to vector<256x1xf32>
    %swap3A_108 = vector.shape_cast %broadcast_in_dim3A_102 : vector<256x1xf32> to vector<1x256x1xf32>
    tpu.vector_store %arg7[%swap3A_103, %swap3A_104, %swap3A_105], %swap3A_108 {strides = array<i32>} : memref<1x256x64xf32, #tpu.memory_space<vmem>>, vector<1x256x1xf32>,
    %slice3A_109 = vector.extract_strided_slice %sub3A {offsets = [0, 256], sizes = [256, 128], strides = [1, 1]} : vector<256x2048xf32> to vector<256x128xf32>
    %reshape3A_110 = vector.shape_cast %slice3A_109 : vector<256x128xf32> to vector<32x8x128xf32>
    %swap3A_111 = arith.constant 0 : index
    %swap3A_112 = arith.constant 2 : index
    %swap3A_113 = arith.constant 0 : index
    %swap3A_114 = arith.constant 0 : index
    %swap3A_115 = vector.load %arg6[%swap3A_111, %swap3A_112, %swap3A_113, %swap3A_114] : memref<32x16x8x128xf32, #tpu.memory_space<vmem>>, vector<32x1x8x128xf32>
    %swap3A_116 = vector.shape_cast %swap3A_115 : vector<32x1x8x128xf32> to vector<32x8x128xf32>
    %swap3A_117 = vector.shape_cast %reshape3A_110 : vector<32x8x128xf32> to vector<32x1x8x128xf32>
    tpu.vector_store %arg6[%swap3A_111, %swap3A_112, %swap3A_113, %swap3A_114], %swap3A_117 {strides = array<i32>} : memref<32x16x8x128xf32, #tpu.memory_space<vmem>>, vector<32x1x8x128xf32>,
    %slice3A_118 = vector.extract_strided_slice %slice3A_109 {offsets = [0, 0], sizes = [256, 32], strides = [1, 1]} : vector<256x128xf32> to vector<256x32xf32>
    %reduce_min3A_119 = arith.constant dense<0x7F800000> : vector<256xf32>
    %reduce_min3A_120 = vector.multi_reduction <minimumf>, %slice3A_118, %reduce_min3A_119 [1] : vector<256x32xf32> to vector<256xf32>
    %broadcast_in_dim3A_121 = vector.shape_cast %reduce_min3A_120 : vector<256xf32> to vector<256x1xf32>
    %swap3A_122 = arith.constant 0 : index
    %swap3A_123 = arith.constant 0 : index
    %swap3A_124 = arith.constant 8 : index
    %swap3A_125 = vector.load %arg7[%swap3A_122, %swap3A_123, %swap3A_124] : memref<1x256x64xf32, #tpu.memory_space<vmem>>, vector<1x256x1xf32>
    %swap3A_126 = vector.shape_cast %swap3A_125 : vector<1x256x1xf32> to vector<256x1xf32>
    %swap3A_127 = vector.shape_cast %broadcast_in_dim3A_121 : vector<256x1xf32> to vector<1x256x1xf32>
    tpu.vector_store %arg7[%swap3A_122, %swap3A_123, %swap3A_124], %swap3A_127 {strides = array<i32>} : memref<1x256x64xf32, #tpu.memory_space<vmem>>, vector<1x256x1xf32>,
    %slice3A_128 = vector.extract_strided_slice %slice3A_109 {offsets = [0, 32], sizes = [256, 32], strides = [1, 1]} : vector<256x128xf32> to vector<256x32xf32>
    %reduce_min3A_129 = arith.constant dense<0x7F800000> : vector<256xf32>
    %reduce_min3A_130 = vector.multi_reduction <minimumf>, %slice3A_128, %reduce_min3A_129 [1] : vector<256x32xf32> to vector<256xf32>
    %broadcast_in_dim3A_131 = vector.shape_cast %reduce_min3A_130 : vector<256xf32> to vector<256x1xf32>
    %swap3A_132 = arith.constant 0 : index
    %swap3A_133 = arith.constant 0 : index
    %swap3A_134 = arith.constant 9 : index
    %swap3A_135 = vector.load %arg7[%swap3A_132, %swap3A_133, %swap3A_134] : memref<1x256x64xf32, #tpu.memory_space<vmem>>, vector<1x256x1xf32>
    %swap3A_136 = vector.shape_cast %swap3A_135 : vector<1x256x1xf32> to vector<256x1xf32>
    %swap3A_137 = vector.shape_cast %broadcast_in_dim3A_131 : vector<256x1xf32> to vector<1x256x1xf32>
    tpu.vector_store %arg7[%swap3A_132, %swap3A_133, %swap3A_134], %swap3A_137 {strides = array<i32>} : memref<1x256x64xf32, #tpu.memory_space<vmem>>, vector<1x256x1xf32>,
    %slice3A_138 = vector.extract_strided_slice %slice3A_109 {offsets = [0, 64], sizes = [256, 32], strides = [1, 1]} : vector<256x128xf32> to vector<256x32xf32>
    %reduce_min3A_139 = arith.constant dense<0x7F800000> : vector<256xf32>
    %reduce_min3A_140 = vector.multi_reduction <minimumf>, %slice3A_138, %reduce_min3A_139 [1] : vector<256x32xf32> to vector<256xf32>
    %broadcast_in_dim3A_141 = vector.shape_cast %reduce_min3A_140 : vector<256xf32> to vector<256x1xf32>
    %swap3A_142 = arith.constant 0 : index
    %swap3A_143 = arith.constant 0 : index
    %swap3A_144 = arith.constant 10 : index
    %swap3A_145 = vector.load %arg7[%swap3A_142, %swap3A_143, %swap3A_144] : memref<1x256x64xf32, #tpu.memory_space<vmem>>, vector<1x256x1xf32>
    %swap3A_146 = vector.shape_cast %swap3A_145 : vector<1x256x1xf32> to vector<256x1xf32>
    %swap3A_147 = vector.shape_cast %broadcast_in_dim3A_141 : vector<256x1xf32> to vector<1x256x1xf32>
    tpu.vector_store %arg7[%swap3A_142, %swap3A_143, %swap3A_144], %swap3A_147 {strides = array<i32>} : memref<1x256x64xf32, #tpu.memory_space<vmem>>, vector<1x256x1xf32>,
    %slice3A_148 = vector.extract_strided_slice %slice3A_109 {offsets = [0, 96], sizes = [256, 32], strides = [1, 1]} : vector<256x128xf32> to vector<256x32xf32>
    %reduce_min3A_149 = arith.constant dense<0x7F800000> : vector<256xf32>
    %reduce_min3A_150 = vector.multi_reduction <minimumf>, %slice3A_148, %reduce_min3A_149 [1] : vector<256x32xf32> to vector<256xf32>
    %broadcast_in_dim3A_151 = vector.shape_cast %reduce_min3A_150 : vector<256xf32> to vector<256x1xf32>
    %swap3A_152 = arith.constant 0 : index
    %swap3A_153 = arith.constant 0 : index
    %swap3A_154 = arith.constant 11 : index
    %swap3A_155 = vector.load %arg7[%swap3A_152, %swap3A_153, %swap3A_154] : memref<1x256x64xf32, #tpu.memory_space<vmem>>, vector<1x256x1xf32>
    %swap3A_156 = vector.shape_cast %swap3A_155 : vector<1x256x1xf32> to vector<256x1xf32>
    %swap3A_157 = vector.shape_cast %broadcast_in_dim3A_151 : vector<256x1xf32> to vector<1x256x1xf32>
    tpu.vector_store %arg7[%swap3A_152, %swap3A_153, %swap3A_154], %swap3A_157 {strides = array<i32>} : memref<1x256x64xf32, #tpu.memory_space<vmem>>, vector<1x256x1xf32>,
    %slice3A_158 = vector.extract_strided_slice %sub3A {offsets = [0, 384], sizes = [256, 128], strides = [1, 1]} : vector<256x2048xf32> to vector<256x128xf32>
    %reshape3A_159 = vector.shape_cast %slice3A_158 : vector<256x128xf32> to vector<32x8x128xf32>
    %swap3A_160 = arith.constant 0 : index
    %swap3A_161 = arith.constant 3 : index
    %swap3A_162 = arith.constant 0 : index
    %swap3A_163 = arith.constant 0 : index
    %swap3A_164 = vector.load %arg6[%swap3A_160, %swap3A_161, %swap3A_162, %swap3A_163] : memref<32x16x8x128xf32, #tpu.memory_space<vmem>>, vector<32x1x8x128xf32>
    %swap3A_165 = vector.shape_cast %swap3A_164 : vector<32x1x8x128xf32> to vector<32x8x128xf32>
    %swap3A_166 = vector.shape_cast %reshape3A_159 : vector<32x8x128xf32> to vector<32x1x8x128xf32>
    tpu.vector_store %arg6[%swap3A_160, %swap3A_161, %swap3A_162, %swap3A_163], %swap3A_166 {strides = array<i32>} : memref<32x16x8x128xf32, #tpu.memory_space<vmem>>, vector<32x1x8x128xf32>,
    %slice3A_167 = vector.extract_strided_slice %slice3A_158 {offsets = [0, 0], sizes = [256, 32], strides = [1, 1]} : vector<256x128xf32> to vector<256x32xf32>
    %reduce_min3A_168 = arith.constant dense<0x7F800000> : vector<256xf32>
    %reduce_min3A_169 = vector.multi_reduction <minimumf>, %slice3A_167, %reduce_min3A_168 [1] : vector<256x32xf32> to vector<256xf32>
    %broadcast_in_dim3A_170 = vector.shape_cast %reduce_min3A_169 : vector<256xf32> to vector<256x1xf32>
    %swap3A_171 = arith.constant 0 : index
    %swap3A_172 = arith.constant 0 : index
    %swap3A_173 = arith.constant 12 : index
    %swap3A_174 = vector.load %arg7[%swap3A_171, %swap3A_172, %swap3A_173] : memref<1x256x64xf32, #tpu.memory_space<vmem>>, vector<1x256x1xf32>
    %swap3A_175 = vector.shape_cast %swap3A_174 : vector<1x256x1xf32> to vector<256x1xf32>
    %swap3A_176 = vector.shape_cast %broadcast_in_dim3A_170 : vector<256x1xf32> to vector<1x256x1xf32>
    tpu.vector_store %arg7[%swap3A_171, %swap3A_172, %swap3A_173], %swap3A_176 {strides = array<i32>} : memref<1x256x64xf32, #tpu.memory_space<vmem>>, vector<1x256x1xf32>,
    %slice3A_177 = vector.extract_strided_slice %slice3A_158 {offsets = [0, 32], sizes = [256, 32], strides = [1, 1]} : vector<256x128xf32> to vector<256x32xf32>
    %reduce_min3A_178 = arith.constant dense<0x7F800000> : vector<256xf32>
    %reduce_min3A_179 = vector.multi_reduction <minimumf>, %slice3A_177, %reduce_min3A_178 [1] : vector<256x32xf32> to vector<256xf32>
    %broadcast_in_dim3A_180 = vector.shape_cast %reduce_min3A_179 : vector<256xf32> to vector<256x1xf32>
    %swap3A_181 = arith.constant 0 : index
    %swap3A_182 = arith.constant 0 : index
    %swap3A_183 = arith.constant 13 : index
    %swap3A_184 = vector.load %arg7[%swap3A_181, %swap3A_182, %swap3A_183] : memref<1x256x64xf32, #tpu.memory_space<vmem>>, vector<1x256x1xf32>
    %swap3A_185 = vector.shape_cast %swap3A_184 : vector<1x256x1xf32> to vector<256x1xf32>
    %swap3A_186 = vector.shape_cast %broadcast_in_dim3A_180 : vector<256x1xf32> to vector<1x256x1xf32>
    tpu.vector_store %arg7[%swap3A_181, %swap3A_182, %swap3A_183], %swap3A_186 {strides = array<i32>} : memref<1x256x64xf32, #tpu.memory_space<vmem>>, vector<1x256x1xf32>,
    %slice3A_187 = vector.extract_strided_slice %slice3A_158 {offsets = [0, 64], sizes = [256, 32], strides = [1, 1]} : vector<256x128xf32> to vector<256x32xf32>
    %reduce_min3A_188 = arith.constant dense<0x7F800000> : vector<256xf32>
    %reduce_min3A_189 = vector.multi_reduction <minimumf>, %slice3A_187, %reduce_min3A_188 [1] : vector<256x32xf32> to vector<256xf32>
    %broadcast_in_dim3A_190 = vector.shape_cast %reduce_min3A_189 : vector<256xf32> to vector<256x1xf32>
    %swap3A_191 = arith.constant 0 : index
    %swap3A_192 = arith.constant 0 : index
    %swap3A_193 = arith.constant 14 : index
    %swap3A_194 = vector.load %arg7[%swap3A_191, %swap3A_192, %swap3A_193] : memref<1x256x64xf32, #tpu.memory_space<vmem>>, vector<1x256x1xf32>
    %swap3A_195 = vector.shape_cast %swap3A_194 : vector<1x256x1xf32> to vector<256x1xf32>
    %swap3A_196 = vector.shape_cast %broadcast_in_dim3A_190 : vector<256x1xf32> to vector<1x256x1xf32>
    tpu.vector_store %arg7[%swap3A_191, %swap3A_192, %swap3A_193], %swap3A_196 {strides = array<i32>} : memref<1x256x64xf32, #tpu.memory_space<vmem>>, vector<1x256x1xf32>,
    %slice3A_197 = vector.extract_strided_slice %slice3A_158 {offsets = [0, 96], sizes = [256, 32], strides = [1, 1]} : vector<256x128xf32> to vector<256x32xf32>
    %reduce_min3A_198 = arith.constant dense<0x7F800000> : vector<256xf32>
    %reduce_min3A_199 = vector.multi_reduction <minimumf>, %slice3A_197, %reduce_min3A_198 [1] : vector<256x32xf32> to vector<256xf32>
    %broadcast_in_dim3A_200 = vector.shape_cast %reduce_min3A_199 : vector<256xf32> to vector<256x1xf32>
    %swap3A_201 = arith.constant 0 : index
    %swap3A_202 = arith.constant 0 : index
    %swap3A_203 = arith.constant 15 : index
    %swap3A_204 = vector.load %arg7[%swap3A_201, %swap3A_202, %swap3A_203] : memref<1x256x64xf32, #tpu.memory_space<vmem>>, vector<1x256x1xf32>
    %swap3A_205 = vector.shape_cast %swap3A_204 : vector<1x256x1xf32> to vector<256x1xf32>
    %swap3A_206 = vector.shape_cast %broadcast_in_dim3A_200 : vector<256x1xf32> to vector<1x256x1xf32>
    tpu.vector_store %arg7[%swap3A_201, %swap3A_202, %swap3A_203], %swap3A_206 {strides = array<i32>} : memref<1x256x64xf32, #tpu.memory_space<vmem>>, vector<1x256x1xf32>,
    %slice3A_207 = vector.extract_strided_slice %sub3A {offsets = [0, 512], sizes = [256, 128], strides = [1, 1]} : vector<256x2048xf32> to vector<256x128xf32>
    %reshape3A_208 = vector.shape_cast %slice3A_207 : vector<256x128xf32> to vector<32x8x128xf32>
    %swap3A_209 = arith.constant 0 : index
    %swap3A_210 = arith.constant 4 : index
    %swap3A_211 = arith.constant 0 : index
    %swap3A_212 = arith.constant 0 : index
    %swap3A_213 = vector.load %arg6[%swap3A_209, %swap3A_210, %swap3A_211, %swap3A_212] : memref<32x16x8x128xf32, #tpu.memory_space<vmem>>, vector<32x1x8x128xf32>
    %swap3A_214 = vector.shape_cast %swap3A_213 : vector<32x1x8x128xf32> to vector<32x8x128xf32>
    %swap3A_215 = vector.shape_cast %reshape3A_208 : vector<32x8x128xf32> to vector<32x1x8x128xf32>
    tpu.vector_store %arg6[%swap3A_209, %swap3A_210, %swap3A_211, %swap3A_212], %swap3A_215 {strides = array<i32>} : memref<32x16x8x128xf32, #tpu.memory_space<vmem>>, vector<32x1x8x128xf32>,
    %slice3A_216 = vector.extract_strided_slice %slice3A_207 {offsets = [0, 0], sizes = [256, 32], strides = [1, 1]} : vector<256x128xf32> to vector<256x32xf32>
    %reduce_min3A_217 = arith.constant dense<0x7F800000> : vector<256xf32>
    %reduce_min3A_218 = vector.multi_reduction <minimumf>, %slice3A_216, %reduce_min3A_217 [1] : vector<256x32xf32> to vector<256xf32>
    %broadcast_in_dim3A_219 = vector.shape_cast %reduce_min3A_218 : vector<256xf32> to vector<256x1xf32>
    %swap3A_220 = arith.constant 0 : index
    %swap3A_221 = arith.constant 0 : index
    %swap3A_222 = arith.constant 16 : index
    %swap3A_223 = vector.load %arg7[%swap3A_220, %swap3A_221, %swap3A_222] : memref<1x256x64xf32, #tpu.memory_space<vmem>>, vector<1x256x1xf32>
    %swap3A_224 = vector.shape_cast %swap3A_223 : vector<1x256x1xf32> to vector<256x1xf32>
    %swap3A_225 = vector.shape_cast %broadcast_in_dim3A_219 : vector<256x1xf32> to vector<1x256x1xf32>
    tpu.vector_store %arg7[%swap3A_220, %swap3A_221, %swap3A_222], %swap3A_225 {strides = array<i32>} : memref<1x256x64xf32, #tpu.memory_space<vmem>>, vector<1x256x1xf32>,
    %slice3A_226 = vector.extract_strided_slice %slice3A_207 {offsets = [0, 32], sizes = [256, 32], strides = [1, 1]} : vector<256x128xf32> to vector<256x32xf32>
    %reduce_min3A_227 = arith.constant dense<0x7F800000> : vector<256xf32>
    %reduce_min3A_228 = vector.multi_reduction <minimumf>, %slice3A_226, %reduce_min3A_227 [1] : vector<256x32xf32> to vector<256xf32>
    %broadcast_in_dim3A_229 = vector.shape_cast %reduce_min3A_228 : vector<256xf32> to vector<256x1xf32>
    %swap3A_230 = arith.constant 0 : index
    %swap3A_231 = arith.constant 0 : index
    %swap3A_232 = arith.constant 17 : index
    %swap3A_233 = vector.load %arg7[%swap3A_230, %swap3A_231, %swap3A_232] : memref<1x256x64xf32, #tpu.memory_space<vmem>>, vector<1x256x1xf32>
    %swap3A_234 = vector.shape_cast %swap3A_233 : vector<1x256x1xf32> to vector<256x1xf32>
    %swap3A_235 = vector.shape_cast %broadcast_in_dim3A_229 : vector<256x1xf32> to vector<1x256x1xf32>
    tpu.vector_store %arg7[%swap3A_230, %swap3A_231, %swap3A_232], %swap3A_235 {strides = array<i32>} : memref<1x256x64xf32, #tpu.memory_space<vmem>>, vector<1x256x1xf32>,
    %slice3A_236 = vector.extract_strided_slice %slice3A_207 {offsets = [0, 64], sizes = [256, 32], strides = [1, 1]} : vector<256x128xf32> to vector<256x32xf32>
    %reduce_min3A_237 = arith.constant dense<0x7F800000> : vector<256xf32>
    %reduce_min3A_238 = vector.multi_reduction <minimumf>, %slice3A_236, %reduce_min3A_237 [1] : vector<256x32xf32> to vector<256xf32>
    %broadcast_in_dim3A_239 = vector.shape_cast %reduce_min3A_238 : vector<256xf32> to vector<256x1xf32>
    %swap3A_240 = arith.constant 0 : index
    %swap3A_241 = arith.constant 0 : index
    %swap3A_242 = arith.constant 18 : index
    %swap3A_243 = vector.load %arg7[%swap3A_240, %swap3A_241, %swap3A_242] : memref<1x256x64xf32, #tpu.memory_space<vmem>>, vector<1x256x1xf32>
    %swap3A_244 = vector.shape_cast %swap3A_243 : vector<1x256x1xf32> to vector<256x1xf32>
    %swap3A_245 = vector.shape_cast %broadcast_in_dim3A_239 : vector<256x1xf32> to vector<1x256x1xf32>
    tpu.vector_store %arg7[%swap3A_240, %swap3A_241, %swap3A_242], %swap3A_245 {strides = array<i32>} : memref<1x256x64xf32, #tpu.memory_space<vmem>>, vector<1x256x1xf32>,
    %slice3A_246 = vector.extract_strided_slice %slice3A_207 {offsets = [0, 96], sizes = [256, 32], strides = [1, 1]} : vector<256x128xf32> to vector<256x32xf32>
    %reduce_min3A_247 = arith.constant dense<0x7F800000> : vector<256xf32>
    %reduce_min3A_248 = vector.multi_reduction <minimumf>, %slice3A_246, %reduce_min3A_247 [1] : vector<256x32xf32> to vector<256xf32>
    %broadcast_in_dim3A_249 = vector.shape_cast %reduce_min3A_248 : vector<256xf32> to vector<256x1xf32>
    %swap3A_250 = arith.constant 0 : index
    %swap3A_251 = arith.constant 0 : index
    %swap3A_252 = arith.constant 19 : index
    %swap3A_253 = vector.load %arg7[%swap3A_250, %swap3A_251, %swap3A_252] : memref<1x256x64xf32, #tpu.memory_space<vmem>>, vector<1x256x1xf32>
    %swap3A_254 = vector.shape_cast %swap3A_253 : vector<1x256x1xf32> to vector<256x1xf32>
    %swap3A_255 = vector.shape_cast %broadcast_in_dim3A_249 : vector<256x1xf32> to vector<1x256x1xf32>
    tpu.vector_store %arg7[%swap3A_250, %swap3A_251, %swap3A_252], %swap3A_255 {strides = array<i32>} : memref<1x256x64xf32, #tpu.memory_space<vmem>>, vector<1x256x1xf32>,
    %slice3A_256 = vector.extract_strided_slice %sub3A {offsets = [0, 640], sizes = [256, 128], strides = [1, 1]} : vector<256x2048xf32> to vector<256x128xf32>
    %reshape3A_257 = vector.shape_cast %slice3A_256 : vector<256x128xf32> to vector<32x8x128xf32>
    %swap3A_258 = arith.constant 0 : index
    %swap3A_259 = arith.constant 5 : index
    %swap3A_260 = arith.constant 0 : index
    %swap3A_261 = arith.constant 0 : index
    %swap3A_262 = vector.load %arg6[%swap3A_258, %swap3A_259, %swap3A_260, %swap3A_261] : memref<32x16x8x128xf32, #tpu.memory_space<vmem>>, vector<32x1x8x128xf32>
    %swap3A_263 = vector.shape_cast %swap3A_262 : vector<32x1x8x128xf32> to vector<32x8x128xf32>
    %swap3A_264 = vector.shape_cast %reshape3A_257 : vector<32x8x128xf32> to vector<32x1x8x128xf32>
    tpu.vector_store %arg6[%swap3A_258, %swap3A_259, %swap3A_260, %swap3A_261], %swap3A_264 {strides = array<i32>} : memref<32x16x8x128xf32, #tpu.memory_space<vmem>>, vector<32x1x8x128xf32>,
    %slice3A_265 = vector.extract_strided_slice %slice3A_256 {offsets = [0, 0], sizes = [256, 32], strides = [1, 1]} : vector<256x128xf32> to vector<256x32xf32>
    %reduce_min3A_266 = arith.constant dense<0x7F800000> : vector<256xf32>
    %reduce_min3A_267 = vector.multi_reduction <minimumf>, %slice3A_265, %reduce_min3A_266 [1] : vector<256x32xf32> to vector<256xf32>
    %broadcast_in_dim3A_268 = vector.shape_cast %reduce_min3A_267 : vector<256xf32> to vector<256x1xf32>
    %swap3A_269 = arith.constant 0 : index
    %swap3A_270 = arith.constant 0 : index
    %swap3A_271 = arith.constant 20 : index
    %swap3A_272 = vector.load %arg7[%swap3A_269, %swap3A_270, %swap3A_271] : memref<1x256x64xf32, #tpu.memory_space<vmem>>, vector<1x256x1xf32>
    %swap3A_273 = vector.shape_cast %swap3A_272 : vector<1x256x1xf32> to vector<256x1xf32>
    %swap3A_274 = vector.shape_cast %broadcast_in_dim3A_268 : vector<256x1xf32> to vector<1x256x1xf32>
    tpu.vector_store %arg7[%swap3A_269, %swap3A_270, %swap3A_271], %swap3A_274 {strides = array<i32>} : memref<1x256x64xf32, #tpu.memory_space<vmem>>, vector<1x256x1xf32>,
    %slice3A_275 = vector.extract_strided_slice %slice3A_256 {offsets = [0, 32], sizes = [256, 32], strides = [1, 1]} : vector<256x128xf32> to vector<256x32xf32>
    %reduce_min3A_276 = arith.constant dense<0x7F800000> : vector<256xf32>
    %reduce_min3A_277 = vector.multi_reduction <minimumf>, %slice3A_275, %reduce_min3A_276 [1] : vector<256x32xf32> to vector<256xf32>
    %broadcast_in_dim3A_278 = vector.shape_cast %reduce_min3A_277 : vector<256xf32> to vector<256x1xf32>
    %swap3A_279 = arith.constant 0 : index
    %swap3A_280 = arith.constant 0 : index
    %swap3A_281 = arith.constant 21 : index
    %swap3A_282 = vector.load %arg7[%swap3A_279, %swap3A_280, %swap3A_281] : memref<1x256x64xf32, #tpu.memory_space<vmem>>, vector<1x256x1xf32>
    %swap3A_283 = vector.shape_cast %swap3A_282 : vector<1x256x1xf32> to vector<256x1xf32>
    %swap3A_284 = vector.shape_cast %broadcast_in_dim3A_278 : vector<256x1xf32> to vector<1x256x1xf32>
    tpu.vector_store %arg7[%swap3A_279, %swap3A_280, %swap3A_281], %swap3A_284 {strides = array<i32>} : memref<1x256x64xf32, #tpu.memory_space<vmem>>, vector<1x256x1xf32>,
    %slice3A_285 = vector.extract_strided_slice %slice3A_256 {offsets = [0, 64], sizes = [256, 32], strides = [1, 1]} : vector<256x128xf32> to vector<256x32xf32>
    %reduce_min3A_286 = arith.constant dense<0x7F800000> : vector<256xf32>
    %reduce_min3A_287 = vector.multi_reduction <minimumf>, %slice3A_285, %reduce_min3A_286 [1] : vector<256x32xf32> to vector<256xf32>
    %broadcast_in_dim3A_288 = vector.shape_cast %reduce_min3A_287 : vector<256xf32> to vector<256x1xf32>
    %swap3A_289 = arith.constant 0 : index
    %swap3A_290 = arith.constant 0 : index
    %swap3A_291 = arith.constant 22 : index
    %swap3A_292 = vector.load %arg7[%swap3A_289, %swap3A_290, %swap3A_291] : memref<1x256x64xf32, #tpu.memory_space<vmem>>, vector<1x256x1xf32>
    %swap3A_293 = vector.shape_cast %swap3A_292 : vector<1x256x1xf32> to vector<256x1xf32>
    %swap3A_294 = vector.shape_cast %broadcast_in_dim3A_288 : vector<256x1xf32> to vector<1x256x1xf32>
    tpu.vector_store %arg7[%swap3A_289, %swap3A_290, %swap3A_291], %swap3A_294 {strides = array<i32>} : memref<1x256x64xf32, #tpu.memory_space<vmem>>, vector<1x256x1xf32>,
    %slice3A_295 = vector.extract_strided_slice %slice3A_256 {offsets = [0, 96], sizes = [256, 32], strides = [1, 1]} : vector<256x128xf32> to vector<256x32xf32>
    %reduce_min3A_296 = arith.constant dense<0x7F800000> : vector<256xf32>
    %reduce_min3A_297 = vector.multi_reduction <minimumf>, %slice3A_295, %reduce_min3A_296 [1] : vector<256x32xf32> to vector<256xf32>
    %broadcast_in_dim3A_298 = vector.shape_cast %reduce_min3A_297 : vector<256xf32> to vector<256x1xf32>
    %swap3A_299 = arith.constant 0 : index
    %swap3A_300 = arith.constant 0 : index
    %swap3A_301 = arith.constant 23 : index
    %swap3A_302 = vector.load %arg7[%swap3A_299, %swap3A_300, %swap3A_301] : memref<1x256x64xf32, #tpu.memory_space<vmem>>, vector<1x256x1xf32>
    %swap3A_303 = vector.shape_cast %swap3A_302 : vector<1x256x1xf32> to vector<256x1xf32>
    %swap3A_304 = vector.shape_cast %broadcast_in_dim3A_298 : vector<256x1xf32> to vector<1x256x1xf32>
    tpu.vector_store %arg7[%swap3A_299, %swap3A_300, %swap3A_301], %swap3A_304 {strides = array<i32>} : memref<1x256x64xf32, #tpu.memory_space<vmem>>, vector<1x256x1xf32>,
    %slice3A_305 = vector.extract_strided_slice %sub3A {offsets = [0, 768], sizes = [256, 128], strides = [1, 1]} : vector<256x2048xf32> to vector<256x128xf32>
    %reshape3A_306 = vector.shape_cast %slice3A_305 : vector<256x128xf32> to vector<32x8x128xf32>
    %swap3A_307 = arith.constant 0 : index
    %swap3A_308 = arith.constant 6 : index
    %swap3A_309 = arith.constant 0 : index
    %swap3A_310 = arith.constant 0 : index
    %swap3A_311 = vector.load %arg6[%swap3A_307, %swap3A_308, %swap3A_309, %swap3A_310] : memref<32x16x8x128xf32, #tpu.memory_space<vmem>>, vector<32x1x8x128xf32>
    %swap3A_312 = vector.shape_cast %swap3A_311 : vector<32x1x8x128xf32> to vector<32x8x128xf32>
    %swap3A_313 = vector.shape_cast %reshape3A_306 : vector<32x8x128xf32> to vector<32x1x8x128xf32>
    tpu.vector_store %arg6[%swap3A_307, %swap3A_308, %swap3A_309, %swap3A_310], %swap3A_313 {strides = array<i32>} : memref<32x16x8x128xf32, #tpu.memory_space<vmem>>, vector<32x1x8x128xf32>,
    %slice3A_314 = vector.extract_strided_slice %slice3A_305 {offsets = [0, 0], sizes = [256, 32], strides = [1, 1]} : vector<256x128xf32> to vector<256x32xf32>
    %reduce_min3A_315 = arith.constant dense<0x7F800000> : vector<256xf32>
    %reduce_min3A_316 = vector.multi_reduction <minimumf>, %slice3A_314, %reduce_min3A_315 [1] : vector<256x32xf32> to vector<256xf32>
    %broadcast_in_dim3A_317 = vector.shape_cast %reduce_min3A_316 : vector<256xf32> to vector<256x1xf32>
    %swap3A_318 = arith.constant 0 : index
    %swap3A_319 = arith.constant 0 : index
    %swap3A_320 = arith.constant 24 : index
    %swap3A_321 = vector.load %arg7[%swap3A_318, %swap3A_319, %swap3A_320] : memref<1x256x64xf32, #tpu.memory_space<vmem>>, vector<1x256x1xf32>
    %swap3A_322 = vector.shape_cast %swap3A_321 : vector<1x256x1xf32> to vector<256x1xf32>
    %swap3A_323 = vector.shape_cast %broadcast_in_dim3A_317 : vector<256x1xf32> to vector<1x256x1xf32>
    tpu.vector_store %arg7[%swap3A_318, %swap3A_319, %swap3A_320], %swap3A_323 {strides = array<i32>} : memref<1x256x64xf32, #tpu.memory_space<vmem>>, vector<1x256x1xf32>,
    %slice3A_324 = vector.extract_strided_slice %slice3A_305 {offsets = [0, 32], sizes = [256, 32], strides = [1, 1]} : vector<256x128xf32> to vector<256x32xf32>
    %reduce_min3A_325 = arith.constant dense<0x7F800000> : vector<256xf32>
    %reduce_min3A_326 = vector.multi_reduction <minimumf>, %slice3A_324, %reduce_min3A_325 [1] : vector<256x32xf32> to vector<256xf32>
    %broadcast_in_dim3A_327 = vector.shape_cast %reduce_min3A_326 : vector<256xf32> to vector<256x1xf32>
    %swap3A_328 = arith.constant 0 : index
    %swap3A_329 = arith.constant 0 : index
    %swap3A_330 = arith.constant 25 : index
    %swap3A_331 = vector.load %arg7[%swap3A_328, %swap3A_329, %swap3A_330] : memref<1x256x64xf32, #tpu.memory_space<vmem>>, vector<1x256x1xf32>
    %swap3A_332 = vector.shape_cast %swap3A_331 : vector<1x256x1xf32> to vector<256x1xf32>
    %swap3A_333 = vector.shape_cast %broadcast_in_dim3A_327 : vector<256x1xf32> to vector<1x256x1xf32>
    tpu.vector_store %arg7[%swap3A_328, %swap3A_329, %swap3A_330], %swap3A_333 {strides = array<i32>} : memref<1x256x64xf32, #tpu.memory_space<vmem>>, vector<1x256x1xf32>,
    %slice3A_334 = vector.extract_strided_slice %slice3A_305 {offsets = [0, 64], sizes = [256, 32], strides = [1, 1]} : vector<256x128xf32> to vector<256x32xf32>
    %reduce_min3A_335 = arith.constant dense<0x7F800000> : vector<256xf32>
    %reduce_min3A_336 = vector.multi_reduction <minimumf>, %slice3A_334, %reduce_min3A_335 [1] : vector<256x32xf32> to vector<256xf32>
    %broadcast_in_dim3A_337 = vector.shape_cast %reduce_min3A_336 : vector<256xf32> to vector<256x1xf32>
    %swap3A_338 = arith.constant 0 : index
    %swap3A_339 = arith.constant 0 : index
    %swap3A_340 = arith.constant 26 : index
    %swap3A_341 = vector.load %arg7[%swap3A_338, %swap3A_339, %swap3A_340] : memref<1x256x64xf32, #tpu.memory_space<vmem>>, vector<1x256x1xf32>
    %swap3A_342 = vector.shape_cast %swap3A_341 : vector<1x256x1xf32> to vector<256x1xf32>
    %swap3A_343 = vector.shape_cast %broadcast_in_dim3A_337 : vector<256x1xf32> to vector<1x256x1xf32>
    tpu.vector_store %arg7[%swap3A_338, %swap3A_339, %swap3A_340], %swap3A_343 {strides = array<i32>} : memref<1x256x64xf32, #tpu.memory_space<vmem>>, vector<1x256x1xf32>,
    %slice3A_344 = vector.extract_strided_slice %slice3A_305 {offsets = [0, 96], sizes = [256, 32], strides = [1, 1]} : vector<256x128xf32> to vector<256x32xf32>
    %reduce_min3A_345 = arith.constant dense<0x7F800000> : vector<256xf32>
    %reduce_min3A_346 = vector.multi_reduction <minimumf>, %slice3A_344, %reduce_min3A_345 [1] : vector<256x32xf32> to vector<256xf32>
    %broadcast_in_dim3A_347 = vector.shape_cast %reduce_min3A_346 : vector<256xf32> to vector<256x1xf32>
    %swap3A_348 = arith.constant 0 : index
    %swap3A_349 = arith.constant 0 : index
    %swap3A_350 = arith.constant 27 : index
    %swap3A_351 = vector.load %arg7[%swap3A_348, %swap3A_349, %swap3A_350] : memref<1x256x64xf32, #tpu.memory_space<vmem>>, vector<1x256x1xf32>
    %swap3A_352 = vector.shape_cast %swap3A_351 : vector<1x256x1xf32> to vector<256x1xf32>
    %swap3A_353 = vector.shape_cast %broadcast_in_dim3A_347 : vector<256x1xf32> to vector<1x256x1xf32>
    tpu.vector_store %arg7[%swap3A_348, %swap3A_349, %swap3A_350], %swap3A_353 {strides = array<i32>} : memref<1x256x64xf32, #tpu.memory_space<vmem>>, vector<1x256x1xf32>,
    %slice3A_354 = vector.extract_strided_slice %sub3A {offsets = [0, 896], sizes = [256, 128], strides = [1, 1]} : vector<256x2048xf32> to vector<256x128xf32>
    %reshape3A_355 = vector.shape_cast %slice3A_354 : vector<256x128xf32> to vector<32x8x128xf32>
    %swap3A_356 = arith.constant 0 : index
    %swap3A_357 = arith.constant 7 : index
    %swap3A_358 = arith.constant 0 : index
    %swap3A_359 = arith.constant 0 : index
    %swap3A_360 = vector.load %arg6[%swap3A_356, %swap3A_357, %swap3A_358, %swap3A_359] : memref<32x16x8x128xf32, #tpu.memory_space<vmem>>, vector<32x1x8x128xf32>
    %swap3A_361 = vector.shape_cast %swap3A_360 : vector<32x1x8x128xf32> to vector<32x8x128xf32>
    %swap3A_362 = vector.shape_cast %reshape3A_355 : vector<32x8x128xf32> to vector<32x1x8x128xf32>
    tpu.vector_store %arg6[%swap3A_356, %swap3A_357, %swap3A_358, %swap3A_359], %swap3A_362 {strides = array<i32>} : memref<32x16x8x128xf32, #tpu.memory_space<vmem>>, vector<32x1x8x128xf32>,
    %slice3A_363 = vector.extract_strided_slice %slice3A_354 {offsets = [0, 0], sizes = [256, 32], strides = [1, 1]} : vector<256x128xf32> to vector<256x32xf32>
    %reduce_min3A_364 = arith.constant dense<0x7F800000> : vector<256xf32>
    %reduce_min3A_365 = vector.multi_reduction <minimumf>, %slice3A_363, %reduce_min3A_364 [1] : vector<256x32xf32> to vector<256xf32>
    %broadcast_in_dim3A_366 = vector.shape_cast %reduce_min3A_365 : vector<256xf32> to vector<256x1xf32>
    %swap3A_367 = arith.constant 0 : index
    %swap3A_368 = arith.constant 0 : index
    %swap3A_369 = arith.constant 28 : index
    %swap3A_370 = vector.load %arg7[%swap3A_367, %swap3A_368, %swap3A_369] : memref<1x256x64xf32, #tpu.memory_space<vmem>>, vector<1x256x1xf32>
    %swap3A_371 = vector.shape_cast %swap3A_370 : vector<1x256x1xf32> to vector<256x1xf32>
    %swap3A_372 = vector.shape_cast %broadcast_in_dim3A_366 : vector<256x1xf32> to vector<1x256x1xf32>
    tpu.vector_store %arg7[%swap3A_367, %swap3A_368, %swap3A_369], %swap3A_372 {strides = array<i32>} : memref<1x256x64xf32, #tpu.memory_space<vmem>>, vector<1x256x1xf32>,
    %slice3A_373 = vector.extract_strided_slice %slice3A_354 {offsets = [0, 32], sizes = [256, 32], strides = [1, 1]} : vector<256x128xf32> to vector<256x32xf32>
    %reduce_min3A_374 = arith.constant dense<0x7F800000> : vector<256xf32>
    %reduce_min3A_375 = vector.multi_reduction <minimumf>, %slice3A_373, %reduce_min3A_374 [1] : vector<256x32xf32> to vector<256xf32>
    %broadcast_in_dim3A_376 = vector.shape_cast %reduce_min3A_375 : vector<256xf32> to vector<256x1xf32>
    %swap3A_377 = arith.constant 0 : index
    %swap3A_378 = arith.constant 0 : index
    %swap3A_379 = arith.constant 29 : index
    %swap3A_380 = vector.load %arg7[%swap3A_377, %swap3A_378, %swap3A_379] : memref<1x256x64xf32, #tpu.memory_space<vmem>>, vector<1x256x1xf32>
    %swap3A_381 = vector.shape_cast %swap3A_380 : vector<1x256x1xf32> to vector<256x1xf32>
    %swap3A_382 = vector.shape_cast %broadcast_in_dim3A_376 : vector<256x1xf32> to vector<1x256x1xf32>
    tpu.vector_store %arg7[%swap3A_377, %swap3A_378, %swap3A_379], %swap3A_382 {strides = array<i32>} : memref<1x256x64xf32, #tpu.memory_space<vmem>>, vector<1x256x1xf32>,
    %slice3A_383 = vector.extract_strided_slice %slice3A_354 {offsets = [0, 64], sizes = [256, 32], strides = [1, 1]} : vector<256x128xf32> to vector<256x32xf32>
    %reduce_min3A_384 = arith.constant dense<0x7F800000> : vector<256xf32>
    %reduce_min3A_385 = vector.multi_reduction <minimumf>, %slice3A_383, %reduce_min3A_384 [1] : vector<256x32xf32> to vector<256xf32>
    %broadcast_in_dim3A_386 = vector.shape_cast %reduce_min3A_385 : vector<256xf32> to vector<256x1xf32>
    %swap3A_387 = arith.constant 0 : index
    %swap3A_388 = arith.constant 0 : index
    %swap3A_389 = arith.constant 30 : index
    %swap3A_390 = vector.load %arg7[%swap3A_387, %swap3A_388, %swap3A_389] : memref<1x256x64xf32, #tpu.memory_space<vmem>>, vector<1x256x1xf32>
    %swap3A_391 = vector.shape_cast %swap3A_390 : vector<1x256x1xf32> to vector<256x1xf32>
    %swap3A_392 = vector.shape_cast %broadcast_in_dim3A_386 : vector<256x1xf32> to vector<1x256x1xf32>
    tpu.vector_store %arg7[%swap3A_387, %swap3A_388, %swap3A_389], %swap3A_392 {strides = array<i32>} : memref<1x256x64xf32, #tpu.memory_space<vmem>>, vector<1x256x1xf32>,
    %slice3A_393 = vector.extract_strided_slice %slice3A_354 {offsets = [0, 96], sizes = [256, 32], strides = [1, 1]} : vector<256x128xf32> to vector<256x32xf32>
    %reduce_min3A_394 = arith.constant dense<0x7F800000> : vector<256xf32>
    %reduce_min3A_395 = vector.multi_reduction <minimumf>, %slice3A_393, %reduce_min3A_394 [1] : vector<256x32xf32> to vector<256xf32>
    %broadcast_in_dim3A_396 = vector.shape_cast %reduce_min3A_395 : vector<256xf32> to vector<256x1xf32>
    %swap3A_397 = arith.constant 0 : index
    %swap3A_398 = arith.constant 0 : index
    %swap3A_399 = arith.constant 31 : index
    %swap3A_400 = vector.load %arg7[%swap3A_397, %swap3A_398, %swap3A_399] : memref<1x256x64xf32, #tpu.memory_space<vmem>>, vector<1x256x1xf32>
    %swap3A_401 = vector.shape_cast %swap3A_400 : vector<1x256x1xf32> to vector<256x1xf32>
    %swap3A_402 = vector.shape_cast %broadcast_in_dim3A_396 : vector<256x1xf32> to vector<1x256x1xf32>
    tpu.vector_store %arg7[%swap3A_397, %swap3A_398, %swap3A_399], %swap3A_402 {strides = array<i32>} : memref<1x256x64xf32, #tpu.memory_space<vmem>>, vector<1x256x1xf32>,
    %slice3A_403 = vector.extract_strided_slice %sub3A {offsets = [0, 1024], sizes = [256, 128], strides = [1, 1]} : vector<256x2048xf32> to vector<256x128xf32>
    %reshape3A_404 = vector.shape_cast %slice3A_403 : vector<256x128xf32> to vector<32x8x128xf32>
    %swap3A_405 = arith.constant 0 : index
    %swap3A_406 = arith.constant 8 : index
    %swap3A_407 = arith.constant 0 : index
    %swap3A_408 = arith.constant 0 : index
    %swap3A_409 = vector.load %arg6[%swap3A_405, %swap3A_406, %swap3A_407, %swap3A_408] : memref<32x16x8x128xf32, #tpu.memory_space<vmem>>, vector<32x1x8x128xf32>
    %swap3A_410 = vector.shape_cast %swap3A_409 : vector<32x1x8x128xf32> to vector<32x8x128xf32>
    %swap3A_411 = vector.shape_cast %reshape3A_404 : vector<32x8x128xf32> to vector<32x1x8x128xf32>
    tpu.vector_store %arg6[%swap3A_405, %swap3A_406, %swap3A_407, %swap3A_408], %swap3A_411 {strides = array<i32>} : memref<32x16x8x128xf32, #tpu.memory_space<vmem>>, vector<32x1x8x128xf32>,
    %slice3A_412 = vector.extract_strided_slice %slice3A_403 {offsets = [0, 0], sizes = [256, 32], strides = [1, 1]} : vector<256x128xf32> to vector<256x32xf32>
    %reduce_min3A_413 = arith.constant dense<0x7F800000> : vector<256xf32>
    %reduce_min3A_414 = vector.multi_reduction <minimumf>, %slice3A_412, %reduce_min3A_413 [1] : vector<256x32xf32> to vector<256xf32>
    %broadcast_in_dim3A_415 = vector.shape_cast %reduce_min3A_414 : vector<256xf32> to vector<256x1xf32>
    %swap3A_416 = arith.constant 0 : index
    %swap3A_417 = arith.constant 0 : index
    %swap3A_418 = arith.constant 32 : index
    %swap3A_419 = vector.load %arg7[%swap3A_416, %swap3A_417, %swap3A_418] : memref<1x256x64xf32, #tpu.memory_space<vmem>>, vector<1x256x1xf32>
    %swap3A_420 = vector.shape_cast %swap3A_419 : vector<1x256x1xf32> to vector<256x1xf32>
    %swap3A_421 = vector.shape_cast %broadcast_in_dim3A_415 : vector<256x1xf32> to vector<1x256x1xf32>
    tpu.vector_store %arg7[%swap3A_416, %swap3A_417, %swap3A_418], %swap3A_421 {strides = array<i32>} : memref<1x256x64xf32, #tpu.memory_space<vmem>>, vector<1x256x1xf32>,
    %slice3A_422 = vector.extract_strided_slice %slice3A_403 {offsets = [0, 32], sizes = [256, 32], strides = [1, 1]} : vector<256x128xf32> to vector<256x32xf32>
    %reduce_min3A_423 = arith.constant dense<0x7F800000> : vector<256xf32>
    %reduce_min3A_424 = vector.multi_reduction <minimumf>, %slice3A_422, %reduce_min3A_423 [1] : vector<256x32xf32> to vector<256xf32>
    %broadcast_in_dim3A_425 = vector.shape_cast %reduce_min3A_424 : vector<256xf32> to vector<256x1xf32>
    %swap3A_426 = arith.constant 0 : index
    %swap3A_427 = arith.constant 0 : index
    %swap3A_428 = arith.constant 33 : index
    %swap3A_429 = vector.load %arg7[%swap3A_426, %swap3A_427, %swap3A_428] : memref<1x256x64xf32, #tpu.memory_space<vmem>>, vector<1x256x1xf32>
    %swap3A_430 = vector.shape_cast %swap3A_429 : vector<1x256x1xf32> to vector<256x1xf32>
    %swap3A_431 = vector.shape_cast %broadcast_in_dim3A_425 : vector<256x1xf32> to vector<1x256x1xf32>
    tpu.vector_store %arg7[%swap3A_426, %swap3A_427, %swap3A_428], %swap3A_431 {strides = array<i32>} : memref<1x256x64xf32, #tpu.memory_space<vmem>>, vector<1x256x1xf32>,
    %slice3A_432 = vector.extract_strided_slice %slice3A_403 {offsets = [0, 64], sizes = [256, 32], strides = [1, 1]} : vector<256x128xf32> to vector<256x32xf32>
    %reduce_min3A_433 = arith.constant dense<0x7F800000> : vector<256xf32>
    %reduce_min3A_434 = vector.multi_reduction <minimumf>, %slice3A_432, %reduce_min3A_433 [1] : vector<256x32xf32> to vector<256xf32>
    %broadcast_in_dim3A_435 = vector.shape_cast %reduce_min3A_434 : vector<256xf32> to vector<256x1xf32>
    %swap3A_436 = arith.constant 0 : index
    %swap3A_437 = arith.constant 0 : index
    %swap3A_438 = arith.constant 34 : index
    %swap3A_439 = vector.load %arg7[%swap3A_436, %swap3A_437, %swap3A_438] : memref<1x256x64xf32, #tpu.memory_space<vmem>>, vector<1x256x1xf32>
    %swap3A_440 = vector.shape_cast %swap3A_439 : vector<1x256x1xf32> to vector<256x1xf32>
    %swap3A_441 = vector.shape_cast %broadcast_in_dim3A_435 : vector<256x1xf32> to vector<1x256x1xf32>
    tpu.vector_store %arg7[%swap3A_436, %swap3A_437, %swap3A_438], %swap3A_441 {strides = array<i32>} : memref<1x256x64xf32, #tpu.memory_space<vmem>>, vector<1x256x1xf32>,
    %slice3A_442 = vector.extract_strided_slice %slice3A_403 {offsets = [0, 96], sizes = [256, 32], strides = [1, 1]} : vector<256x128xf32> to vector<256x32xf32>
    %reduce_min3A_443 = arith.constant dense<0x7F800000> : vector<256xf32>
    %reduce_min3A_444 = vector.multi_reduction <minimumf>, %slice3A_442, %reduce_min3A_443 [1] : vector<256x32xf32> to vector<256xf32>
    %broadcast_in_dim3A_445 = vector.shape_cast %reduce_min3A_444 : vector<256xf32> to vector<256x1xf32>
    %swap3A_446 = arith.constant 0 : index
    %swap3A_447 = arith.constant 0 : index
    %swap3A_448 = arith.constant 35 : index
    %swap3A_449 = vector.load %arg7[%swap3A_446, %swap3A_447, %swap3A_448] : memref<1x256x64xf32, #tpu.memory_space<vmem>>, vector<1x256x1xf32>
    %swap3A_450 = vector.shape_cast %swap3A_449 : vector<1x256x1xf32> to vector<256x1xf32>
    %swap3A_451 = vector.shape_cast %broadcast_in_dim3A_445 : vector<256x1xf32> to vector<1x256x1xf32>
    tpu.vector_store %arg7[%swap3A_446, %swap3A_447, %swap3A_448], %swap3A_451 {strides = array<i32>} : memref<1x256x64xf32, #tpu.memory_space<vmem>>, vector<1x256x1xf32>,
    %slice3A_452 = vector.extract_strided_slice %sub3A {offsets = [0, 1152], sizes = [256, 128], strides = [1, 1]} : vector<256x2048xf32> to vector<256x128xf32>
    %reshape3A_453 = vector.shape_cast %slice3A_452 : vector<256x128xf32> to vector<32x8x128xf32>
    %swap3A_454 = arith.constant 0 : index
    %swap3A_455 = arith.constant 9 : index
    %swap3A_456 = arith.constant 0 : index
    %swap3A_457 = arith.constant 0 : index
    %swap3A_458 = vector.load %arg6[%swap3A_454, %swap3A_455, %swap3A_456, %swap3A_457] : memref<32x16x8x128xf32, #tpu.memory_space<vmem>>, vector<32x1x8x128xf32>
    %swap3A_459 = vector.shape_cast %swap3A_458 : vector<32x1x8x128xf32> to vector<32x8x128xf32>
    %swap3A_460 = vector.shape_cast %reshape3A_453 : vector<32x8x128xf32> to vector<32x1x8x128xf32>
    tpu.vector_store %arg6[%swap3A_454, %swap3A_455, %swap3A_456, %swap3A_457], %swap3A_460 {strides = array<i32>} : memref<32x16x8x128xf32, #tpu.memory_space<vmem>>, vector<32x1x8x128xf32>,
    %slice3A_461 = vector.extract_strided_slice %slice3A_452 {offsets = [0, 0], sizes = [256, 32], strides = [1, 1]} : vector<256x128xf32> to vector<256x32xf32>
    %reduce_min3A_462 = arith.constant dense<0x7F800000> : vector<256xf32>
    %reduce_min3A_463 = vector.multi_reduction <minimumf>, %slice3A_461, %reduce_min3A_462 [1] : vector<256x32xf32> to vector<256xf32>
    %broadcast_in_dim3A_464 = vector.shape_cast %reduce_min3A_463 : vector<256xf32> to vector<256x1xf32>
    %swap3A_465 = arith.constant 0 : index
    %swap3A_466 = arith.constant 0 : index
    %swap3A_467 = arith.constant 36 : index
    %swap3A_468 = vector.load %arg7[%swap3A_465, %swap3A_466, %swap3A_467] : memref<1x256x64xf32, #tpu.memory_space<vmem>>, vector<1x256x1xf32>
    %swap3A_469 = vector.shape_cast %swap3A_468 : vector<1x256x1xf32> to vector<256x1xf32>
    %swap3A_470 = vector.shape_cast %broadcast_in_dim3A_464 : vector<256x1xf32> to vector<1x256x1xf32>
    tpu.vector_store %arg7[%swap3A_465, %swap3A_466, %swap3A_467], %swap3A_470 {strides = array<i32>} : memref<1x256x64xf32, #tpu.memory_space<vmem>>, vector<1x256x1xf32>,
    %slice3A_471 = vector.extract_strided_slice %slice3A_452 {offsets = [0, 32], sizes = [256, 32], strides = [1, 1]} : vector<256x128xf32> to vector<256x32xf32>
    %reduce_min3A_472 = arith.constant dense<0x7F800000> : vector<256xf32>
    %reduce_min3A_473 = vector.multi_reduction <minimumf>, %slice3A_471, %reduce_min3A_472 [1] : vector<256x32xf32> to vector<256xf32>
    %broadcast_in_dim3A_474 = vector.shape_cast %reduce_min3A_473 : vector<256xf32> to vector<256x1xf32>
    %swap3A_475 = arith.constant 0 : index
    %swap3A_476 = arith.constant 0 : index
    %swap3A_477 = arith.constant 37 : index
    %swap3A_478 = vector.load %arg7[%swap3A_475, %swap3A_476, %swap3A_477] : memref<1x256x64xf32, #tpu.memory_space<vmem>>, vector<1x256x1xf32>
    %swap3A_479 = vector.shape_cast %swap3A_478 : vector<1x256x1xf32> to vector<256x1xf32>
    %swap3A_480 = vector.shape_cast %broadcast_in_dim3A_474 : vector<256x1xf32> to vector<1x256x1xf32>
    tpu.vector_store %arg7[%swap3A_475, %swap3A_476, %swap3A_477], %swap3A_480 {strides = array<i32>} : memref<1x256x64xf32, #tpu.memory_space<vmem>>, vector<1x256x1xf32>,
    %slice3A_481 = vector.extract_strided_slice %slice3A_452 {offsets = [0, 64], sizes = [256, 32], strides = [1, 1]} : vector<256x128xf32> to vector<256x32xf32>
    %reduce_min3A_482 = arith.constant dense<0x7F800000> : vector<256xf32>
    %reduce_min3A_483 = vector.multi_reduction <minimumf>, %slice3A_481, %reduce_min3A_482 [1] : vector<256x32xf32> to vector<256xf32>
    %broadcast_in_dim3A_484 = vector.shape_cast %reduce_min3A_483 : vector<256xf32> to vector<256x1xf32>
    %swap3A_485 = arith.constant 0 : index
    %swap3A_486 = arith.constant 0 : index
    %swap3A_487 = arith.constant 38 : index
    %swap3A_488 = vector.load %arg7[%swap3A_485, %swap3A_486, %swap3A_487] : memref<1x256x64xf32, #tpu.memory_space<vmem>>, vector<1x256x1xf32>
    %swap3A_489 = vector.shape_cast %swap3A_488 : vector<1x256x1xf32> to vector<256x1xf32>
    %swap3A_490 = vector.shape_cast %broadcast_in_dim3A_484 : vector<256x1xf32> to vector<1x256x1xf32>
    tpu.vector_store %arg7[%swap3A_485, %swap3A_486, %swap3A_487], %swap3A_490 {strides = array<i32>} : memref<1x256x64xf32, #tpu.memory_space<vmem>>, vector<1x256x1xf32>,
    %slice3A_491 = vector.extract_strided_slice %slice3A_452 {offsets = [0, 96], sizes = [256, 32], strides = [1, 1]} : vector<256x128xf32> to vector<256x32xf32>
    %reduce_min3A_492 = arith.constant dense<0x7F800000> : vector<256xf32>
    %reduce_min3A_493 = vector.multi_reduction <minimumf>, %slice3A_491, %reduce_min3A_492 [1] : vector<256x32xf32> to vector<256xf32>
    %broadcast_in_dim3A_494 = vector.shape_cast %reduce_min3A_493 : vector<256xf32> to vector<256x1xf32>
    %swap3A_495 = arith.constant 0 : index
    %swap3A_496 = arith.constant 0 : index
    %swap3A_497 = arith.constant 39 : index
    %swap3A_498 = vector.load %arg7[%swap3A_495, %swap3A_496, %swap3A_497] : memref<1x256x64xf32, #tpu.memory_space<vmem>>, vector<1x256x1xf32>
    %swap3A_499 = vector.shape_cast %swap3A_498 : vector<1x256x1xf32> to vector<256x1xf32>
    %swap3A_500 = vector.shape_cast %broadcast_in_dim3A_494 : vector<256x1xf32> to vector<1x256x1xf32>
    tpu.vector_store %arg7[%swap3A_495, %swap3A_496, %swap3A_497], %swap3A_500 {strides = array<i32>} : memref<1x256x64xf32, #tpu.memory_space<vmem>>, vector<1x256x1xf32>,
    %slice3A_501 = vector.extract_strided_slice %sub3A {offsets = [0, 1280], sizes = [256, 128], strides = [1, 1]} : vector<256x2048xf32> to vector<256x128xf32>
    %reshape3A_502 = vector.shape_cast %slice3A_501 : vector<256x128xf32> to vector<32x8x128xf32>
    %swap3A_503 = arith.constant 0 : index
    %swap3A_504 = arith.constant 10 : index
    %swap3A_505 = arith.constant 0 : index
    %swap3A_506 = arith.constant 0 : index
    %swap3A_507 = vector.load %arg6[%swap3A_503, %swap3A_504, %swap3A_505, %swap3A_506] : memref<32x16x8x128xf32, #tpu.memory_space<vmem>>, vector<32x1x8x128xf32>
    %swap3A_508 = vector.shape_cast %swap3A_507 : vector<32x1x8x128xf32> to vector<32x8x128xf32>
    %swap3A_509 = vector.shape_cast %reshape3A_502 : vector<32x8x128xf32> to vector<32x1x8x128xf32>
    tpu.vector_store %arg6[%swap3A_503, %swap3A_504, %swap3A_505, %swap3A_506], %swap3A_509 {strides = array<i32>} : memref<32x16x8x128xf32, #tpu.memory_space<vmem>>, vector<32x1x8x128xf32>,
    %slice3A_510 = vector.extract_strided_slice %slice3A_501 {offsets = [0, 0], sizes = [256, 32], strides = [1, 1]} : vector<256x128xf32> to vector<256x32xf32>
    %reduce_min3A_511 = arith.constant dense<0x7F800000> : vector<256xf32>
    %reduce_min3A_512 = vector.multi_reduction <minimumf>, %slice3A_510, %reduce_min3A_511 [1] : vector<256x32xf32> to vector<256xf32>
    %broadcast_in_dim3A_513 = vector.shape_cast %reduce_min3A_512 : vector<256xf32> to vector<256x1xf32>
    %swap3A_514 = arith.constant 0 : index
    %swap3A_515 = arith.constant 0 : index
    %swap3A_516 = arith.constant 40 : index
    %swap3A_517 = vector.load %arg7[%swap3A_514, %swap3A_515, %swap3A_516] : memref<1x256x64xf32, #tpu.memory_space<vmem>>, vector<1x256x1xf32>
    %swap3A_518 = vector.shape_cast %swap3A_517 : vector<1x256x1xf32> to vector<256x1xf32>
    %swap3A_519 = vector.shape_cast %broadcast_in_dim3A_513 : vector<256x1xf32> to vector<1x256x1xf32>
    tpu.vector_store %arg7[%swap3A_514, %swap3A_515, %swap3A_516], %swap3A_519 {strides = array<i32>} : memref<1x256x64xf32, #tpu.memory_space<vmem>>, vector<1x256x1xf32>,
    %slice3A_520 = vector.extract_strided_slice %slice3A_501 {offsets = [0, 32], sizes = [256, 32], strides = [1, 1]} : vector<256x128xf32> to vector<256x32xf32>
    %reduce_min3A_521 = arith.constant dense<0x7F800000> : vector<256xf32>
    %reduce_min3A_522 = vector.multi_reduction <minimumf>, %slice3A_520, %reduce_min3A_521 [1] : vector<256x32xf32> to vector<256xf32>
    %broadcast_in_dim3A_523 = vector.shape_cast %reduce_min3A_522 : vector<256xf32> to vector<256x1xf32>
    %swap3A_524 = arith.constant 0 : index
    %swap3A_525 = arith.constant 0 : index
    %swap3A_526 = arith.constant 41 : index
    %swap3A_527 = vector.load %arg7[%swap3A_524, %swap3A_525, %swap3A_526] : memref<1x256x64xf32, #tpu.memory_space<vmem>>, vector<1x256x1xf32>
    %swap3A_528 = vector.shape_cast %swap3A_527 : vector<1x256x1xf32> to vector<256x1xf32>
    %swap3A_529 = vector.shape_cast %broadcast_in_dim3A_523 : vector<256x1xf32> to vector<1x256x1xf32>
    tpu.vector_store %arg7[%swap3A_524, %swap3A_525, %swap3A_526], %swap3A_529 {strides = array<i32>} : memref<1x256x64xf32, #tpu.memory_space<vmem>>, vector<1x256x1xf32>,
    %slice3A_530 = vector.extract_strided_slice %slice3A_501 {offsets = [0, 64], sizes = [256, 32], strides = [1, 1]} : vector<256x128xf32> to vector<256x32xf32>
    %reduce_min3A_531 = arith.constant dense<0x7F800000> : vector<256xf32>
    %reduce_min3A_532 = vector.multi_reduction <minimumf>, %slice3A_530, %reduce_min3A_531 [1] : vector<256x32xf32> to vector<256xf32>
    %broadcast_in_dim3A_533 = vector.shape_cast %reduce_min3A_532 : vector<256xf32> to vector<256x1xf32>
    %swap3A_534 = arith.constant 0 : index
    %swap3A_535 = arith.constant 0 : index
    %swap3A_536 = arith.constant 42 : index
    %swap3A_537 = vector.load %arg7[%swap3A_534, %swap3A_535, %swap3A_536] : memref<1x256x64xf32, #tpu.memory_space<vmem>>, vector<1x256x1xf32>
    %swap3A_538 = vector.shape_cast %swap3A_537 : vector<1x256x1xf32> to vector<256x1xf32>
    %swap3A_539 = vector.shape_cast %broadcast_in_dim3A_533 : vector<256x1xf32> to vector<1x256x1xf32>
    tpu.vector_store %arg7[%swap3A_534, %swap3A_535, %swap3A_536], %swap3A_539 {strides = array<i32>} : memref<1x256x64xf32, #tpu.memory_space<vmem>>, vector<1x256x1xf32>,
    %slice3A_540 = vector.extract_strided_slice %slice3A_501 {offsets = [0, 96], sizes = [256, 32], strides = [1, 1]} : vector<256x128xf32> to vector<256x32xf32>
    %reduce_min3A_541 = arith.constant dense<0x7F800000> : vector<256xf32>
    %reduce_min3A_542 = vector.multi_reduction <minimumf>, %slice3A_540, %reduce_min3A_541 [1] : vector<256x32xf32> to vector<256xf32>
    %broadcast_in_dim3A_543 = vector.shape_cast %reduce_min3A_542 : vector<256xf32> to vector<256x1xf32>
    %swap3A_544 = arith.constant 0 : index
    %swap3A_545 = arith.constant 0 : index
    %swap3A_546 = arith.constant 43 : index
    %swap3A_547 = vector.load %arg7[%swap3A_544, %swap3A_545, %swap3A_546] : memref<1x256x64xf32, #tpu.memory_space<vmem>>, vector<1x256x1xf32>
    %swap3A_548 = vector.shape_cast %swap3A_547 : vector<1x256x1xf32> to vector<256x1xf32>
    %swap3A_549 = vector.shape_cast %broadcast_in_dim3A_543 : vector<256x1xf32> to vector<1x256x1xf32>
    tpu.vector_store %arg7[%swap3A_544, %swap3A_545, %swap3A_546], %swap3A_549 {strides = array<i32>} : memref<1x256x64xf32, #tpu.memory_space<vmem>>, vector<1x256x1xf32>,
    %slice3A_550 = vector.extract_strided_slice %sub3A {offsets = [0, 1408], sizes = [256, 128], strides = [1, 1]} : vector<256x2048xf32> to vector<256x128xf32>
    %reshape3A_551 = vector.shape_cast %slice3A_550 : vector<256x128xf32> to vector<32x8x128xf32>
    %swap3A_552 = arith.constant 0 : index
    %swap3A_553 = arith.constant 11 : index
    %swap3A_554 = arith.constant 0 : index
    %swap3A_555 = arith.constant 0 : index
    %swap3A_556 = vector.load %arg6[%swap3A_552, %swap3A_553, %swap3A_554, %swap3A_555] : memref<32x16x8x128xf32, #tpu.memory_space<vmem>>, vector<32x1x8x128xf32>
    %swap3A_557 = vector.shape_cast %swap3A_556 : vector<32x1x8x128xf32> to vector<32x8x128xf32>
    %swap3A_558 = vector.shape_cast %reshape3A_551 : vector<32x8x128xf32> to vector<32x1x8x128xf32>
    tpu.vector_store %arg6[%swap3A_552, %swap3A_553, %swap3A_554, %swap3A_555], %swap3A_558 {strides = array<i32>} : memref<32x16x8x128xf32, #tpu.memory_space<vmem>>, vector<32x1x8x128xf32>,
    %slice3A_559 = vector.extract_strided_slice %slice3A_550 {offsets = [0, 0], sizes = [256, 32], strides = [1, 1]} : vector<256x128xf32> to vector<256x32xf32>
    %reduce_min3A_560 = arith.constant dense<0x7F800000> : vector<256xf32>
    %reduce_min3A_561 = vector.multi_reduction <minimumf>, %slice3A_559, %reduce_min3A_560 [1] : vector<256x32xf32> to vector<256xf32>
    %broadcast_in_dim3A_562 = vector.shape_cast %reduce_min3A_561 : vector<256xf32> to vector<256x1xf32>
    %swap3A_563 = arith.constant 0 : index
    %swap3A_564 = arith.constant 0 : index
    %swap3A_565 = arith.constant 44 : index
    %swap3A_566 = vector.load %arg7[%swap3A_563, %swap3A_564, %swap3A_565] : memref<1x256x64xf32, #tpu.memory_space<vmem>>, vector<1x256x1xf32>
    %swap3A_567 = vector.shape_cast %swap3A_566 : vector<1x256x1xf32> to vector<256x1xf32>
    %swap3A_568 = vector.shape_cast %broadcast_in_dim3A_562 : vector<256x1xf32> to vector<1x256x1xf32>
    tpu.vector_store %arg7[%swap3A_563, %swap3A_564, %swap3A_565], %swap3A_568 {strides = array<i32>} : memref<1x256x64xf32, #tpu.memory_space<vmem>>, vector<1x256x1xf32>,
    %slice3A_569 = vector.extract_strided_slice %slice3A_550 {offsets = [0, 32], sizes = [256, 32], strides = [1, 1]} : vector<256x128xf32> to vector<256x32xf32>
    %reduce_min3A_570 = arith.constant dense<0x7F800000> : vector<256xf32>
    %reduce_min3A_571 = vector.multi_reduction <minimumf>, %slice3A_569, %reduce_min3A_570 [1] : vector<256x32xf32> to vector<256xf32>
    %broadcast_in_dim3A_572 = vector.shape_cast %reduce_min3A_571 : vector<256xf32> to vector<256x1xf32>
    %swap3A_573 = arith.constant 0 : index
    %swap3A_574 = arith.constant 0 : index
    %swap3A_575 = arith.constant 45 : index
    %swap3A_576 = vector.load %arg7[%swap3A_573, %swap3A_574, %swap3A_575] : memref<1x256x64xf32, #tpu.memory_space<vmem>>, vector<1x256x1xf32>
    %swap3A_577 = vector.shape_cast %swap3A_576 : vector<1x256x1xf32> to vector<256x1xf32>
    %swap3A_578 = vector.shape_cast %broadcast_in_dim3A_572 : vector<256x1xf32> to vector<1x256x1xf32>
    tpu.vector_store %arg7[%swap3A_573, %swap3A_574, %swap3A_575], %swap3A_578 {strides = array<i32>} : memref<1x256x64xf32, #tpu.memory_space<vmem>>, vector<1x256x1xf32>,
    %slice3A_579 = vector.extract_strided_slice %slice3A_550 {offsets = [0, 64], sizes = [256, 32], strides = [1, 1]} : vector<256x128xf32> to vector<256x32xf32>
    %reduce_min3A_580 = arith.constant dense<0x7F800000> : vector<256xf32>
    %reduce_min3A_581 = vector.multi_reduction <minimumf>, %slice3A_579, %reduce_min3A_580 [1] : vector<256x32xf32> to vector<256xf32>
    %broadcast_in_dim3A_582 = vector.shape_cast %reduce_min3A_581 : vector<256xf32> to vector<256x1xf32>
    %swap3A_583 = arith.constant 0 : index
    %swap3A_584 = arith.constant 0 : index
    %swap3A_585 = arith.constant 46 : index
    %swap3A_586 = vector.load %arg7[%swap3A_583, %swap3A_584, %swap3A_585] : memref<1x256x64xf32, #tpu.memory_space<vmem>>, vector<1x256x1xf32>
    %swap3A_587 = vector.shape_cast %swap3A_586 : vector<1x256x1xf32> to vector<256x1xf32>
    %swap3A_588 = vector.shape_cast %broadcast_in_dim3A_582 : vector<256x1xf32> to vector<1x256x1xf32>
    tpu.vector_store %arg7[%swap3A_583, %swap3A_584, %swap3A_585], %swap3A_588 {strides = array<i32>} : memref<1x256x64xf32, #tpu.memory_space<vmem>>, vector<1x256x1xf32>,
    %slice3A_589 = vector.extract_strided_slice %slice3A_550 {offsets = [0, 96], sizes = [256, 32], strides = [1, 1]} : vector<256x128xf32> to vector<256x32xf32>
    %reduce_min3A_590 = arith.constant dense<0x7F800000> : vector<256xf32>
    %reduce_min3A_591 = vector.multi_reduction <minimumf>, %slice3A_589, %reduce_min3A_590 [1] : vector<256x32xf32> to vector<256xf32>
    %broadcast_in_dim3A_592 = vector.shape_cast %reduce_min3A_591 : vector<256xf32> to vector<256x1xf32>
    %swap3A_593 = arith.constant 0 : index
    %swap3A_594 = arith.constant 0 : index
    %swap3A_595 = arith.constant 47 : index
    %swap3A_596 = vector.load %arg7[%swap3A_593, %swap3A_594, %swap3A_595] : memref<1x256x64xf32, #tpu.memory_space<vmem>>, vector<1x256x1xf32>
    %swap3A_597 = vector.shape_cast %swap3A_596 : vector<1x256x1xf32> to vector<256x1xf32>
    %swap3A_598 = vector.shape_cast %broadcast_in_dim3A_592 : vector<256x1xf32> to vector<1x256x1xf32>
    tpu.vector_store %arg7[%swap3A_593, %swap3A_594, %swap3A_595], %swap3A_598 {strides = array<i32>} : memref<1x256x64xf32, #tpu.memory_space<vmem>>, vector<1x256x1xf32>,
    %slice3A_599 = vector.extract_strided_slice %sub3A {offsets = [0, 1536], sizes = [256, 128], strides = [1, 1]} : vector<256x2048xf32> to vector<256x128xf32>
    %reshape3A_600 = vector.shape_cast %slice3A_599 : vector<256x128xf32> to vector<32x8x128xf32>
    %swap3A_601 = arith.constant 0 : index
    %swap3A_602 = arith.constant 12 : index
    %swap3A_603 = arith.constant 0 : index
    %swap3A_604 = arith.constant 0 : index
    %swap3A_605 = vector.load %arg6[%swap3A_601, %swap3A_602, %swap3A_603, %swap3A_604] : memref<32x16x8x128xf32, #tpu.memory_space<vmem>>, vector<32x1x8x128xf32>
    %swap3A_606 = vector.shape_cast %swap3A_605 : vector<32x1x8x128xf32> to vector<32x8x128xf32>
    %swap3A_607 = vector.shape_cast %reshape3A_600 : vector<32x8x128xf32> to vector<32x1x8x128xf32>
    tpu.vector_store %arg6[%swap3A_601, %swap3A_602, %swap3A_603, %swap3A_604], %swap3A_607 {strides = array<i32>} : memref<32x16x8x128xf32, #tpu.memory_space<vmem>>, vector<32x1x8x128xf32>,
    %slice3A_608 = vector.extract_strided_slice %slice3A_599 {offsets = [0, 0], sizes = [256, 32], strides = [1, 1]} : vector<256x128xf32> to vector<256x32xf32>
    %reduce_min3A_609 = arith.constant dense<0x7F800000> : vector<256xf32>
    %reduce_min3A_610 = vector.multi_reduction <minimumf>, %slice3A_608, %reduce_min3A_609 [1] : vector<256x32xf32> to vector<256xf32>
    %broadcast_in_dim3A_611 = vector.shape_cast %reduce_min3A_610 : vector<256xf32> to vector<256x1xf32>
    %swap3A_612 = arith.constant 0 : index
    %swap3A_613 = arith.constant 0 : index
    %swap3A_614 = arith.constant 48 : index
    %swap3A_615 = vector.load %arg7[%swap3A_612, %swap3A_613, %swap3A_614] : memref<1x256x64xf32, #tpu.memory_space<vmem>>, vector<1x256x1xf32>
    %swap3A_616 = vector.shape_cast %swap3A_615 : vector<1x256x1xf32> to vector<256x1xf32>
    %swap3A_617 = vector.shape_cast %broadcast_in_dim3A_611 : vector<256x1xf32> to vector<1x256x1xf32>
    tpu.vector_store %arg7[%swap3A_612, %swap3A_613, %swap3A_614], %swap3A_617 {strides = array<i32>} : memref<1x256x64xf32, #tpu.memory_space<vmem>>, vector<1x256x1xf32>,
    %slice3A_618 = vector.extract_strided_slice %slice3A_599 {offsets = [0, 32], sizes = [256, 32], strides = [1, 1]} : vector<256x128xf32> to vector<256x32xf32>
    %reduce_min3A_619 = arith.constant dense<0x7F800000> : vector<256xf32>
    %reduce_min3A_620 = vector.multi_reduction <minimumf>, %slice3A_618, %reduce_min3A_619 [1] : vector<256x32xf32> to vector<256xf32>
    %broadcast_in_dim3A_621 = vector.shape_cast %reduce_min3A_620 : vector<256xf32> to vector<256x1xf32>
    %swap3A_622 = arith.constant 0 : index
    %swap3A_623 = arith.constant 0 : index
    %swap3A_624 = arith.constant 49 : index
    %swap3A_625 = vector.load %arg7[%swap3A_622, %swap3A_623, %swap3A_624] : memref<1x256x64xf32, #tpu.memory_space<vmem>>, vector<1x256x1xf32>
    %swap3A_626 = vector.shape_cast %swap3A_625 : vector<1x256x1xf32> to vector<256x1xf32>
    %swap3A_627 = vector.shape_cast %broadcast_in_dim3A_621 : vector<256x1xf32> to vector<1x256x1xf32>
    tpu.vector_store %arg7[%swap3A_622, %swap3A_623, %swap3A_624], %swap3A_627 {strides = array<i32>} : memref<1x256x64xf32, #tpu.memory_space<vmem>>, vector<1x256x1xf32>,
    %slice3A_628 = vector.extract_strided_slice %slice3A_599 {offsets = [0, 64], sizes = [256, 32], strides = [1, 1]} : vector<256x128xf32> to vector<256x32xf32>
    %reduce_min3A_629 = arith.constant dense<0x7F800000> : vector<256xf32>
    %reduce_min3A_630 = vector.multi_reduction <minimumf>, %slice3A_628, %reduce_min3A_629 [1] : vector<256x32xf32> to vector<256xf32>
    %broadcast_in_dim3A_631 = vector.shape_cast %reduce_min3A_630 : vector<256xf32> to vector<256x1xf32>
    %swap3A_632 = arith.constant 0 : index
    %swap3A_633 = arith.constant 0 : index
    %swap3A_634 = arith.constant 50 : index
    %swap3A_635 = vector.load %arg7[%swap3A_632, %swap3A_633, %swap3A_634] : memref<1x256x64xf32, #tpu.memory_space<vmem>>, vector<1x256x1xf32>
    %swap3A_636 = vector.shape_cast %swap3A_635 : vector<1x256x1xf32> to vector<256x1xf32>
    %swap3A_637 = vector.shape_cast %broadcast_in_dim3A_631 : vector<256x1xf32> to vector<1x256x1xf32>
    tpu.vector_store %arg7[%swap3A_632, %swap3A_633, %swap3A_634], %swap3A_637 {strides = array<i32>} : memref<1x256x64xf32, #tpu.memory_space<vmem>>, vector<1x256x1xf32>,
    %slice3A_638 = vector.extract_strided_slice %slice3A_599 {offsets = [0, 96], sizes = [256, 32], strides = [1, 1]} : vector<256x128xf32> to vector<256x32xf32>
    %reduce_min3A_639 = arith.constant dense<0x7F800000> : vector<256xf32>
    %reduce_min3A_640 = vector.multi_reduction <minimumf>, %slice3A_638, %reduce_min3A_639 [1] : vector<256x32xf32> to vector<256xf32>
    %broadcast_in_dim3A_641 = vector.shape_cast %reduce_min3A_640 : vector<256xf32> to vector<256x1xf32>
    %swap3A_642 = arith.constant 0 : index
    %swap3A_643 = arith.constant 0 : index
    %swap3A_644 = arith.constant 51 : index
    %swap3A_645 = vector.load %arg7[%swap3A_642, %swap3A_643, %swap3A_644] : memref<1x256x64xf32, #tpu.memory_space<vmem>>, vector<1x256x1xf32>
    %swap3A_646 = vector.shape_cast %swap3A_645 : vector<1x256x1xf32> to vector<256x1xf32>
    %swap3A_647 = vector.shape_cast %broadcast_in_dim3A_641 : vector<256x1xf32> to vector<1x256x1xf32>
    tpu.vector_store %arg7[%swap3A_642, %swap3A_643, %swap3A_644], %swap3A_647 {strides = array<i32>} : memref<1x256x64xf32, #tpu.memory_space<vmem>>, vector<1x256x1xf32>,
    %slice3A_648 = vector.extract_strided_slice %sub3A {offsets = [0, 1664], sizes = [256, 128], strides = [1, 1]} : vector<256x2048xf32> to vector<256x128xf32>
    %reshape3A_649 = vector.shape_cast %slice3A_648 : vector<256x128xf32> to vector<32x8x128xf32>
    %swap3A_650 = arith.constant 0 : index
    %swap3A_651 = arith.constant 13 : index
    %swap3A_652 = arith.constant 0 : index
    %swap3A_653 = arith.constant 0 : index
    %swap3A_654 = vector.load %arg6[%swap3A_650, %swap3A_651, %swap3A_652, %swap3A_653] : memref<32x16x8x128xf32, #tpu.memory_space<vmem>>, vector<32x1x8x128xf32>
    %swap3A_655 = vector.shape_cast %swap3A_654 : vector<32x1x8x128xf32> to vector<32x8x128xf32>
    %swap3A_656 = vector.shape_cast %reshape3A_649 : vector<32x8x128xf32> to vector<32x1x8x128xf32>
    tpu.vector_store %arg6[%swap3A_650, %swap3A_651, %swap3A_652, %swap3A_653], %swap3A_656 {strides = array<i32>} : memref<32x16x8x128xf32, #tpu.memory_space<vmem>>, vector<32x1x8x128xf32>,
    %slice3A_657 = vector.extract_strided_slice %slice3A_648 {offsets = [0, 0], sizes = [256, 32], strides = [1, 1]} : vector<256x128xf32> to vector<256x32xf32>
    %reduce_min3A_658 = arith.constant dense<0x7F800000> : vector<256xf32>
    %reduce_min3A_659 = vector.multi_reduction <minimumf>, %slice3A_657, %reduce_min3A_658 [1] : vector<256x32xf32> to vector<256xf32>
    %broadcast_in_dim3A_660 = vector.shape_cast %reduce_min3A_659 : vector<256xf32> to vector<256x1xf32>
    %swap3A_661 = arith.constant 0 : index
    %swap3A_662 = arith.constant 0 : index
    %swap3A_663 = arith.constant 52 : index
    %swap3A_664 = vector.load %arg7[%swap3A_661, %swap3A_662, %swap3A_663] : memref<1x256x64xf32, #tpu.memory_space<vmem>>, vector<1x256x1xf32>
    %swap3A_665 = vector.shape_cast %swap3A_664 : vector<1x256x1xf32> to vector<256x1xf32>
    %swap3A_666 = vector.shape_cast %broadcast_in_dim3A_660 : vector<256x1xf32> to vector<1x256x1xf32>
    tpu.vector_store %arg7[%swap3A_661, %swap3A_662, %swap3A_663], %swap3A_666 {strides = array<i32>} : memref<1x256x64xf32, #tpu.memory_space<vmem>>, vector<1x256x1xf32>,
    %slice3A_667 = vector.extract_strided_slice %slice3A_648 {offsets = [0, 32], sizes = [256, 32], strides = [1, 1]} : vector<256x128xf32> to vector<256x32xf32>
    %reduce_min3A_668 = arith.constant dense<0x7F800000> : vector<256xf32>
    %reduce_min3A_669 = vector.multi_reduction <minimumf>, %slice3A_667, %reduce_min3A_668 [1] : vector<256x32xf32> to vector<256xf32>
    %broadcast_in_dim3A_670 = vector.shape_cast %reduce_min3A_669 : vector<256xf32> to vector<256x1xf32>
    %swap3A_671 = arith.constant 0 : index
    %swap3A_672 = arith.constant 0 : index
    %swap3A_673 = arith.constant 53 : index
    %swap3A_674 = vector.load %arg7[%swap3A_671, %swap3A_672, %swap3A_673] : memref<1x256x64xf32, #tpu.memory_space<vmem>>, vector<1x256x1xf32>
    %swap3A_675 = vector.shape_cast %swap3A_674 : vector<1x256x1xf32> to vector<256x1xf32>
    %swap3A_676 = vector.shape_cast %broadcast_in_dim3A_670 : vector<256x1xf32> to vector<1x256x1xf32>
    tpu.vector_store %arg7[%swap3A_671, %swap3A_672, %swap3A_673], %swap3A_676 {strides = array<i32>} : memref<1x256x64xf32, #tpu.memory_space<vmem>>, vector<1x256x1xf32>,
    %slice3A_677 = vector.extract_strided_slice %slice3A_648 {offsets = [0, 64], sizes = [256, 32], strides = [1, 1]} : vector<256x128xf32> to vector<256x32xf32>
    %reduce_min3A_678 = arith.constant dense<0x7F800000> : vector<256xf32>
    %reduce_min3A_679 = vector.multi_reduction <minimumf>, %slice3A_677, %reduce_min3A_678 [1] : vector<256x32xf32> to vector<256xf32>
    %broadcast_in_dim3A_680 = vector.shape_cast %reduce_min3A_679 : vector<256xf32> to vector<256x1xf32>
    %swap3A_681 = arith.constant 0 : index
    %swap3A_682 = arith.constant 0 : index
    %swap3A_683 = arith.constant 54 : index
    %swap3A_684 = vector.load %arg7[%swap3A_681, %swap3A_682, %swap3A_683] : memref<1x256x64xf32, #tpu.memory_space<vmem>>, vector<1x256x1xf32>
    %swap3A_685 = vector.shape_cast %swap3A_684 : vector<1x256x1xf32> to vector<256x1xf32>
    %swap3A_686 = vector.shape_cast %broadcast_in_dim3A_680 : vector<256x1xf32> to vector<1x256x1xf32>
    tpu.vector_store %arg7[%swap3A_681, %swap3A_682, %swap3A_683], %swap3A_686 {strides = array<i32>} : memref<1x256x64xf32, #tpu.memory_space<vmem>>, vector<1x256x1xf32>,
    %slice3A_687 = vector.extract_strided_slice %slice3A_648 {offsets = [0, 96], sizes = [256, 32], strides = [1, 1]} : vector<256x128xf32> to vector<256x32xf32>
    %reduce_min3A_688 = arith.constant dense<0x7F800000> : vector<256xf32>
    %reduce_min3A_689 = vector.multi_reduction <minimumf>, %slice3A_687, %reduce_min3A_688 [1] : vector<256x32xf32> to vector<256xf32>
    %broadcast_in_dim3A_690 = vector.shape_cast %reduce_min3A_689 : vector<256xf32> to vector<256x1xf32>
    %swap3A_691 = arith.constant 0 : index
    %swap3A_692 = arith.constant 0 : index
    %swap3A_693 = arith.constant 55 : index
    %swap3A_694 = vector.load %arg7[%swap3A_691, %swap3A_692, %swap3A_693] : memref<1x256x64xf32, #tpu.memory_space<vmem>>, vector<1x256x1xf32>
    %swap3A_695 = vector.shape_cast %swap3A_694 : vector<1x256x1xf32> to vector<256x1xf32>
    %swap3A_696 = vector.shape_cast %broadcast_in_dim3A_690 : vector<256x1xf32> to vector<1x256x1xf32>
    tpu.vector_store %arg7[%swap3A_691, %swap3A_692, %swap3A_693], %swap3A_696 {strides = array<i32>} : memref<1x256x64xf32, #tpu.memory_space<vmem>>, vector<1x256x1xf32>,
    %slice3A_697 = vector.extract_strided_slice %sub3A {offsets = [0, 1792], sizes = [256, 128], strides = [1, 1]} : vector<256x2048xf32> to vector<256x128xf32>
    %reshape3A_698 = vector.shape_cast %slice3A_697 : vector<256x128xf32> to vector<32x8x128xf32>
    %swap3A_699 = arith.constant 0 : index
    %swap3A_700 = arith.constant 14 : index
    %swap3A_701 = arith.constant 0 : index
    %swap3A_702 = arith.constant 0 : index
    %swap3A_703 = vector.load %arg6[%swap3A_699, %swap3A_700, %swap3A_701, %swap3A_702] : memref<32x16x8x128xf32, #tpu.memory_space<vmem>>, vector<32x1x8x128xf32>
    %swap3A_704 = vector.shape_cast %swap3A_703 : vector<32x1x8x128xf32> to vector<32x8x128xf32>
    %swap3A_705 = vector.shape_cast %reshape3A_698 : vector<32x8x128xf32> to vector<32x1x8x128xf32>
    tpu.vector_store %arg6[%swap3A_699, %swap3A_700, %swap3A_701, %swap3A_702], %swap3A_705 {strides = array<i32>} : memref<32x16x8x128xf32, #tpu.memory_space<vmem>>, vector<32x1x8x128xf32>,
    %slice3A_706 = vector.extract_strided_slice %slice3A_697 {offsets = [0, 0], sizes = [256, 32], strides = [1, 1]} : vector<256x128xf32> to vector<256x32xf32>
    %reduce_min3A_707 = arith.constant dense<0x7F800000> : vector<256xf32>
    %reduce_min3A_708 = vector.multi_reduction <minimumf>, %slice3A_706, %reduce_min3A_707 [1] : vector<256x32xf32> to vector<256xf32>
    %broadcast_in_dim3A_709 = vector.shape_cast %reduce_min3A_708 : vector<256xf32> to vector<256x1xf32>
    %swap3A_710 = arith.constant 0 : index
    %swap3A_711 = arith.constant 0 : index
    %swap3A_712 = arith.constant 56 : index
    %swap3A_713 = vector.load %arg7[%swap3A_710, %swap3A_711, %swap3A_712] : memref<1x256x64xf32, #tpu.memory_space<vmem>>, vector<1x256x1xf32>
    %swap3A_714 = vector.shape_cast %swap3A_713 : vector<1x256x1xf32> to vector<256x1xf32>
    %swap3A_715 = vector.shape_cast %broadcast_in_dim3A_709 : vector<256x1xf32> to vector<1x256x1xf32>
    tpu.vector_store %arg7[%swap3A_710, %swap3A_711, %swap3A_712], %swap3A_715 {strides = array<i32>} : memref<1x256x64xf32, #tpu.memory_space<vmem>>, vector<1x256x1xf32>,
    %slice3A_716 = vector.extract_strided_slice %slice3A_697 {offsets = [0, 32], sizes = [256, 32], strides = [1, 1]} : vector<256x128xf32> to vector<256x32xf32>
    %reduce_min3A_717 = arith.constant dense<0x7F800000> : vector<256xf32>
    %reduce_min3A_718 = vector.multi_reduction <minimumf>, %slice3A_716, %reduce_min3A_717 [1] : vector<256x32xf32> to vector<256xf32>
    %broadcast_in_dim3A_719 = vector.shape_cast %reduce_min3A_718 : vector<256xf32> to vector<256x1xf32>
    %swap3A_720 = arith.constant 0 : index
    %swap3A_721 = arith.constant 0 : index
    %swap3A_722 = arith.constant 57 : index
    %swap3A_723 = vector.load %arg7[%swap3A_720, %swap3A_721, %swap3A_722] : memref<1x256x64xf32, #tpu.memory_space<vmem>>, vector<1x256x1xf32>
    %swap3A_724 = vector.shape_cast %swap3A_723 : vector<1x256x1xf32> to vector<256x1xf32>
    %swap3A_725 = vector.shape_cast %broadcast_in_dim3A_719 : vector<256x1xf32> to vector<1x256x1xf32>
    tpu.vector_store %arg7[%swap3A_720, %swap3A_721, %swap3A_722], %swap3A_725 {strides = array<i32>} : memref<1x256x64xf32, #tpu.memory_space<vmem>>, vector<1x256x1xf32>,
    %slice3A_726 = vector.extract_strided_slice %slice3A_697 {offsets = [0, 64], sizes = [256, 32], strides = [1, 1]} : vector<256x128xf32> to vector<256x32xf32>
    %reduce_min3A_727 = arith.constant dense<0x7F800000> : vector<256xf32>
    %reduce_min3A_728 = vector.multi_reduction <minimumf>, %slice3A_726, %reduce_min3A_727 [1] : vector<256x32xf32> to vector<256xf32>
    %broadcast_in_dim3A_729 = vector.shape_cast %reduce_min3A_728 : vector<256xf32> to vector<256x1xf32>
    %swap3A_730 = arith.constant 0 : index
    %swap3A_731 = arith.constant 0 : index
    %swap3A_732 = arith.constant 58 : index
    %swap3A_733 = vector.load %arg7[%swap3A_730, %swap3A_731, %swap3A_732] : memref<1x256x64xf32, #tpu.memory_space<vmem>>, vector<1x256x1xf32>
    %swap3A_734 = vector.shape_cast %swap3A_733 : vector<1x256x1xf32> to vector<256x1xf32>
    %swap3A_735 = vector.shape_cast %broadcast_in_dim3A_729 : vector<256x1xf32> to vector<1x256x1xf32>
    tpu.vector_store %arg7[%swap3A_730, %swap3A_731, %swap3A_732], %swap3A_735 {strides = array<i32>} : memref<1x256x64xf32, #tpu.memory_space<vmem>>, vector<1x256x1xf32>,
    %slice3A_736 = vector.extract_strided_slice %slice3A_697 {offsets = [0, 96], sizes = [256, 32], strides = [1, 1]} : vector<256x128xf32> to vector<256x32xf32>
    %reduce_min3A_737 = arith.constant dense<0x7F800000> : vector<256xf32>
    %reduce_min3A_738 = vector.multi_reduction <minimumf>, %slice3A_736, %reduce_min3A_737 [1] : vector<256x32xf32> to vector<256xf32>
    %broadcast_in_dim3A_739 = vector.shape_cast %reduce_min3A_738 : vector<256xf32> to vector<256x1xf32>
    %swap3A_740 = arith.constant 0 : index
    %swap3A_741 = arith.constant 0 : index
    %swap3A_742 = arith.constant 59 : index
    %swap3A_743 = vector.load %arg7[%swap3A_740, %swap3A_741, %swap3A_742] : memref<1x256x64xf32, #tpu.memory_space<vmem>>, vector<1x256x1xf32>
    %swap3A_744 = vector.shape_cast %swap3A_743 : vector<1x256x1xf32> to vector<256x1xf32>
    %swap3A_745 = vector.shape_cast %broadcast_in_dim3A_739 : vector<256x1xf32> to vector<1x256x1xf32>
    tpu.vector_store %arg7[%swap3A_740, %swap3A_741, %swap3A_742], %swap3A_745 {strides = array<i32>} : memref<1x256x64xf32, #tpu.memory_space<vmem>>, vector<1x256x1xf32>,
    %slice3A_746 = vector.extract_strided_slice %sub3A {offsets = [0, 1920], sizes = [256, 128], strides = [1, 1]} : vector<256x2048xf32> to vector<256x128xf32>
    %reshape3A_747 = vector.shape_cast %slice3A_746 : vector<256x128xf32> to vector<32x8x128xf32>
    %swap3A_748 = arith.constant 0 : index
    %swap3A_749 = arith.constant 15 : index
    %swap3A_750 = arith.constant 0 : index
    %swap3A_751 = arith.constant 0 : index
    %swap3A_752 = vector.load %arg6[%swap3A_748, %swap3A_749, %swap3A_750, %swap3A_751] : memref<32x16x8x128xf32, #tpu.memory_space<vmem>>, vector<32x1x8x128xf32>
    %swap3A_753 = vector.shape_cast %swap3A_752 : vector<32x1x8x128xf32> to vector<32x8x128xf32>
    %swap3A_754 = vector.shape_cast %reshape3A_747 : vector<32x8x128xf32> to vector<32x1x8x128xf32>
    tpu.vector_store %arg6[%swap3A_748, %swap3A_749, %swap3A_750, %swap3A_751], %swap3A_754 {strides = array<i32>} : memref<32x16x8x128xf32, #tpu.memory_space<vmem>>, vector<32x1x8x128xf32>,
    %slice3A_755 = vector.extract_strided_slice %slice3A_746 {offsets = [0, 0], sizes = [256, 32], strides = [1, 1]} : vector<256x128xf32> to vector<256x32xf32>
    %reduce_min3A_756 = arith.constant dense<0x7F800000> : vector<256xf32>
    %reduce_min3A_757 = vector.multi_reduction <minimumf>, %slice3A_755, %reduce_min3A_756 [1] : vector<256x32xf32> to vector<256xf32>
    %broadcast_in_dim3A_758 = vector.shape_cast %reduce_min3A_757 : vector<256xf32> to vector<256x1xf32>
    %swap3A_759 = arith.constant 0 : index
    %swap3A_760 = arith.constant 0 : index
    %swap3A_761 = arith.constant 60 : index
    %swap3A_762 = vector.load %arg7[%swap3A_759, %swap3A_760, %swap3A_761] : memref<1x256x64xf32, #tpu.memory_space<vmem>>, vector<1x256x1xf32>
    %swap3A_763 = vector.shape_cast %swap3A_762 : vector<1x256x1xf32> to vector<256x1xf32>
    %swap3A_764 = vector.shape_cast %broadcast_in_dim3A_758 : vector<256x1xf32> to vector<1x256x1xf32>
    tpu.vector_store %arg7[%swap3A_759, %swap3A_760, %swap3A_761], %swap3A_764 {strides = array<i32>} : memref<1x256x64xf32, #tpu.memory_space<vmem>>, vector<1x256x1xf32>,
    %slice3A_765 = vector.extract_strided_slice %slice3A_746 {offsets = [0, 32], sizes = [256, 32], strides = [1, 1]} : vector<256x128xf32> to vector<256x32xf32>
    %reduce_min3A_766 = arith.constant dense<0x7F800000> : vector<256xf32>
    %reduce_min3A_767 = vector.multi_reduction <minimumf>, %slice3A_765, %reduce_min3A_766 [1] : vector<256x32xf32> to vector<256xf32>
    %broadcast_in_dim3A_768 = vector.shape_cast %reduce_min3A_767 : vector<256xf32> to vector<256x1xf32>
    %swap3A_769 = arith.constant 0 : index
    %swap3A_770 = arith.constant 0 : index
    %swap3A_771 = arith.constant 61 : index
    %swap3A_772 = vector.load %arg7[%swap3A_769, %swap3A_770, %swap3A_771] : memref<1x256x64xf32, #tpu.memory_space<vmem>>, vector<1x256x1xf32>
    %swap3A_773 = vector.shape_cast %swap3A_772 : vector<1x256x1xf32> to vector<256x1xf32>
    %swap3A_774 = vector.shape_cast %broadcast_in_dim3A_768 : vector<256x1xf32> to vector<1x256x1xf32>
    tpu.vector_store %arg7[%swap3A_769, %swap3A_770, %swap3A_771], %swap3A_774 {strides = array<i32>} : memref<1x256x64xf32, #tpu.memory_space<vmem>>, vector<1x256x1xf32>,
    %slice3A_775 = vector.extract_strided_slice %slice3A_746 {offsets = [0, 64], sizes = [256, 32], strides = [1, 1]} : vector<256x128xf32> to vector<256x32xf32>
    %reduce_min3A_776 = arith.constant dense<0x7F800000> : vector<256xf32>
    %reduce_min3A_777 = vector.multi_reduction <minimumf>, %slice3A_775, %reduce_min3A_776 [1] : vector<256x32xf32> to vector<256xf32>
    %broadcast_in_dim3A_778 = vector.shape_cast %reduce_min3A_777 : vector<256xf32> to vector<256x1xf32>
    %swap3A_779 = arith.constant 0 : index
    %swap3A_780 = arith.constant 0 : index
    %swap3A_781 = arith.constant 62 : index
    %swap3A_782 = vector.load %arg7[%swap3A_779, %swap3A_780, %swap3A_781] : memref<1x256x64xf32, #tpu.memory_space<vmem>>, vector<1x256x1xf32>
    %swap3A_783 = vector.shape_cast %swap3A_782 : vector<1x256x1xf32> to vector<256x1xf32>
    %swap3A_784 = vector.shape_cast %broadcast_in_dim3A_778 : vector<256x1xf32> to vector<1x256x1xf32>
    tpu.vector_store %arg7[%swap3A_779, %swap3A_780, %swap3A_781], %swap3A_784 {strides = array<i32>} : memref<1x256x64xf32, #tpu.memory_space<vmem>>, vector<1x256x1xf32>,
    %slice3A_785 = vector.extract_strided_slice %slice3A_746 {offsets = [0, 96], sizes = [256, 32], strides = [1, 1]} : vector<256x128xf32> to vector<256x32xf32>
    %reduce_min3A_786 = arith.constant dense<0x7F800000> : vector<256xf32>
    %reduce_min3A_787 = vector.multi_reduction <minimumf>, %slice3A_785, %reduce_min3A_786 [1] : vector<256x32xf32> to vector<256xf32>
    %broadcast_in_dim3A_788 = vector.shape_cast %reduce_min3A_787 : vector<256xf32> to vector<256x1xf32>
    %swap3A_789 = arith.constant 0 : index
    %swap3A_790 = arith.constant 0 : index
    %swap3A_791 = arith.constant 63 : index
    %swap3A_792 = vector.load %arg7[%swap3A_789, %swap3A_790, %swap3A_791] : memref<1x256x64xf32, #tpu.memory_space<vmem>>, vector<1x256x1xf32>
    %swap3A_793 = vector.shape_cast %swap3A_792 : vector<1x256x1xf32> to vector<256x1xf32>
    %swap3A_794 = vector.shape_cast %broadcast_in_dim3A_788 : vector<256x1xf32> to vector<1x256x1xf32>
    tpu.vector_store %arg7[%swap3A_789, %swap3A_790, %swap3A_791], %swap3A_794 {strides = array<i32>} : memref<1x256x64xf32, #tpu.memory_space<vmem>>, vector<1x256x1xf32>,
    return
  }
  func.func @transform_0(%arg0: i32, %arg1: i32) -> (i32, i32) {
    %c0_i32 = arith.constant 0 : i32
    %c0_i32_0 = arith.constant 0 : i32
    return %arg0, %c0_i32 : i32, i32
  }
  func.func @transform_1(%arg0: i32, %arg1: i32) -> (i32, i32) {
    %c0_i32 = arith.constant 0 : i32
    %c0_i32_0 = arith.constant 0 : i32
    return %arg1, %c0_i32 : i32, i32
  }
  func.func @transform_2(%arg0: i32, %arg1: i32) -> (i32, i32) {
    %c0_i32 = arith.constant 0 : i32
    %c0_i32_0 = arith.constant 0 : i32
    return %arg0, %c0_i32 : i32, i32
  }
  func.func @transform_3(%arg0: i32, %arg1: i32) -> (i32, i32) {
    %c0_i32 = arith.constant 0 : i32
    %c0_i32_0 = arith.constant 0 : i32
    return %c0_i32, %arg1 : i32, i32
  }
  func.func @transform_4(%arg0: i32, %arg1: i32) -> (i32, i32, i32, i32) {
    %c0_i32 = arith.constant 0 : i32
    %c0_i32_0 = arith.constant 0 : i32
    %c0_i32_1 = arith.constant 0 : i32
    return %arg0, %arg1, %c0_i32, %c0_i32_0 : i32, i32, i32, i32
  }
  func.func @transform_5(%arg0: i32, %arg1: i32) -> (i32, i32, i32) {
    %c0_i32 = arith.constant 0 : i32
    %c0_i32_0 = arith.constant 0 : i32
    return %arg1, %arg0, %c0_i32 : i32, i32, i32
  }
}

</mosaic_0001>

<sc_bundles>
// kernel: kernel.4.cloned.1.call-start
scs
__scs_entry_jumppad:
0x0: {  	(pc) =	sbr.rel $0x88, $3  }
0x1: {  	(tag) =	ssettag $0x0;
	lr =	simm.s32 $0x1  }
0x2: {  	[smem:$0x3F9E] =	sst lr;
	_ =	strace $0xD0000000  }
0x3: {  	_ = 	snop  }
0x4: {  	_ = 	snop  }
0x5: {  	_ = 	snop  }
0x6: {  	_ = 	snop  }
0x7: {  	_ = 	snop  }
__scs_overlays_trampoline_lowered:
0x8: {  	[smem:$0x3FAD] =	sst s0  }
0x9: {  	[smem:$0x3FAE] =	sst s1  }
0xa: {  	[smem:$0x3FAF] =	sst s2  }
0xb: {  	[smem:$0x3FB0] =	sst s3  }
0xc: {  	[smem:$0x3FB1] =	sst s4  }
0xd: {  	[smem:$0x3FB2] =	sst s5  }
0xe: {  	[smem:$0x3FB3] =	sst s6  }
0xf: {  	[smem:$0x3FB4] =	sst s7  }
0x10: {  	[smem:$0x3FB5] =	sst s8  }
0x11: {  	[smem:$0x3FB6] =	sst s9;
	s0 =	simm.s32 @!p0 $0x0  }
0x12: {  	s1 =	sld [smem:$0x3F9C];
	s0 =	simm.s32 @p0 $0x1  }
0x13: {  	[smem:$0x3FB7] =	sst s0;
	s0 =	simm.s32 @!p1 $0x0  }
0x14: {  	s2 =	sld [smem:$0x3F9B];
	s0 =	simm.s32 @p1 $0x1  }
0x15: {  	[smem:$0x3FB8] =	sst s0;
	s0 =	simm.s32 @!p2 $0x0  }
0x16: {  	s3 =	sld [smem:$0x3FDB];
	s0 =	simm.s32 @p2 $0x1  }
0x17: {  	s4 =	simm.s32 $0x1BF5;
	[smem:$0x3FBA] =	sst s0  }
0x18: {  	s0 =	sld [smem:$0x3F9D];
	_ =	swait.ge [sflag:s4], $0x0  }
0x19: {  	s7 =	sld [smem:$0x3F9E]  }
0x1a: {  	s8 =	sadd.s32 $0xFFFFE003, lr  }
0x1b: {  	s9 =	sadd.s32 $0xFFFFFEF7, lr;
	s5 =	simm.s32 $0xFFFFFFFF;
	p2 =	slt.u32 s8, $0xFFFFF086  }
0x1c: {  	p1 =	slt.u32 s9, $0xF7A;
	s5 =	simm.s32 @!p2 $0x0  }
0x1d: {  	s5 =	simm.s32 @p1 $0x1;
	p0 =	seq.s32 s7, s2  }
0x1e: {  	s7 =	smul.u32 @!p0 $0xF7A, s2;
	p2 =	seq.s32 @!p0 s5, $0x0  }
0x1f: {  	s9 =	smul.u32 $0xF7A, s1;
	s8 =	simm.s32 @!p0 $0x1BF5;
	p2 =	por !p2, p0  }
0x20: {  	[sflag:s8] =	ssyncset.s32 @!p0 $0xFFFFF086;
	s6 =	sadd.s32 @!p0 s3, s7;
	s7 =	simm.s32 @!p0 $0x108  }
0x21: {  	s3 =	sadd.s32 s3, s9;
	s6 =	sadd.s32 @!p0 $0x88, s6;
	s7 =	simm.s32 @p2 $0x1082  }
0x22: {  	[simem:s7], [sflag:s8] =	dma.local @!p0 [hbm:s6], $0xF7A  }
0x23: {  	s9 =	sor.u32 $0xD0000000, s2;
	s6 =	simm.s32 $0x108;
	_ =	swait.ge @!p0 [sflag:s8], $0x0  }
0x24: {  	s3 =	sadd.s32 $0x88, s3;
	s6 =	simm.s32 @!p1 $0x1082;
	[sflag:s4] =	ssyncset.s32 $0xFFFFF086  }
0x25: {  	[simem:s6], [sflag:s4] =	dma.local [hbm:s3], $0xF7A  }
0x26: {  	[smem:$0x3F9E] =	sst s1;
	(tag) =	ssettag s2;
	_ =	strace s9  }
0x27: {  	s1 =	sld [smem:$0x3FAE]  }
0x28: {  	s2 =	sld [smem:$0x3FAF]  }
0x29: {  	s4 =	sld [smem:$0x3FB1]  }
0x2a: {  	p0 =	seq.s32 s5, $0x0;
	s5 =	sld [smem:$0x3FB2]  }
0x2b: {  	s6 =	sld [smem:$0x3FB3]  }
0x2c: {  	s7 =	sld [smem:$0x3FB4]  }
0x2d: {  	s3 =	simm.s32 $0x108;
	s8 =	sld [smem:$0x3FB5]  }
0x2e: {  	s3 =	simm.s32 @!p0 $0x1082;
	s9 =	sld [smem:$0x3FB6]  }
0x2f: {  	lr =	sadd.s32 s0, s3;
	s0 =	sld [smem:$0x3FAD]  }
0x30: {  	s3 =	sld [smem:$0x3FB0]  }
0x31: {  	[smem:$0x3FB9] =	sst s10  }
0x32: {  	s10 =	sld [smem:$0x3FB7];
	_ =	sdelay $0x3  }
0x33: {  	p0 =	seq.s32 s10, $0x1;
	s10 =	sld [smem:$0x3FB9];
	_ =	sdelay $0x3  }
0x34: {  	[smem:$0x3FB9] =	sst s10  }
0x35: {  	s10 =	sld [smem:$0x3FB8];
	_ =	sdelay $0x3  }
0x36: {  	p1 =	seq.s32 s10, $0x1;
	s10 =	sld [smem:$0x3FB9];
	_ =	sdelay $0x3  }
0x37: {  	[smem:$0x3FB9] =	sst s10  }
0x38: {  	s10 =	sld [smem:$0x3FBA]  }
0x39: {  	_ = 	snop;
	(pc) =	sbr.ind lr, $3  }
0x3a: {  	_ = 	snop  }
0x3b: {  	_ = 	snop  }
0x3c: {  	p2 =	seq.s32 s10, $0x1;
	s10 =	sld [smem:$0x3FB9]  }
0x3d: {  	_ =	shalt  }
0x3e: {  	_ =	shalt  }
0x3f: {  	_ =	shalt  }
0x40: {  	_ =	shalt  }
0x41: {  	_ =	shalt  }
0x42: {  	_ =	shalt  }
0x43: {  	_ =	shalt  }
0x44: {  	_ =	shalt  }
0x45: {  	_ =	shalt  }
0x46: {  	_ =	shalt  }
0x47: {  	_ =	shalt  }
0x48: {  	_ =	shalt  }
0x49: {  	_ =	shalt  }
0x4a: {  	_ =	shalt  }
0x4b: {  	_ =	shalt  }
0x4c: {  	_ =	shalt  }
0x4d: {  	_ =	shalt  }
0x4e: {  	_ =	shalt  }
0x4f: {  	_ =	shalt  }
0x50: {  	_ =	shalt  }
0x51: {  	_ =	shalt  }
0x52: {  	_ =	shalt  }
0x53: {  	_ =	shalt  }
0x54: {  	_ =	shalt  }
0x55: {  	_ =	shalt  }
0x56: {  	_ =	shalt  }
0x57: {  	_ =	shalt  }
0x58: {  	_ =	shalt  }
0x59: {  	_ =	shalt  }
0x5a: {  	_ =	shalt  }
0x5b: {  	_ =	shalt  }
0x5c: {  	_ =	shalt  }
0x5d: {  	_ =	shalt  }
0x5e: {  	_ =	shalt  }
0x5f: {  	_ =	shalt  }
0x60: {  	_ =	shalt  }
0x61: {  	_ =	shalt  }
0x62: {  	_ =	shalt  }
0x63: {  	_ =	shalt  }
0x64: {  	_ =	shalt  }
0x65: {  	_ =	shalt  }
0x66: {  	_ =	shalt  }
0x67: {  	_ =	shalt  }
0x68: {  	_ =	shalt  }
0x69: {  	_ =	shalt  }
0x6a: {  	_ =	shalt  }
0x6b: {  	_ =	shalt  }
0x6c: {  	_ =	shalt  }
0x6d: {  	_ =	shalt  }
0x6e: {  	_ =	shalt  }
0x6f: {  	_ =	shalt  }
0x70: {  	_ =	shalt  }
0x71: {  	_ =	shalt  }
0x72: {  	_ =	shalt  }
0x73: {  	_ =	shalt  }
0x74: {  	_ =	shalt  }
0x75: {  	_ =	shalt  }
0x76: {  	_ =	shalt  }
0x77: {  	_ =	shalt  }
0x78: {  	_ =	shalt  }
0x79: {  	_ =	shalt  }
0x7a: {  	_ =	shalt  }
0x7b: {  	_ =	shalt  }
0x7c: {  	_ =	shalt  }
0x7d: {  	_ =	shalt  }
0x7e: {  	_ =	shalt  }
0x7f: {  	_ =	shalt  }
0x80: {  	_ =	shalt  }
0x81: {  	_ =	shalt  }
0x82: {  	_ =	shalt  }
0x83: {  	_ =	shalt  }
0x84: {  	_ =	shalt  }
0x85: {  	_ =	shalt  }
0x86: {  	_ =	shalt  }
0x87: {  	_ =	shalt  }
.Lfunc_end0:
.L_simem_size_0:
called_computation_lowered:
.L_overlay_start_0:
0x88: {  	s2 =	sld [smem:$0x3FD9]  }
0x89: {  	s3 =	sld [smem:$0x3FFE];
	_ =	sdelay $0x1  }
0x8a: {  	s1 =	srdreg.scid  }
0x8b: {  	s0 =	sand.u32 $0x1, s1  }
0x8c: {  	s17 =	sshll.u32 s0, $0xA;
	s2 =	sadd.s32 s3, s2  }
0x8d: {  	s2 =	sadd.s32 s2, s17  }
0x8e: {  	[smem:$0x3FC5] =	sst s2  }
0x8f: {  	_ = 	snop  }
0x90: {  	s2 =	sld [smem:$0x3FC7]  }
0x91: {  	s18 =	sld [smem:$0x3FD0];
	(tm) =	ssettm $0x1  }
0x92: {  	s4 =	sld [smem:$0x3FFB];
	_ =	sdelay $0x3  }
0x93: {  	_ =	strace s4  }
0x94: {  	s4 =	sld [smem:$0x3FFC];
	_ =	sdelay $0x3  }
0x95: {  	_ =	strace s4  }
0x96: {  	s4 =	sld [smem:$0x3FFD];
	_ =	sdelay $0x3  }
0x97: {  	_ =	strace s4  }
0x98: {  	_ =	strace $0x8FFFFFFF  }
0x99: {  	s19 =	sld [smem:$0x3FDB];
	_ =	sdelay $0x1  }
0x9a: {  	s5 =	simm.s32 $_scs_section_size  }
0x9b: {  	s6 =	simm.s32 $_size__tile_overlayer_lowered;
	s7 =	simm.s32 $_tile_overlayer_lowered  }
0x9c: {  	s22 =	simm.s32 $0x1BFF;
	s21 =	sshll.u32 s7, $0x1;
	s4 =	sadd.s32 s5, s19  }
0x9d: {  	s8 =	simm.s32 $0x0;
	s20 =	sshll.u32 s6, $0x1;
	s6 =	sadd.s32 s21, s4  }
0x9e: {  	[timem:s8], [sflag:s22] =	dma.local [hbm:s6], s20  }
0x9f: {  	_ =	swait.ge [sflag:s22], s20  }
0xa0: {  	s5 =	ssub.s32 $0x0, s20;
	[sflag:s22] =	ssyncset.done $0x0  }
0xa1: {  	[sflag:s22] =	ssyncadd.s32 s5;
	_ =	sdelay $0x1  }
0xa2: {  	s23 =	simm.s32 $0x1B8B  }
0xa3: {  	_ =	swait.ge [sflag:s23], $0x1  }
0xa4: {  	[sflag:s23] =	ssyncset.done $0x0  }
0xa5: {  	s25 =	simm.s32 $0x1B8E;
	s24 =	sld [smem:$0x3FFE];
	[sflag:s23] =	ssyncadd.s32 $0xFFFFFFFF  }
0xa6: {  	s26 =	simm.s32 $execute0_lowered;
	[smem:$0x3FD2] =	sst s25  }
0xa7: {  	s6 =	sshll.u32 s26, $0x1;
	_ =	strace $0x80000046;
	[dreg:$0x1] =	wrdreg $0xFFFFFFFF  }
0xa8: {  	s28 =	simm.s32 $_size_execute0_lowered;
	s4 =	sadd.s32 s4, s6;
	[dreg:$0x0] =	wrdreg $0x0  }
0xa9: {  	s6 =	sshll.u32 s28, $0x1;
	[dreg:$0x2] =	wrdreg s4  }
0xaa: {  	[dreg:$0x3] =	wrdreg s6  }
0xab: {  	[dreg:$0x4] =	wrdreg $0xC0  }
0xac: {  	_ =	task [dreg:s8], $0x5FFFF  }
0xad: {  	[dreg:$0x1] =	wrdreg $0xFFFFFFFF  }
0xae: {  	[dreg:$0x0] =	wrdreg $0x60  }
0xaf: {  	[dreg:$0x2] =	wrdreg s24  }
0xb0: {  	[dreg:$0x3] =	wrdreg s2  }
0xb1: {  	[dreg:$0x4] =	wrdreg s18  }
0xb2: {  	[dreg:$0x5] =	wrdreg $0x9  }
0xb3: {  	_ =	task.clear_ibuf [dreg:s8], $0x6FFFF;
	_ =	strace $0x90000046  }
0xb4: {  	s29 =	simm.s32 $0x9;
	_ =	strace $0x80000048  }
0xb5: {  	_ =	swait.ge [sflag:s29], $0x1  }
0xb6: {  	[sflag:s29] =	ssyncadd.s32 $0xFFFFFFFF  }
0xb7: {  	_ =	strace $0x90000048  }
0xb8: {  	_ =	sfence  }
0xb9: {  	s30 =	sld [smem:$0x0];
	_ =	sdelay $0x2  }
0xba: {  	s31 =	sshll.u32 s1, $0xD;
	s1 =	sshrl.u32 s1, $0x2  }
0xbb: {  	s3 =	sand.u32 $0x4000, s31;
	s1 =	sadd.s32 s1, s30  }
0xbc: {  	s0 =	sor.u32 s3, s0;
	s1 =	sshll.u32 s1, $0x11  }
0xbd: {  	s0 =	sor.u32 s1, s0  }
0xbe: {  	s0 =	sadd.s32 $0x8F2B, s0  }
0xbf: {  	[sflag:s0] =	ssyncadd.remote.s32 $0x1  }
0xc0: {  	_ =	sfence.sel $0xFFFF  }
0xc1: {  	[dreg:$0x0] =	wrdreg $0xFFFFFFFF;
	(pc) =	sbr.abs _section_cstart, $3  }
0xc2: {  	[dreg:$0x1] =	wrdreg $0xFFFFFFFF  }
0xc3: {  	_ =	task.clear_ibuf [dreg:s8], $0x2FFFF;
	_ =	strace $0x9FFFFFFF  }
0xc4: {  	(tm) =	ssettm $0x7FFFFFFF  }
0xc5: {  	_ =	shalt  }
tec
execute0_lowered:
.L_overlay_start_1:
0x0: {  	(tag) =	ssettag $0x1  }
0x1: {  	s5 =	rddreg [dreg:$0x0]  }
0x2: {  	s0 =	rddreg [dreg:$0x2]  }
0x3: {  	s1 =	srdreg.scid;
	s2 =	simm.s32 $0x0;
	s3 =	stileid.u32  }
0x4: {  	s11 =	simm.s32 $0x4180;
	s12 =	simm.s32 $0x2;
	s13 =	simm.s32 $0xFFFFFF00  }
0x5: {  	s14 =	simm.s32 $0x3C80;
	s15 =	simm.s32 $0x1;
	s16 =	simm.s32 $0x40  }
0x6: {  	s17 =	simm.s32 $0x4000;
	s18 =	simm.s32 $0x1C80;
	s19 =	simm.s32 $0x20  }
0x7: {  	s20 =	simm.s32 $0x4080;
	s21 =	simm.s32 $0x4E00;
	s22 =	simm.s32 $0x4E80  }
0x8: {  	s1 =	sand.u32 $0x1, s1;
	[smem:$0x7FF] =	sst s2;
	s3 =	sshll.u32 s3, $0x1  }
.Ltmp0:
0x9: {  	s30 =	ssub.s32 $0x2, s1;
	s1 =	sor.u32 s1, s3;
	(pc) =	sbr.rel .LBB2_1-.Ltmp0, $4  }
0xa: {  	v0 =	vlaneseq.u32;
	s10 =	smov.u32 s5;
	s4 =	sshrl.u32 s30, $0x1;
	s3 =	sshll.u32 s1, $0x2  }
0xb: {  	v1 =	vimm.s32 $0x0;
	s5 =	sadd.s32 $0x24C000, s5;
	v7 =	vmul.u32 $0xFFFFFFFF, v0;
	s2 =	ssub.s32 s30, s4;
	s0 =	sadd.s32 s0, s3  }
0xc: {  	v2 =	vimm.s32 $0x1;
	v6 =	vimm.s32 $0x7FFFFFFF;
	v3 =	vor.u32 $0x10, v0;
	_ =	strace $0x80000047;
	[dreg:$0x4] =	wrdreg s0;
	s31 =	smax.u32 s2, $0x1  }
0xd: {  	v4 =	vor.u32 $0x20, v0;
	v5 =	vor.u32 $0x30, v0;
	s6 =	sshll.u32 s1, $0x5;
	v7 =	vadd.s32 $0xF, v7;
	s1 =	simm.s32 $0x0;
	[dreg:$0x5] =	wrdreg s31  }
.LBB2_42:
0xe: {  	s0 =	simm.s32 $0x0;
	s1 =	rddreg [dreg:$0x4]  }
0xf: {  	[hbm4b:s1+s0] =	stream.linear.scatter [tilespmem:s22], [sflag:$0x2], $0x20, $0x38;
	[tilespmem:$0x4F00] =	vst v63  }
0x10: {  	_ =	swait.ge [sflag:s12], $0x20  }
0x11: {  	s30 =	rddreg [dreg:$0x6]  }
0x12: {  	s31 =	rddreg [dreg:$0x5];
	s1 =	sadd.s32 $0x1, s30  }
0x13: {  	p0 =	sne.s32 s1, s31  }
.Ltmp1:
0x14: {  	_ = 	snop;
	(pc) =	sbr.rel @!p0 .LBB2_43-.Ltmp1, $3  }
0x15: {  	_ =	sdelay $0x1  }
0x16: {  	[sflag:s12] =	ssyncset.done $0x0  }
0x17: {  	[sflag:s12] =	ssyncadd.s32 $0xFFFFFFE0  }
.LBB2_1:
.Ltmp2:
0x18: {  	(pc) =	sbr.rel .LBB2_2-.Ltmp2, $2  }
0x19: {  	_ =	sdelay $0x2  }
0x1a: {  	[dreg:$0x6] =	wrdreg s1;
	s24 =	simm.s32 $0x0  }
.LBB2_41:
0x1b: {  	v8 =	vld [tilespmem:$0x4100]  }
0x1c: {  	v9 =	vld [tilespmem:$0x4110];
	_ =	sdelay $0x3  }
0x1d: {  	(xrf1) =	vsort.ascd.msk.u32 $0xffff, v8, v8  }
0x1e: {  	(xrf1) =	vsort.ascd.msk.u32 $0xffff, v9, v9;
	_ =	sdelay $0xc  }
0x1f: {  	v8, _, _ =	vpop (xrf1)  }
0x20: {  	v9, _, _ =	vpop (xrf1)  }
0x21: {  	v9 =	vperm.xlane v9, v7  }
0x22: {  	s0 =	ssub.s32 $0x20, s25  }
0x23: {  	p0 =	slt.s32 s0, $0x1;
	vm0 =	vgt.s32 v8, v9  }
0x24: {  	v10 =	vsel vm0, v8, v9;
	vm0 =	vlt.s32 @!p0 v8, v9  }
0x25: {  	(xrf1) =	vsort.ascd.msk.u32 $0xffff, v10, v10;
	v8 =	vsel @!p0 vm0, v8, v9  }
0x26: {  	(xrf1) =	vsort.ascd.msk.u32 @!p0 $0xffff, v8, v8;
	_ =	sdelay $0xa  }
0x27: {  	p1 =	slt.u32 @!p0 s0, $0x11  }
0x28: {  	p1 =	por p1, p0  }
0x29: {  	v9 =	vmov @!p0 s0;
	v10 =	vlaneseq.u32 @!p0;
	s0 =	ssub.s32 @!p1 $0x10, s25;
	v8, _, _ =	vpop (xrf1)  }
0x2a: {  	vm0 =	vgt.s32 @!p0 v9, v10;
	v9 =	vmov @!p1 s0;
	v10 =	vlaneseq.u32 @!p1;
	v11, _, _ =	vpop @!p0 (xrf1)  }
0x2b: {  	[tilespmem:s25+$0x4080] =	vst.msk @!p0 vm0, v11;
	vm0 =	vgt.s32 @!p1 v9, v10  }
0x2c: {  	s30 =	rddreg [dreg:$0x1];
	[tilespmem:s25+$0x4090] =	vst.msk @!p1 vm0, v8  }
0x2d: {  	[tilespmem:s21], [sflag:$0x1] =	stream.indirect.gather [hbm4b:s30+s19], $0x1, s20, s19, $0xb8;
	[tilespmem:$0x4F00] =	vst v63  }
0x2e: {  	_ =	swait.ge [sflag:s15], $0x20  }
0x2f: {  	[sflag:s15] =	ssyncset.done $0x0  }
0x30: {  	[sflag:s15] =	ssyncadd.s32 $0xFFFFFFE0  }
0x31: {  	v8 =	vld [tilespmem:$0x4E00]  }
0x32: {  	v62 =	vld [tilespmem:$0x4E10];
	_ =	sdelay $0x3  }
0x33: {  	(xrf2) =	vadd.scan.msk.f32 $0xffff, v8  }
0x34: {  	(xrf2) =	vadd.scan.msk.f32 $0xffff, v62;
	_ =	sdelay $0x8  }
0x35: {  	v8, _, _ =	vpop (xrf2)  }
0x36: {  	(v2sf) =	vpush v8, $0xF;
	v8, _, _ =	vpop (xrf2)  }
0x37: {  	(v2sf) =	vpush v8, $0xF;
	_ =	sdelay $0xd  }
0x38: {  	s31 =	spop (v2sf)  }
0x39: {  	v8 =	vmov s24;
	s24 =	sadd.s32 $0x1, s24;
	s1 =	spop (v2sf)  }
0x3a: {  	p0 =	sne.s32 s24, $0x20;
	s0 =	sadd.f32 s1, s31  }
.Ltmp3:
0x3b: {  	_ = 	snop;
	(pc) =	sbr.rel @!p0 .LBB2_42-.Ltmp3, $3  }
0x3c: {  	s0 =	smul.f32 $3.125000000e-02, s0;
	_ =	sdelay $0x1  }
0x3d: {  	v63 =	vmov s0  }
0x3e: {  	[tilespmem:v8+s22+$0x0] =	vst.idx.msk $0x1, v63  }
.LBB2_2:
0x3f: {  	s0 =	sadd.s32 s6, s24  }
0x40: {  	s30 =	sshrl.u32 s0, $0x3  }
0x41: {  	s2 =	sshll.u32 s24, $0x7;
	s1 =	smul.u32 $0x6400, s30  }
0x42: {  	s2 =	sand.u32 $0x380, s2  }
0x43: {  	s1 =	sor.u32 s2, s1  }
0x44: {  	s1 =	sshrl.u32 s1, $0x3  }
0x45: {  	s31 =	simm.s32 $0x80;
	s3 =	simm.s32 $0x400;
	s1 =	sadd.s32 s10, s1  }
0x46: {  	[tilespmem:s11], [sflag:$0x2] =	stream.strided.gather [hbm4b:s1+s31], $0xC80, s3, s31, $0x38;
	[tilespmem:$0x4F00] =	vst v63  }
0x47: {  	_ =	swait.ge [sflag:s12], $0xC80  }
0x48: {  	[sflag:s12] =	ssyncset.done $0x0  }
0x49: {  	s4 =	simm.s32 $0x0;
	[sflag:s12] =	ssyncadd.s32 $0xFFFFF380  }
0x4a: {  	v10 =	vld [tilespmem:s4+$0x4180]  }
0x4b: {  	v8 =	vimm.s32 $0xFFFFFFFF;
	v9 =	vimm.s32 $0x0;
	s1 =	simm.s32 $0x40  }
.LBB2_3:
0x4c: {  	p0 =	sne.s32 s1, $0x30C0  }
.Ltmp4:
0x4d: {  	_ = 	snop;
	(pc) =	sbr.rel @p0 .LBB2_3-.Ltmp4, $4  }
0x4e: {  	_ = 	snop  }
0x4f: {  	s2 =	sshra.s32 s1, $0x2;
	s1 =	sadd.s32 $0x40, s1;
	vm0 =	vlt.s32 v10, $0x0;
	v11 =	vxor.u32 $0xFFFFFFFF, v10;
	v12 =	vor.u32 $0x80000000, v10  }
0x50: {  	v10 =	vld [tilespmem:s2+$0x4180];
	v11 =	vsel vm0, v11, v12  }
0x51: {  	[tilespmem:s4+$0x0] =	vst v11;
	v8 =	vmin.u32 v8, v11;
	v9 =	vmax.u32 v9, v11;
	s4 =	smov.u32 s2  }
0x52: {  	_ =	sdelay $0x2  }
0x53: {  	vm0 =	vlt.s32 v10, $0x0;
	v11 =	vxor.u32 $0xFFFFFFFF, v10;
	v63 =	vor.u32 $0x80000000, v10  }
0x54: {  	v10 =	vsel vm0, v11, v63  }
0x55: {  	v8 =	vmin.u32 v8, v10  }
0x56: {  	v9 =	vmax.u32 v9, v10;
	(xrf0) =	vmin.scan.msk.u32 $0xffff, v8  }
0x57: {  	(xrf0) =	vmax.scan.msk.u32 $0xffff, v9;
	_ =	sdelay $0x4  }
0x58: {  	v8, _, _ =	vpop (xrf0)  }
0x59: {  	(v2sf) =	vpush v8, $0xF;
	v8, _, _ =	vpop (xrf0)  }
0x5a: {  	(v2sf) =	vpush v8, $0xF;
	_ =	sdelay $0xd  }
0x5b: {  	s25 =	spop (v2sf)  }
0x5c: {  	s1 =	spop (v2sf);
	s26 =	sshrl.u32 s25, $0x18  }
0x5d: {  	s28 =	sshrl.u32 s25, $0x10;
	s29 =	sshrl.u32 s25, $0x8;
	s2 =	sshrl.u32 s1, $0x18  }
0x5e: {  	s3 =	sshrl.u32 s1, $0x10;
	p0 =	seq.s32 s26, s2;
	s2 =	simm.s32 $0x10  }
0x5f: {  	s1 =	sshrl.u32 s1, $0x8;
	s2 =	simm.s32 @!p0 $0x18;
	p0 =	seq.s32 s28, s3  }
0x60: {  	s2 =	simm.s32 @p0 $0x8;
	p0 =	seq.s32 s29, s1  }
0x61: {  	s2 =	simm.s32 @p0 $0x0  }
0x62: {  	s23 =	sshll.u32 s13, s2  }
0x63: {  	p0 =	seq.s32 s2, $0x18;
	s3 =	sand.u32 s25, s23  }
0x64: {  	s31 =	simm.s32 $0x0;
	[tilespmem:s4+$0x0] =	vst v10;
	s3 =	simm.s32 @p0 $0x0  }
.LBB2_5:
0x65: {  	[tilespmem:$0x3C80] =	vst v1  }
0x66: {  	[tilespmem:$0x3C90] =	vst v1  }
0x67: {  	[tilespmem:$0x3CA0] =	vst v1  }
0x68: {  	[tilespmem:$0x3CB0] =	vst v1  }
0x69: {  	[tilespmem:$0x3CC0] =	vst v1  }
0x6a: {  	[tilespmem:$0x3CD0] =	vst v1  }
0x6b: {  	[tilespmem:$0x3CE0] =	vst v1  }
0x6c: {  	[tilespmem:$0x3CF0] =	vst v1  }
0x6d: {  	[tilespmem:$0x3D00] =	vst v1  }
0x6e: {  	[tilespmem:$0x3D10] =	vst v1  }
0x6f: {  	[tilespmem:$0x3D20] =	vst v1  }
0x70: {  	[tilespmem:$0x3D30] =	vst v1  }
0x71: {  	[tilespmem:$0x3D40] =	vst v1  }
0x72: {  	[tilespmem:$0x3D50] =	vst v1  }
0x73: {  	[tilespmem:$0x3D60] =	vst v1  }
0x74: {  	s4 =	smov.u32 s2;
	[tilespmem:$0x3D70] =	vst v1;
	v8 =	vmov s3;
	v9 =	vmov s2;
	s1 =	simm.s32 $0x0  }
.LBB2_6:
0x75: {  	s2 =	sshra.s32 s1, $0x2  }
0x76: {  	v10 =	vld [tilespmem:s2+$0x0];
	_ =	sdelay $0x4  }
0x77: {  	v11 =	vsub.s32 v10, v8  }
0x78: {  	v11 =	vshrl.u32 v11, v9  }
0x79: {  	vm0 =	vge.u32 v10, v8;
	vm1 =	vlt.u32 v11, $0x100  }
0x7a: {  	vm0 =	vmand vm0, vm1  }
0x7b: {  	p0 =	sne.s32 s1, $0x30C0;
	v10 =	vmin.u32 v11, $0xFF  }
.Ltmp5:
0x7c: {  	_ = 	snop;
	(pc) =	sbr.rel @p0 .LBB2_6-.Ltmp5, $2  }
0x7d: {  	_ =	sdelay $0x2  }
0x7e: {  	s1 =	sadd.s32 $0x40, s1;
	[tilespmem:v10+s14+$0x0] =	vst.idx.add.s32.msk vm0, v2  }
0x7f: {  	s1 =	simm.s32 $0x0  }
0x80: {  	v8 =	vld [tilespmem:s1+$0x3C80];
	_ =	sdelay $0x4  }
0x81: {  	(xrf0) =	vadd.scan.msk.s32 $0xffff, v8;
	_ =	sdelay $0x5  }
0x82: {  	s2 =	simm.s32 $0x0;
	v8, _, _ =	vpop (xrf0)  }
0x83: {  	v8 =	vadd.s32 s2, v8  }
0x84: {  	v9 =	vxor.u32 $0x80000000, v8  }
0x85: {  	(xrf0) =	vmax.scan.msk.u32 $0xffff, v9;
	_ =	sdelay $0x5  }
0x86: {  	v9, _, _ =	vpop (xrf0)  }
0x87: {  	(v2sf) =	vpush v9, $0xF;
	_ =	sdelay $0x3  }
0x88: {  	s23 =	simm.s32 $0x10;
	s7 =	simm.s32 $0x80;
	[tilespmem:s1+$0x3E00] =	vst v8  }
.LBB2_8:
0x89: {  	p0 =	sne.s32 s7, $0x3C0;
	v8 =	vld [tilespmem:s23+$0x3C80];
	_ =	sdelay $0x4  }
0x8a: {  	(xrf0) =	vadd.scan.msk.s32 $0xffff, v8;
	_ =	sdelay $0x4  }
0x8b: {  	s1 =	spop (v2sf)  }
0x8c: {  	v8, _, _ =	vpop (xrf0);
	s1 =	sxor.u32 $0x80000000, s1  }
0x8d: {  	v8 =	vadd.s32 s1, v8  }
0x8e: {  	[tilespmem:s23+$0x3E00] =	vst v8;
	v8 =	vxor.u32 $0x80000000, v8  }
0x8f: {  	(xrf0) =	vmax.scan.msk.u32 $0xffff, v8;
	_ =	sdelay $0x5  }
0x90: {  	v8, _, _ =	vpop (xrf0)  }
.Ltmp6:
0x91: {  	(v2sf) =	vpush v8, $0xF;
	(pc) =	sbr.rel @p0 .LBB2_8-.Ltmp6, $2  }
0x92: {  	_ =	sdelay $0x2  }
0x93: {  	s23 =	sshra.s32 s7, $0x2;
	s7 =	sadd.s32 $0x40, s7  }
0x94: {  	v8 =	vld [tilespmem:s23+$0x3C80];
	_ =	sdelay $0x4  }
0x95: {  	(xrf0) =	vadd.scan.msk.s32 $0xffff, v8;
	_ =	sdelay $0x4  }
0x96: {  	s1 =	spop (v2sf)  }
0x97: {  	v8, _, _ =	vpop (xrf0);
	s1 =	sxor.u32 $0x80000000, s1  }
0x98: {  	v8 =	vadd.s32 s1, v8  }
0x99: {  	v9 =	vxor.u32 $0x80000000, v8  }
0x9a: {  	(xrf0) =	vmax.scan.msk.u32 $0xffff, v9;
	_ =	sdelay $0x5  }
0x9b: {  	v9, _, _ =	vpop (xrf0)  }
0x9c: {  	(v2sf) =	vpush v9, $0xF;
	_ =	sdelay $0xd  }
0x9d: {  	s8 =	ssub.s32 $0x20, s31;
	s7 =	simm.s32 $0x0;
	s2 =	simm.s32 $0xFF  }
0x9e: {  	s1 =	simm.s32 $0xFF;
	[tilespmem:s23+$0x3E00] =	vst v8;
	s23 =	simm.s32 $0x7;
	s9 =	spop (v2sf)  }
.LBB2_10:
0x9f: {  	s9 =	smov.u32 s2  }
0xa0: {  	p0 =	sne.s32 s23, $0x1;
	s2 =	sand.u32 $0x1, s1  }
0xa1: {  	p1 =	slt.s32 s1, $0x1;
	p2 =	seq.s32 s2, $0x1  }
0xa2: {  	s2 =	sshrl.u32 s1, $0x1F;
	p1 =	por !p1, !p2  }
0xa3: {  	s1 =	sadd.s32 s2, s1;
	s2 =	simm.s32 $0x1;
	p1 =	por !p1, !p1  }
0xa4: {  	s1 =	sshra.s32 s1, $0x1;
	s2 =	simm.s32 @!p1 $0x0  }
0xa5: {  	s2 =	ssub.s32 s1, s2  }
0xa6: {  	v8 =	vld [tilespmem:s2+$0x3E00];
	_ =	sdelay $0x4  }
0xa7: {  	(v2sf) =	vpush v8, $0x0;
	_ =	sdelay $0xd  }
.Ltmp7:
0xa8: {  	(pc) =	sbr.rel @p0 .LBB2_10-.Ltmp7, $4  }
0xa9: {  	s1 =	spop (v2sf)  }
0xaa: {  	p1 =	slt.s32 s1, s8;
	s1 =	sadd.s32 $0x1, s2  }
0xab: {  	s7 =	smov.u32 @p1 s1;
	s2 =	smov.u32 @p1 s9  }
0xac: {  	s23 =	sadd.s32 $0xFFFFFFFF, s23;
	s1 =	sadd.s32 s7, s2  }
0xad: {  	s2 =	sand.u32 $0x1, s1  }
0xae: {  	p0 =	slt.s32 s1, $0x1;
	p1 =	seq.s32 s2, $0x1  }
0xaf: {  	s9 =	sshrl.u32 s1, $0x1F;
	p0 =	por !p0, !p1  }
0xb0: {  	s1 =	sadd.s32 s9, s1;
	s2 =	simm.s32 $0x1;
	p0 =	por !p0, !p0  }
0xb1: {  	s1 =	sshra.s32 s1, $0x1;
	s2 =	simm.s32 @!p0 $0x0  }
0xb2: {  	s1 =	ssub.s32 s1, s2  }
0xb3: {  	v8 =	vld [tilespmem:s1+$0x3E00];
	_ =	sdelay $0x4  }
0xb4: {  	(v2sf) =	vpush v8, $0x0;
	_ =	sdelay $0xe  }
0xb5: {  	s23 =	spop (v2sf)  }
0xb6: {  	s1 =	sadd.s32 $0x1, s1;
	p0 =	slt.s32 s23, s8  }
0xb7: {  	s7 =	smov.u32 @p0 s1  }
0xb8: {  	p0 =	sgt.s32 s7, $0x1;
	s1 =	smov.u32 s7  }
0xb9: {  	s1 =	simm.s32 @!p0 $0x1  }
0xba: {  	v8 =	vld [tilespmem:s1+$0x3DFF]  }
0xbb: {  	v9 =	vld [tilespmem:s7+$0x3E00];
	_ =	sdelay $0x3  }
0xbc: {  	(v2sf) =	vpush v8, $0x0  }
0xbd: {  	(v2sf) =	vpush v9, $0x0;
	_ =	sdelay $0xd  }
0xbe: {  	s1 =	spop (v2sf)  }
0xbf: {  	s9 =	spop (v2sf)  }
0xc0: {  	p0 =	seq.s32 s4, $0x0;
	s2 =	sadd.s32 s31, s9  }
0xc1: {  	p2 =	slt.s32 @!p0 s2, $0x41  }
0xc2: {  	p0 =	por p0, p2  }
.Ltmp8:
0xc3: {  	_ = 	snop;
	(pc) =	sbr.rel @!p0 .LBB2_5-.Ltmp8, $4  }
0xc4: {  	_ = 	snop  }
0xc5: {  	p1 =	sgt.s32 s7, $0x0  }
0xc6: {  	s23 =	sshll.u32 s7, s4;
	s1 =	simm.s32 @!p1 $0x0  }
0xc7: {  	s3 =	sadd.s32 s3, s23;
	s31 =	sadd.s32 s31, s1;
	s2 =	sadd.s32 $0xFFFFFFF8, s4  }
0xc8: {  	s7 =	simm.s32 $0x0  }
0xc9: {  	v9 =	vld [tilespmem:s7+$0x0];
	_ =	sdelay $0x1  }
0xca: {  	s1 =	sshll.u32 s15, s4  }
0xcb: {  	s31 =	sadd.s32 s1, s3  }
0xcc: {  	v8 =	vmov s31  }
0xcd: {  	vm0 =	vlt.u32 v9, v8  }
0xce: {  	v10 =	vsel vm0, $0x1, v1  }
0xcf: {  	(xrf0) =	vadd.scan.msk.s32 $0xffff, v10;
	_ =	sdelay $0x5  }
0xd0: {  	v10, _, _ =	vpop (xrf0)  }
0xd1: {  	(v2sf) =	vpush v10, $0xF;
	_ =	sdelay $0xe  }
0xd2: {  	p0 =	por $0x0, $0x0;
	s1 =	spop (v2sf)  }
0xd3: {  	p1 =	slt.s32 @!p0 s1, $0x1  }
0xd4: {  	s3 =	sadd.s32 $0x0, s1;
	p2 =	por p1, p0  }
0xd5: {  	p0 =	slt.s32 s3, $0x40;
	v10 =	vlaneseq.u32 @!p2  }
0xd6: {  	s8 =	simm.s32 $0x10;
	s23 =	simm.s32 $0x0;
	vm0 =	vlt.u32 @!p2 v9, v8;
	s3 =	simm.s32 @!p0 $0x40;
	v9 =	vor.u32 @!p2 s7, v10  }
.LBB2_13:
0xd7: {  	[tilespmem:s7+$0x3F80] =	vst.msk @!p2 vm0, v9;
	s23 =	sadd.s32 $0x10, s23;
	s1 =	smov.u32 s8;
	s8 =	sadd.s32 $0x10, s8  }
0xd8: {  	s7 =	smov.u32 s3;
	v9 =	vld [tilespmem:s23+$0x0];
	p1 =	seq.s32 s8, $0xC40;
	_ =	sdelay $0x4  }
0xd9: {  	vm0 =	vlt.u32 v9, v8  }
0xda: {  	v10 =	vsel vm0, $0x1, v1  }
0xdb: {  	(xrf0) =	vadd.scan.msk.s32 $0xffff, v10;
	_ =	sdelay $0x5  }
0xdc: {  	v10, _, _ =	vpop (xrf0)  }
0xdd: {  	(v2sf) =	vpush v10, $0xF;
	_ =	sdelay $0xe  }
.Ltmp9:
0xde: {  	p0 =	sgt.s32 s3, $0x3F;
	s2 =	spop (v2sf);
	(pc) =	sbr.rel @!p1 .LBB2_13-.Ltmp9, $4  }
0xdf: {  	p2 =	slt.s32 @!p0 s2, $0x1;
	s4 =	sadd.s32 s3, s2  }
0xe0: {  	p2 =	por p2, p0;
	p0 =	slt.s32 s4, $0x40;
	s3 =	smov.u32 s4  }
0xe1: {  	vm0 =	vlt.u32 @!p2 v9, v8;
	v9 =	vlaneseq.u32 @!p2;
	s3 =	simm.s32 @!p0 $0x40  }
0xe2: {  	v9 =	vor.u32 @!p2 s1, v9  }
0xe3: {  	[tilespmem:s7+$0x3F80] =	vst.msk @!p2 vm0, v9  }
0xe4: {  	v8 =	vld [tilespmem:$0x3F80]  }
0xe5: {  	v9 =	vld [tilespmem:$0x3F90]  }
0xe6: {  	v10 =	vld [tilespmem:$0x3FA0]  }
0xe7: {  	v11 =	vld [tilespmem:$0x3FB0];
	_ =	sdelay $0x1  }
0xe8: {  	s1 =	sand.u32 $0x7, s24;
	v12 =	vmov s3  }
0xe9: {  	p1 =	seq.s32 s0, $0x0;
	p6 =	sne.s32 s1, $0x0;
	vm1 =	vgt.s32 v12, v0;
	vm11 =	vgt.s32 v12, v3;
	vm14 =	vgt.s32 v12, v4  }
0xea: {  	vm15 =	vgt.s32 v12, v5;
	p1 =	por !p1, !p6;
	vm9 =	vgt.s32 v8, $0x0;
	vm10 =	vgt.s32 v9, $0x0  }
0xeb: {  	s0 =	simm.s32 $0x1;
	p1 =	por !p1, !p1;
	vm12 =	vgt.s32 v10, $0x0;
	vm13 =	vgt.s32 v11, $0x0;
	v8 =	vnsel vm9, $0x0, v8  }
0xec: {  	s0 =	simm.s32 @!p1 $0x0;
	v9 =	vnsel vm10, $0x0, v9;
	v10 =	vnsel vm12, $0x0, v10;
	v11 =	vnsel vm13, $0x0, v11  }
0xed: {  	s0 =	ssub.s32 s30, s0;
	v8 =	vmin.u32 v8, $0xC3F;
	v9 =	vmin.u32 v9, $0xC3F;
	v10 =	vmin.u32 v10, $0xC3F  }
0xee: {  	s0 =	smul.u32 $0x310, s0;
	v11 =	vmin.u32 v11, $0xC3F;
	v8 =	vshrl.u32 v8, $0x2;
	v9 =	vshrl.u32 v9, $0x2  }
0xef: {  	v10 =	vshrl.u32 v10, $0x2;
	v11 =	vshrl.u32 v11, $0x2;
	v8 =	vnsel vm1, $0x30F, v8  }
0xf0: {  	v9 =	vnsel vm11, $0x30F, v9;
	v10 =	vnsel vm14, $0x30F, v10;
	v8 =	vadd.s32 s0, v8  }
0xf1: {  	v11 =	vnsel vm15, $0x30F, v11;
	v9 =	vadd.s32 s0, v9;
	v8 =	vshll.u32 v8, $0x3  }
0xf2: {  	p1 =	slt.s32 s4, $0x1;
	v10 =	vadd.s32 s0, v10;
	v9 =	vshll.u32 v9, $0x3;
	v8 =	vor.u32 s1, v8  }
.Ltmp10:
0xf3: {  	v62 =	vadd.s32 s0, v11;
	v61 =	vshll.u32 v10, $0x3;
	[tilespmem:$0x4000] =	vst v8;
	v8 =	vor.u32 s1, v9;
	(pc) =	sbr.rel @p1 .LBB2_21-.Ltmp10, $4  }
0xf4: {  	v63 =	vshll.u32 v62, $0x3;
	[tilespmem:$0x4010] =	vst v8;
	v8 =	vor.u32 s1, v61  }
0xf5: {  	[tilespmem:$0x4020] =	vst v8;
	v8 =	vor.u32 s1, v63  }
0xf6: {  	[tilespmem:$0x4030] =	vst v8  }
0xf7: {  	[tilespmem:s18], [sflag:$0x1] =	stream.indirect.gather [hbm4b:s5+s16], $0x80, s17, s16, $0xb8;
	[tilespmem:$0x4F00] =	vst v63  }
0xf8: {  	s1 =	smov.u32 s4  }
0xf9: {  	s1 =	simm.s32 @!p0 $0x40  }
0xfa: {  	p3 =	sne.s32 s1, $0x1  }
.Ltmp11:
0xfb: {  	_ = 	snop;
	(pc) =	sbr.rel @!p3 .LBB2_16-.Ltmp11, $3  }
0xfc: {  	_ =	sdelay $0x1  }
0xfd: {  	s2 =	simm.s32 $0x3F80  }
0xfe: {  	s0 =	simm.s32 $0x1490;
	p2 =	por $0x0, $0x0;
	v8 =	vld [tilespmem:s2+$0x0];
	s1 =	sadd.s32 $0xFFFFFFFF, s1  }
0xff: {  	_ =	sdelay $0x3  }
0x100: {  	(v2sf) =	vpush v8, $0x0;
	_ =	sdelay $0xe  }
0x101: {  	p3 =	sne.s32 s1, $0x1;
	s2 =	spop (v2sf)  }
.Ltmp12:
0x102: {  	s2 =	sshll.u32 s2, $0x5;
	(pc) =	sbr.rel @!p3 .LBB2_18-.Ltmp12, $4  }
0x103: {  	v8 =	vor.u32 s2, v0;
	s2 =	sor.u32 $0x10, s2  }
0x104: {  	[tilespmem:s0+$0xFFFFFFF0] =	vst v8;
	v8 =	vor.u32 s2, v0  }
0x105: {  	s8 =	simm.s32 $0x3F81;
	[tilespmem:s0+$0x0] =	vst v8  }
0x106: {  	s23 =	sadd.s32 $0xFFFFFFFF, s1;
	p2 =	por $0x1, $0x1;
	s7 =	simm.s32 $0x1490;
	v8 =	vld [tilespmem:s8+$0x0]  }
.LBB2_19:
0x107: {  	p3 =	sne.s32 s23, $0x1;
	_ =	sdelay $0x3  }
0x108: {  	(v2sf) =	vpush v8, $0x0;
	_ =	sdelay $0xe  }
0x109: {  	s1 =	spop (v2sf)  }
.Ltmp13:
0x10a: {  	s1 =	sshll.u32 s1, $0x5;
	(pc) =	sbr.rel @p3 .LBB2_19-.Ltmp13, $4  }
0x10b: {  	s7 =	sadd.s32 $0x20, s7;
	v8 =	vor.u32 s1, v0;
	s1 =	sor.u32 $0x10, s1  }
0x10c: {  	[tilespmem:s7+$0xFFFFFFF0] =	vst v8;
	v8 =	vor.u32 s1, v0  }
0x10d: {  	s8 =	sadd.s32 $0x1, s8;
	[tilespmem:s7+$0x0] =	vst v8  }
0x10e: {  	s23 =	sadd.s32 $0xFFFFFFFF, s23;
	v8 =	vld [tilespmem:s8+$0x0]  }
.LBB2_20:
0x10f: {  	_ =	sdelay $0x3  }
0x110: {  	(v2sf) =	vpush v8, $0x0;
	_ =	sdelay $0xe  }
0x111: {  	s1 =	spop (v2sf)  }
0x112: {  	s2 =	sadd.s32 @p2 $0x20, s7;
	s1 =	sshll.u32 s1, $0x5  }
0x113: {  	s0 =	smov.u32 @p2 s2;
	v8 =	vor.u32 s1, v0;
	s1 =	sor.u32 $0x10, s1  }
0x114: {  	[tilespmem:s0+$0xFFFFFFF0] =	vst v8;
	v8 =	vor.u32 s1, v0  }
0x115: {  	[tilespmem:s0+$0x0] =	vst v8  }
.LBB2_21:
.Ltmp14:
0x116: {  	(pc) =	sbr.rel @p1 .LBB2_28-.Ltmp14, $4  }
0x117: {  	_ = 	snop  }
0x118: {  	_ =	swait.ge [sflag:s15], $0x2000  }
0x119: {  	[sflag:s15] =	ssyncset.done $0x0  }
0x11a: {  	[sflag:s15] =	ssyncadd.s32 $0xFFFFE000  }
0x11b: {  	s4 =	simm.s32 @!p0 $0x40  }
0x11c: {  	p1 =	sne.s32 s4, $0x1  }
.Ltmp15:
0x11d: {  	_ = 	snop;
	(pc) =	sbr.rel @!p1 .LBB2_23-.Ltmp15, $3  }
0x11e: {  	_ =	sdelay $0x1  }
0x11f: {  	s1 =	simm.s32 $0x3F80;
	s30 =	simm.s32 $0x1C80  }
0x120: {  	s0 =	simm.s32 $0xC90;
	p0 =	por $0x0, $0x0;
	v8 =	vld [tilespmem:s1+$0x0];
	s1 =	sadd.s32 $0xFFFFFFFF, s4  }
0x121: {  	_ =	sdelay $0x3  }
0x122: {  	(v2sf) =	vpush v8, $0x0;
	_ =	sdelay $0xe  }
0x123: {  	s2 =	spop (v2sf)  }
0x124: {  	s2 =	sand.u32 $0x3, s2  }
0x125: {  	s2 =	sshll.u32 s2, $0x5  }
0x126: {  	s2 =	sadd.s32 $0x1C80, s2  }
0x127: {  	v8 =	vld [tilespmem:s2+$0x0];
	_ =	sdelay $0x4  }
0x128: {  	vm0 =	vlt.s32 v8, $0x0;
	v9 =	vxor.u32 $0xFFFFFFFF, v8;
	v8 =	vor.u32 $0x80000000, v8  }
0x129: {  	v8 =	vsel vm0, v9, v8  }
0x12a: {  	[tilespmem:s0+$0xFFFFFFF0] =	vst v8  }
0x12b: {  	v8 =	vld [tilespmem:s2+$0x10];
	_ =	sdelay $0x2  }
0x12c: {  	p1 =	sne.s32 s1, $0x1  }
.Ltmp16:
0x12d: {  	_ = 	snop;
	(pc) =	sbr.rel @!p1 .LBB2_25-.Ltmp16, $4  }
0x12e: {  	vm15 =	vlt.s32 v8, $0x0;
	v9 =	vxor.u32 $0xFFFFFFFF, v8;
	v8 =	vor.u32 $0x80000000, v8  }
0x12f: {  	v8 =	vsel vm15, v9, v8  }
0x130: {  	s8 =	simm.s32 $0x3F81;
	s23 =	sadd.s32 $0xFFFFFFFF, s1;
	[tilespmem:s0+$0x0] =	vst v8  }
0x131: {  	p0 =	por $0x1, $0x1;
	s7 =	simm.s32 $0x1C80;
	s4 =	simm.s32 $0xC90;
	v8 =	vld [tilespmem:s8+$0x0]  }
.LBB2_26:
0x132: {  	p1 =	sne.s32 s23, $0x1;
	_ =	sdelay $0x3  }
0x133: {  	(v2sf) =	vpush v8, $0x0;
	_ =	sdelay $0xe  }
0x134: {  	s1 =	spop (v2sf)  }
0x135: {  	s1 =	sand.u32 $0x3, s1  }
0x136: {  	s7 =	sadd.s32 $0x80, s7;
	s1 =	sshll.u32 s1, $0x5  }
0x137: {  	s1 =	sadd.s32 s1, s7  }
0x138: {  	v8 =	vld [tilespmem:s1+$0x0];
	_ =	sdelay $0x4  }
0x139: {  	vm0 =	vlt.s32 v8, $0x0;
	v9 =	vxor.u32 $0xFFFFFFFF, v8;
	v8 =	vor.u32 $0x80000000, v8  }
0x13a: {  	s4 =	sadd.s32 $0x20, s4;
	v8 =	vsel vm0, v9, v8  }
0x13b: {  	[tilespmem:s4+$0xFFFFFFF0] =	vst v8  }
0x13c: {  	v8 =	vld [tilespmem:s1+$0x10];
	_ =	sdelay $0x3  }
.Ltmp17:
0x13d: {  	(pc) =	sbr.rel @p1 .LBB2_26-.Ltmp17, $4  }
0x13e: {  	vm0 =	vlt.s32 v8, $0x0;
	v9 =	vxor.u32 $0xFFFFFFFF, v8;
	v8 =	vor.u32 $0x80000000, v8  }
0x13f: {  	v8 =	vsel vm0, v9, v8  }
0x140: {  	s8 =	sadd.s32 $0x1, s8;
	[tilespmem:s4+$0x0] =	vst v8  }
0x141: {  	s23 =	sadd.s32 $0xFFFFFFFF, s23;
	v8 =	vld [tilespmem:s8+$0x0]  }
.LBB2_27:
0x142: {  	_ =	sdelay $0x3  }
0x143: {  	(v2sf) =	vpush v8, $0x0;
	_ =	sdelay $0xe  }
0x144: {  	s1 =	spop (v2sf)  }
0x145: {  	s2 =	sadd.s32 @p0 $0x80, s7;
	s1 =	sand.u32 $0x3, s1  }
0x146: {  	s30 =	smov.u32 @p0 s2;
	s1 =	sshll.u32 s1, $0x5  }
0x147: {  	s1 =	sadd.s32 s1, s30  }
0x148: {  	v8 =	vld [tilespmem:s1+$0x0];
	_ =	sdelay $0x4  }
0x149: {  	s2 =	sadd.s32 @p0 $0x20, s4;
	vm0 =	vlt.s32 v8, $0x0;
	v9 =	vxor.u32 $0xFFFFFFFF, v8;
	v8 =	vor.u32 $0x80000000, v8  }
0x14a: {  	s0 =	smov.u32 @p0 s2;
	v8 =	vsel vm0, v9, v8  }
0x14b: {  	[tilespmem:s0+$0xFFFFFFF0] =	vst v8  }
0x14c: {  	v8 =	vld [tilespmem:s1+$0x10];
	_ =	sdelay $0x4  }
0x14d: {  	vm15 =	vlt.s32 v8, $0x0;
	v63 =	vxor.u32 $0xFFFFFFFF, v8;
	v8 =	vor.u32 $0x80000000, v8  }
0x14e: {  	v8 =	vsel vm15, v63, v8  }
0x14f: {  	[tilespmem:s0+$0x0] =	vst v8  }
.LBB2_28:
0x150: {  	s0 =	sadd.s32 $0xFFFFFFFF, s31  }
0x151: {  	s1 =	sshrl.u32 s0, $0x18  }
0x152: {  	s30 =	sshrl.u32 s0, $0x10;
	p0 =	seq.s32 s26, s1;
	s26 =	simm.s32 $0x10  }
0x153: {  	s0 =	sshrl.u32 s0, $0x8;
	s26 =	simm.s32 @!p0 $0x18;
	p0 =	seq.s32 s28, s30  }
0x154: {  	s26 =	simm.s32 @p0 $0x8;
	p0 =	seq.s32 s29, s0  }
0x155: {  	s26 =	simm.s32 @p0 $0x0  }
0x156: {  	s31 =	sshll.u32 s13, s26  }
0x157: {  	s0 =	sshll.u32 s3, $0x1;
	p0 =	seq.s32 s26, $0x18;
	s3 =	sand.u32 s25, s31  }
0x158: {  	s25 =	simm.s32 $0x0;
	s3 =	simm.s32 @p0 $0x0;
	p0 =	slt.s32 s0, $0x1  }
.LBB2_29:
0x159: {  	[tilespmem:$0x3C80] =	vst v1  }
0x15a: {  	[tilespmem:$0x3C90] =	vst v1  }
0x15b: {  	[tilespmem:$0x3CA0] =	vst v1  }
0x15c: {  	[tilespmem:$0x3CB0] =	vst v1  }
0x15d: {  	[tilespmem:$0x3CC0] =	vst v1  }
0x15e: {  	[tilespmem:$0x3CD0] =	vst v1  }
0x15f: {  	[tilespmem:$0x3CE0] =	vst v1  }
0x160: {  	[tilespmem:$0x3CF0] =	vst v1  }
0x161: {  	[tilespmem:$0x3D00] =	vst v1  }
0x162: {  	[tilespmem:$0x3D10] =	vst v1  }
0x163: {  	[tilespmem:$0x3D20] =	vst v1  }
.Ltmp18:
0x164: {  	[tilespmem:$0x3D30] =	vst v1;
	(pc) =	sbr.rel @p0 .LBB2_33-.Ltmp18, $4  }
0x165: {  	[tilespmem:$0x3D40] =	vst v1  }
0x166: {  	[tilespmem:$0x3D50] =	vst v1  }
0x167: {  	[tilespmem:$0x3D60] =	vst v1  }
0x168: {  	[tilespmem:$0x3D70] =	vst v1  }
0x169: {  	p1 =	sne.s32 s0, $0x1  }
.Ltmp19:
0x16a: {  	_ = 	snop;
	(pc) =	sbr.rel @!p1 .LBB2_32-.Ltmp19, $3  }
0x16b: {  	_ =	sdelay $0x1  }
0x16c: {  	s2 =	simm.s32 $0xC80  }
0x16d: {  	v8 =	vmov s3;
	v9 =	vmov s26;
	s4 =	sadd.s32 $0xFFFFFFFF, s0;
	v10 =	vld [tilespmem:s2+$0x0]  }
.LBB2_31:
0x16e: {  	p1 =	sne.s32 s4, $0x1;
	_ =	sdelay $0x3  }
0x16f: {  	v11 =	vsub.s32 v10, v8  }
0x170: {  	v11 =	vshrl.u32 v11, v9  }
0x171: {  	vm0 =	vge.u32 v10, v8;
	vm1 =	vlt.u32 v11, $0x100  }
0x172: {  	vm0 =	vmand vm0, vm1  }
0x173: {  	v10 =	vmin.u32 v11, $0xFF;
	_ =	sdelay $0x1  }
.Ltmp20:
0x174: {  	(pc) =	sbr.rel @p1 .LBB2_31-.Ltmp20, $3  }
0x175: {  	_ =	sdelay $0x1  }
0x176: {  	s2 =	sadd.s32 $0x10, s2;
	[tilespmem:v10+s14+$0x0] =	vst.idx.add.s32.msk vm0, v2  }
0x177: {  	s4 =	sadd.s32 $0xFFFFFFFF, s4;
	v10 =	vld [tilespmem:s2+$0x0]  }
.LBB2_32:
0x178: {  	_ =	sdelay $0x3  }
0x179: {  	v11 =	vsub.s32 v10, v8  }
0x17a: {  	v9 =	vshrl.u32 v11, v9  }
0x17b: {  	vm0 =	vge.u32 v10, v8;
	vm1 =	vlt.u32 v9, $0x100  }
0x17c: {  	vm0 =	vmand vm0, vm1  }
0x17d: {  	v8 =	vmin.u32 v9, $0xFF;
	_ =	sdelay $0x4  }
0x17e: {  	[tilespmem:v8+s14+$0x0] =	vst.idx.add.s32.msk vm0, v2  }
.LBB2_33:
0x17f: {  	s1 =	simm.s32 $0x0  }
0x180: {  	v8 =	vld [tilespmem:s1+$0x3C80];
	_ =	sdelay $0x4  }
0x181: {  	(xrf0) =	vadd.scan.msk.s32 $0xffff, v8;
	_ =	sdelay $0x5  }
0x182: {  	s4 =	simm.s32 $0x0;
	v8, _, _ =	vpop (xrf0)  }
0x183: {  	v8 =	vadd.s32 s4, v8  }
0x184: {  	v9 =	vxor.u32 $0x80000000, v8  }
0x185: {  	(xrf0) =	vmax.scan.msk.u32 $0xffff, v9;
	_ =	sdelay $0x5  }
0x186: {  	v9, _, _ =	vpop (xrf0)  }
0x187: {  	(v2sf) =	vpush v9, $0xF;
	_ =	sdelay $0x3  }
0x188: {  	s28 =	ssub.s32 $0x20, s25;
	s2 =	simm.s32 $0x10;
	s7 =	simm.s32 $0x80;
	[tilespmem:s1+$0x3E00] =	vst v8  }
.LBB2_34:
0x189: {  	p1 =	sne.s32 s7, $0x3C0;
	v8 =	vld [tilespmem:s2+$0x3C80];
	_ =	sdelay $0x4  }
0x18a: {  	(xrf0) =	vadd.scan.msk.s32 $0xffff, v8;
	_ =	sdelay $0x4  }
0x18b: {  	s1 =	spop (v2sf)  }
0x18c: {  	v8, _, _ =	vpop (xrf0);
	s1 =	sxor.u32 $0x80000000, s1  }
0x18d: {  	v8 =	vadd.s32 s1, v8  }
0x18e: {  	[tilespmem:s2+$0x3E00] =	vst v8;
	v8 =	vxor.u32 $0x80000000, v8  }
0x18f: {  	(xrf0) =	vmax.scan.msk.u32 $0xffff, v8;
	_ =	sdelay $0x5  }
0x190: {  	v8, _, _ =	vpop (xrf0)  }
.Ltmp21:
0x191: {  	(v2sf) =	vpush v8, $0xF;
	(pc) =	sbr.rel @p1 .LBB2_34-.Ltmp21, $2  }
0x192: {  	_ =	sdelay $0x2  }
0x193: {  	s2 =	sshra.s32 s7, $0x2;
	s7 =	sadd.s32 $0x40, s7  }
0x194: {  	v8 =	vld [tilespmem:s2+$0x3C80];
	_ =	sdelay $0x4  }
0x195: {  	(xrf0) =	vadd.scan.msk.s32 $0xffff, v8;
	_ =	sdelay $0x4  }
0x196: {  	s1 =	spop (v2sf)  }
0x197: {  	v8, _, _ =	vpop (xrf0);
	s1 =	sxor.u32 $0x80000000, s1  }
0x198: {  	v8 =	vadd.s32 s1, v8  }
0x199: {  	v9 =	vxor.u32 $0x80000000, v8  }
0x19a: {  	(xrf0) =	vmax.scan.msk.u32 $0xffff, v9;
	_ =	sdelay $0x5  }
0x19b: {  	v9, _, _ =	vpop (xrf0)  }
0x19c: {  	(v2sf) =	vpush v9, $0xF;
	_ =	sdelay $0xd  }
0x19d: {  	s7 =	simm.s32 $0x7  }
0x19e: {  	s1 =	simm.s32 $0xFF;
	[tilespmem:s2+$0x3E00] =	vst v8;
	s2 =	simm.s32 $0xFF;
	s31 =	spop (v2sf)  }
.LBB2_36:
0x19f: {  	s8 =	smov.u32 s2  }
0x1a0: {  	p1 =	sne.s32 s7, $0x1;
	s2 =	sand.u32 $0x1, s1  }
0x1a1: {  	p2 =	slt.s32 s1, $0x1;
	p3 =	seq.s32 s2, $0x1  }
0x1a2: {  	s2 =	sshrl.u32 s1, $0x1F;
	p2 =	por !p2, !p3  }
0x1a3: {  	s1 =	sadd.s32 s2, s1;
	s2 =	simm.s32 $0x1;
	p2 =	por !p2, !p2  }
0x1a4: {  	s1 =	sshra.s32 s1, $0x1;
	s2 =	simm.s32 @!p2 $0x0  }
0x1a5: {  	s2 =	ssub.s32 s1, s2  }
0x1a6: {  	v8 =	vld [tilespmem:s2+$0x3E00];
	_ =	sdelay $0x4  }
0x1a7: {  	(v2sf) =	vpush v8, $0x0;
	_ =	sdelay $0xd  }
.Ltmp22:
0x1a8: {  	(pc) =	sbr.rel @p1 .LBB2_36-.Ltmp22, $4  }
0x1a9: {  	s1 =	spop (v2sf)  }
0x1aa: {  	p2 =	slt.s32 s1, s28;
	s1 =	sadd.s32 $0x1, s2  }
0x1ab: {  	s4 =	smov.u32 @p2 s1;
	s2 =	smov.u32 @p2 s8  }
0x1ac: {  	s7 =	sadd.s32 $0xFFFFFFFF, s7;
	s1 =	sadd.s32 s4, s2  }
0x1ad: {  	s2 =	sand.u32 $0x1, s1  }
0x1ae: {  	p1 =	slt.s32 s1, $0x1;
	p2 =	seq.s32 s2, $0x1  }
0x1af: {  	s29 =	sshrl.u32 s1, $0x1F;
	p1 =	por !p1, !p2  }
0x1b0: {  	s1 =	sadd.s32 s29, s1;
	s2 =	simm.s32 $0x1;
	p1 =	por !p1, !p1  }
0x1b1: {  	s1 =	sshra.s32 s1, $0x1;
	s2 =	simm.s32 @!p1 $0x0  }
0x1b2: {  	s1 =	ssub.s32 s1, s2  }
0x1b3: {  	v8 =	vld [tilespmem:s1+$0x3E00];
	_ =	sdelay $0x4  }
0x1b4: {  	(v2sf) =	vpush v8, $0x0;
	_ =	sdelay $0xe  }
0x1b5: {  	s30 =	spop (v2sf)  }
0x1b6: {  	s1 =	sadd.s32 $0x1, s1;
	p1 =	slt.s32 s30, s28  }
0x1b7: {  	s4 =	smov.u32 @p1 s1  }
0x1b8: {  	p2 =	sgt.s32 s4, $0x1  }
0x1b9: {  	p1 =	sgt.s32 s4, $0x0;
	s1 =	sshll.u32 s4, s26;
	s4 =	simm.s32 @!p2 $0x1  }
0x1ba: {  	v8 =	vld [tilespmem:s4+$0x3DFF];
	_ =	sdelay $0x4  }
0x1bb: {  	(v2sf) =	vpush v8, $0x0;
	_ =	sdelay $0xe  }
0x1bc: {  	s2 =	spop (v2sf)  }
0x1bd: {  	s2 =	simm.s32 @!p1 $0x0;
	p1 =	sgt.s32 s26, $0x7  }
.Ltmp23:
0x1be: {  	_ = 	snop;
	(pc) =	sbr.rel @p1 .LBB2_29-.Ltmp23, $3  }
0x1bf: {  	_ =	sdelay $0x1  }
0x1c0: {  	s31 =	sadd.s32 $0xFFFFFFF8, s26  }
0x1c1: {  	s3 =	sadd.s32 s3, s1;
	s26 =	smov.u32 s31;
	s25 =	sadd.s32 s25, s2  }
.Ltmp24:
0x1c2: {  	(pc) =	sbr.rel @p0 .LBB2_41-.Ltmp24, $4  }
0x1c3: {  	_ = 	snop  }
0x1c4: {  	[tilespmem:$0x4100] =	vst v6  }
0x1c5: {  	[tilespmem:$0x4110] =	vst v6  }
0x1c6: {  	[tilespmem:$0x4120] =	vst v6  }
0x1c7: {  	s1 =	simm.s32 $0xC80  }
0x1c8: {  	v9 =	vld [tilespmem:s1+$0x0];
	_ =	sdelay $0x3  }
0x1c9: {  	v8 =	vmov s3  }
0x1ca: {  	vm0 =	vlt.u32 v9, v8  }
0x1cb: {  	vm1 =	veq.s32 v9, v8;
	v10 =	vsel vm0, $0x1, v1  }
0x1cc: {  	v11 =	vsel vm1, $0x1, v1;
	(xrf0) =	vadd.scan.msk.s32 $0xffff, v10  }
0x1cd: {  	(xrf0) =	vadd.scan.msk.s32 $0xffff, v11;
	_ =	sdelay $0x4  }
0x1ce: {  	v10, _, _ =	vpop (xrf0)  }
0x1cf: {  	(v2sf) =	vpush v10, $0xF;
	v10, _, _ =	vpop (xrf0)  }
0x1d0: {  	(v2sf) =	vpush v10, $0xF;
	_ =	sdelay $0xd  }
0x1d1: {  	s31 =	spop (v2sf)  }
0x1d2: {  	s3 =	simm.s32 $0x1480;
	p0 =	por $0x0, $0x0;
	s2 =	spop (v2sf)  }
0x1d3: {  	s0 =	sadd.s32 $0xFFFFFFFF, s0;
	v10 =	vld [tilespmem:s3+$0x0];
	p2 =	slt.s32 @!p0 s2, $0x1  }
0x1d4: {  	p0 =	por p2, p0;
	p2 =	sne.s32 s0, $0x0  }
.Ltmp25:
0x1d5: {  	_ = 	snop;
	(pc) =	sbr.rel @!p2 .LBB2_41-.Ltmp25, $4  }
0x1d6: {  	p1 =	slt.s32 s31, $0x1  }
0x1d7: {  	s8 =	simm.s32 $0x0;
	s4 =	sadd.s32 $0x0, s2;
	vm0 =	vlt.u32 @!p1 v9, v8  }
0x1d8: {  	p3 =	slt.s32 s4, $0x20;
	[tilespmem:s8+$0x4080] =	vst.msk @!p1 vm0, v10;
	vm0 =	veq.s32 @!p0 v9, v8  }
0x1d9: {  	s7 =	sadd.s32 $0x0, s31;
	s4 =	simm.s32 @!p3 $0x20;
	[tilespmem:s8+$0x4100] =	vst.msk @!p0 vm0, v10;
	s8 =	simm.s32 $0xC90  }
.LBB2_40:
0x1da: {  	v9 =	vld [tilespmem:s8+$0x0];
	s1 =	smov.u32 s7;
	s2 =	smov.u32 s4  }
0x1db: {  	s0 =	sadd.s32 $0xFFFFFFFF, s0  }
0x1dc: {  	p0 =	sne.s32 s0, $0x0;
	_ =	sdelay $0x2  }
0x1dd: {  	vm0 =	vlt.u32 v9, v8  }
0x1de: {  	vm1 =	veq.s32 v9, v8;
	v10 =	vsel vm0, $0x1, v1  }
0x1df: {  	v11 =	vsel vm1, $0x1, v1;
	(xrf0) =	vadd.scan.msk.s32 $0xffff, v10  }
0x1e0: {  	(xrf0) =	vadd.scan.msk.s32 $0xffff, v11;
	_ =	sdelay $0x4  }
0x1e1: {  	v10, _, _ =	vpop (xrf0)  }
0x1e2: {  	(v2sf) =	vpush v10, $0xF;
	v10, _, _ =	vpop (xrf0)  }
0x1e3: {  	(v2sf) =	vpush v10, $0xF;
	_ =	sdelay $0xb  }
0x1e4: {  	s3 =	sadd.s32 $0x10, s3  }
0x1e5: {  	v10 =	vld [tilespmem:s3+$0x0]  }
0x1e6: {  	p1 =	sgt.s32 s4, $0x1F;
	s9 =	spop (v2sf)  }
.Ltmp26:
0x1e7: {  	s7 =	sadd.s32 s7, s9;
	s23 =	spop (v2sf);
	(pc) =	sbr.rel @p0 .LBB2_40-.Ltmp26, $4  }
0x1e8: {  	p2 =	slt.s32 s9, $0x1;
	p3 =	slt.s32 @!p1 s23, $0x1;
	s4 =	sadd.s32 s4, s23  }
0x1e9: {  	vm0 =	vlt.u32 @!p2 v9, v8;
	p1 =	por p3, p1;
	p3 =	slt.s32 s4, $0x20  }
0x1ea: {  	[tilespmem:s1+$0x4080] =	vst.msk @!p2 vm0, v10;
	vm0 =	veq.s32 @!p1 v9, v8;
	s4 =	simm.s32 @!p3 $0x20  }
0x1eb: {  	s8 =	sadd.s32 $0x10, s8;
	[tilespmem:s2+$0x4100] =	vst.msk @!p1 vm0, v10  }
.Ltmp27:
0x1ec: {  	_ = 	snop;
	(pc) =	sbr.rel .LBB2_41-.Ltmp27, $1  }
0x1ed: {  	_ =	sdelay $0x3  }
.LBB2_16:
.Ltmp28:
0x1ee: {  	(pc) =	sbr.rel .LBB2_20-.Ltmp28, $2  }
0x1ef: {  	_ =	sdelay $0x2  }
0x1f0: {  	s7 =	simm.s32 $0x1490  }
.LBB2_23:
.Ltmp29:
0x1f1: {  	(pc) =	sbr.rel .LBB2_27-.Ltmp29, $2  }
0x1f2: {  	_ =	sdelay $0x2  }
0x1f3: {  	s7 =	simm.s32 $0x1C80;
	s4 =	simm.s32 $0xC90  }
.LBB2_18:
.Ltmp30:
0x1f4: {  	(pc) =	sbr.rel .LBB2_20-.Ltmp30, $2  }
0x1f5: {  	_ =	sdelay $0x2  }
0x1f6: {  	s7 =	simm.s32 $0x1490  }
.LBB2_25:
.Ltmp31:
0x1f7: {  	(pc) =	sbr.rel .LBB2_27-.Ltmp31, $2  }
0x1f8: {  	_ =	sdelay $0x2  }
0x1f9: {  	s7 =	simm.s32 $0x1C80;
	s4 =	simm.s32 $0xC90  }
.LBB2_43:
0x1fa: {  	_ =	sfence.sel $0x180000  }
0x1fb: {  	[bflag:$0x0] =	sbarrier.arrive $0xFFFF  }
0x1fc: {  	_ =	strace $0x90000047  }
0x1fd: {  	s0 =	stileid.u32;
	[bflag:$0x2] =	sbarrier.arrive $0xFFFF  }
0x1fe: {  	p0 =	sne.s32 s0, $0x0;
	s0 =	rddreg [dreg:$0x3]  }
0x1ff: {  	s0 =	sadd.s32 @!p0 $0x100000, s0  }
0x200: {  	[sflag:s0] =	ssyncadd.tile.s32 @!p0 $0x1;
	_ =	shalt  }
.Lfunc_end2:
_tile_overlayer_lowered:
.L_overlay_start_2:
0x201: {  	(tag) =	ssettag $0x2  }
0x202: {  	s0 =	rddreg [dreg:$0x0];
	s2 =	stileid.u32  }
0x203: {  	s1 =	rddreg [dreg:$0x1];
	p0 =	sne.s32 s2, $0x0  }
0x204: {  	s3 =	rddreg [dreg:$0x2];
	[bflag:$0x3] =	sbarrier.arrive $0xFFFF;
	s2 =	simm.s32 @!p0 $0x1C02  }
0x205: {  	[timem:s3], [sflag:s2] =	dma.local @!p0 [hbm:s0], s1  }
0x206: {  	s0 =	simm.s32 @!p0 $0x2  }
0x207: {  	_ =	swait.ge @!p0 [sflag:s0], s1  }
0x208: {  	s1 =	ssub.s32 @!p0 $0x0, s1;
	[sflag:s0] =	ssyncset.done @!p0 $0x0  }
0x209: {  	[sflag:s0] =	ssyncadd.s32 @!p0 s1  }
0x20a: {  	[bflag:$0x3] =	sbarrier.arrive $0xFFFF  }
0x20b: {  	_ =	shalt  }

</sc_bundles>
